<compile_context>
chip_gen: v7x
topology: tpu7x:2x2x1
jax: 0.10.2.dev20260603
libtpu: 0.0.44.dev20260713+nightly
codegen_flags: <defaults>
</compile_context>

<pallas_src>
import functools

import jax
import jax.numpy as jnp
from jax import lax
from jax.experimental import pallas as pl
from jax.experimental.pallas import tpu as pltpu
from jax.experimental.pallas import tpu_sc as plsc

F32 = jnp.float32


def _sc_gather_rows(table, idx_flat):
    d = table.shape[1]
    nw = 32
    nch = idx_flat.shape[0] // (nw * 128)
    idx3d = idx_flat.reshape(nw, nch, 128)
    mesh = plsc.VectorSubcoreMesh(core_axis_name="c", subcore_axis_name="s")

    @functools.partial(
        pl.kernel, mesh=mesh,
        out_type=jax.ShapeDtypeStruct((idx_flat.shape[0], d), table.dtype),
        scratch_types=[pltpu.VMEM((nch, 128), jnp.int32),
                       pltpu.VMEM((128, d), table.dtype),
                       pltpu.SemaphoreType.DMA],
    )
    def gk(table_hbm, idx_hbm, out_hbm, idx_v, buf, sem):
        wid = lax.axis_index("s") * 2 + lax.axis_index("c")
        pltpu.sync_copy(idx_hbm.at[wid], idx_v)
        base = wid * (nch * 128)

        def body(c, carry):
            pltpu.async_copy(table_hbm.at[idx_v.at[c]], buf, sem).wait()
            pltpu.sync_copy(buf, out_hbm.at[pl.ds(base + c * 128, 128)])
            return carry

        lax.fori_loop(0, nch, body, 0)

    return gk(table, idx3d)

_DOT = functools.partial(lax.dot_general, precision=lax.Precision.HIGHEST,
                         preferred_element_type=F32)


def _mm(a, b):
    return _DOT(a, b, (((a.ndim - 1,), (0,)), ((), ())))


def _pcall(*args, **kwargs):
    return pl.pallas_call(*args, **kwargs)


def _rows3(v):
    return v[0:1], v[1:2], v[2:3]


def _k1_body(hn3, pf3, he3, hnl, hetor, pfl, pfr,
             Wn1, We1, Wn2, We2, Wr, Wsc, b1, W2, b2,
             Wg1, bg1, Wg2, bg2, mW, mb,
             offs, coeff,
             msg_o, tq_o, u_o, *, bt, nt, h2):
    lt = jnp.transpose(pfl[...], (1, 0))
    rt = jnp.transpose(pfr[...], (1, 0))
    lx, ly, lz = _rows3(lt)
    rx, ry, rz = _rows3(rt)
    bx, by, bz = lx - rx, ly - ry, lz - rz
    lenb = jnp.sqrt(bx * bx + by * by + bz * bz)
    inv = 1.0 / (lenb + 1e-6)
    ux, uy, uz = bx * inv, by * inv, bz * inv
    u_o[...] = jnp.concatenate([ux, uy, uz], axis=0)
    pre_l = _mm(hnl[...], Wn2[...]) + _mm(hetor[...], We2[...])
    co = coeff[0, 0]
    geos = []
    xgs = []
    for k in range(3):
        hn = hn3[k]
        he = he3[k]
        pft = jnp.transpose(pf3[k], (1, 0))
        px, py, pz = _rows3(pft)
        fx, fy, fz = pft[3:4], pft[4:5], pft[5:6]
        vtx, vty, vtz = px - lx, py - ly, pz - lz
        d = vtx * ux + vty * uy + vtz * uz
        wx, wy, wz = vtx - d * ux, vty - d * uy, vtz - d * uz
        lrad = jnp.sqrt(wx * wx + wy * wy + wz * wz)
        df = fx * ux + fy * uy + fz * uz
        tx, ty, tz = fx - df * ux, fy - df * uy, fz - df * uz
        cx = wy * tz - wz * ty
        cy = wz * tx - wx * tz
        cz = wx * ty - wy * tx
        nf = jnp.sqrt(fx * fx + fy * fy + fz * fz)
        ng = jnp.sqrt(tx * tx + ty * ty + tz * tz)
        nq = jnp.sqrt(cx * cx + cy * cy + cz * cz)
        tr = jnp.transpose(jnp.concatenate([lrad, nf, ng, nq], axis=0), (1, 0))
        hrad = jnp.exp(co * (tr[:, 0:1] - offs[...]) ** 2)
        pre = (_mm(hn, Wn1[...]) + _mm(he, We1[...]) + pre_l + _mm(hrad, Wr[...])
               + _mm(tr[:, 1:4], Wsc[...]) + b1[...])
        w = _mm(jnp.maximum(pre, 0.0), W2[...]) + b2[...]
        wt = jnp.transpose(w, (1, 0))
        geos.append((cx * wt, cy * wt, cz * wt))
        xgs.append(jnp.concatenate([hn, he], axis=1))
    xg = jnp.concatenate(xgs, axis=0)
    y = jnp.maximum(_mm(xg, Wg1[...]) + bg1[...], 0.0)
    z = _mm(y, Wg2[...]) + bg2[...]
    m = _mm(z[:, h2:2 * h2] * z[:, 0:h2], mW[...]) + mb[...]
    m = m * jax.nn.sigmoid(z[:, 2 * h2:3 * h2])
    tqx = tqy = tqz = msgs = None
    for k in range(3):
        qx, qy, qz = geos[k]
        mk = m[k * bt:(k + 1) * bt]
        if k == 0:
            tqx, tqy, tqz, msgs = qx, qy, qz, mk
        else:
            tqx, tqy, tqz, msgs = tqx + qx, tqy + qy, tqz + qz, msgs + mk
    tq_o[...] = jnp.concatenate([tqx, tqy, tqz], axis=0) / 3.0
    rid = pl.program_id(0) * bt + lax.broadcasted_iota(jnp.int32, (bt, 1), 0)
    msg_o[...] = jnp.where(rid < nt, msgs, 0.0)


def _k2_body(hn, aggr, centW, centb, lng, lnb, outW, outb, anW1n, ah_o):
    out = _mm(hn[...], centW[...]) + centb[...] + aggr[...]
    mu = jnp.mean(out, axis=1, keepdims=True)
    var = jnp.mean((out - mu) ** 2, axis=1, keepdims=True)
    y = (out - mu) / jnp.sqrt(var + 1e-5) * lng[...] + lnb[...]
    h2 = _mm(jnp.maximum(y, 0.0), outW[...]) + outb[...]
    ah_o[...] = _mm(h2, anW1n[...])


def _k3_body(tqt, ut, ahl, w1l, b1, W2, b2, pf3, pfl, ang_o, np_o):
    qx, qy, qz = _rows3(tqt[...])
    ux, uy, uz = _rows3(ut[...])
    ltqt = jnp.sqrt(qx * qx + qy * qy + qz * qz)
    ltq = jnp.transpose(ltqt, (1, 0))
    h = jnp.maximum(ltq * w1l[...] + ahl[...] + b1[...], 0.0)
    a = jax.nn.sigmoid(_mm(h, W2[...]) + b2[...]) * jnp.pi
    at = jnp.transpose(a, (1, 0))
    dirn = qx * ux + qy * uy + qz * uz
    angt = at * jnp.sign(dirn)
    ang_o[...] = jnp.transpose(angt, (1, 0))
    c = jnp.cos(angt)
    s = jnp.sin(angt)
    lx, ly, lz = _rows3(jnp.transpose(pfl[...], (1, 0)))
    for k in range(3):
        px, py, pz = _rows3(jnp.transpose(pf3[k], (1, 0)))
        vx, vy, vz = px - lx, py - ly, pz - lz
        cx = uy * vz - uz * vy
        cy = uz * vx - ux * vz
        cz = ux * vy - uy * vx
        t = (ux * vx + uy * vy + uz * vz) * (1.0 - c)
        np_o[k] = jnp.concatenate([
            lx + vx * c + cx * s + ux * t,
            ly + vy * c + cy * s + uy * t,
            lz + vz * c + cz * s + uz * t], axis=0)


def kernel(h_node, pos_node, force, h_edge, edge_index, torsional_edge_anno,
           twisted_edge_anno, params):
    p = params
    N, ND = h_node.shape
    NT = torsional_edge_anno.shape[1]
    T = twisted_edge_anno.shape[1]
    K = T // NT
    ED = h_edge.shape[1]
    H2 = p['nb_node_W1'].shape[1]
    HID = p['tq_W1'].shape[1]

    BT = 1024
    NTP = ((NT + BT - 1) // BT) * BT
    PAD = NTP - NT

    tor_left = edge_index[0, :NT]
    tor_right = edge_index[1, :NT]
    tw_node = edge_index[0, NT:NT + T]
    tlp = jnp.pad(tor_left, (0, PAD))
    trp = jnp.pad(tor_right, (0, PAD))
    idx3 = jnp.pad(tw_node.reshape(NT, K).T, ((0, 0), (0, PAD)))

    idx_flat = idx3.reshape(-1)
    ghn = _sc_gather_rows(h_node, jnp.concatenate([idx_flat, tlp]))
    hn3 = ghn[:K * NTP].reshape(K, NTP, ND)
    hnl = ghn[K * NTP:]
    pf = jnp.concatenate([pos_node, force, jnp.zeros((N, 2), F32)], axis=1)
    pf3 = pf[idx3]
    pfl = pf[tlp]
    pfr = pf[trp]
    he3 = jnp.pad(h_edge[NT:NT + T].reshape(NT, K, ED).transpose(1, 0, 2),
                  ((0, 0), (0, PAD), (0, 0)))
    hetor = jnp.pad(h_edge[:NT], ((0, PAD), (0, 0)))

    W1 = p['tq_W1']
    Wn1 = W1[0:ND]
    We1 = W1[ND:ND + ED]
    Wn2 = W1[ND + ED:2 * ND + ED]
    We2 = W1[2 * ND + ED:2 * ND + 2 * ED]
    Wr = W1[2 * ND + 2 * ED:2 * ND + 3 * ED]
    Wsc = W1[2 * ND + 3 * ED:]
    gW1 = p['nb_gate_W1']
    gWe = gW1[0:ED]
    gWn = gW1[ED:ED + ND]
    zed = lambda r, c: jnp.zeros((r, c), F32)

    Wg1 = jnp.concatenate([
        jnp.concatenate([p['nb_node_W1'], zed(ND, H2), gWn], axis=1),
        jnp.concatenate([zed(ED, H2), p['nb_edge_W1'], gWe], axis=1),
    ], axis=0)
    bg1 = jnp.concatenate([p['nb_node_b1'], p['nb_edge_b1'],
                           p['nb_gate_b1']]).reshape(1, 3 * H2)
    Wg2 = jnp.concatenate([
        jnp.concatenate([p['nb_node_W2'], zed(H2, 2 * H2)], axis=1),
        jnp.concatenate([zed(H2, H2), p['nb_edge_W2'], zed(H2, H2)], axis=1),
        jnp.concatenate([zed(H2, 2 * H2), p['nb_gate_W2']], axis=1),
    ], axis=0)
    bg2 = jnp.concatenate([p['nb_node_b2'], p['nb_edge_b2'],
                           p['nb_gate_b2']]).reshape(1, 3 * H2)

    offs = jnp.linspace(0.0, 10.0, ED, dtype=F32).reshape(1, ED)
    coeff = (-0.5 / (offs[0, 1] - offs[0, 0]) ** 2).reshape(1, 1)

    nb = NTP // BT
    full = lambda shape: pl.BlockSpec(shape, lambda i: tuple(0 for _ in shape))
    row = lambda w: pl.BlockSpec((BT, w), lambda i: (i, 0))
    row3 = lambda w: pl.BlockSpec((K, BT, w), lambda i: (0, i, 0))
    tsp = pl.BlockSpec((3, BT), lambda i: (0, i))
    tsp3 = pl.BlockSpec((K, 3, BT), lambda i: (0, 0, i))

    msg, tq_tor, unit = _pcall(
        functools.partial(_k1_body, bt=BT, nt=NT, h2=H2),
        grid=(nb,),
        in_specs=[row3(ND), row3(8), row3(ED),
                  row(ND), row(ED), row(8), row(8),
                  full((ND, HID)), full((ED, HID)), full((ND, HID)),
                  full((ED, HID)), full((ED, HID)), full((3, HID)),
                  full((1, HID)), full((HID, 1)), full((1, 1)),
                  full((ND + ED, 3 * H2)), full((1, 3 * H2)),
                  full((3 * H2, 3 * H2)), full((1, 3 * H2)),
                  full((H2, H2)), full((1, H2)),
                  full((1, ED)), full((1, 1))],
        out_specs=[row(H2), tsp, tsp],
        out_shape=[jax.ShapeDtypeStruct((NTP, H2), F32),
                   jax.ShapeDtypeStruct((3, NTP), F32),
                   jax.ShapeDtypeStruct((3, NTP), F32)],
    )(hn3, pf3, he3, hnl, hetor, pfl, pfr,
      Wn1, We1, Wn2, We2, Wr, Wsc,
      p['tq_b1'].reshape(1, HID), p['tq_W2'], p['tq_b2'].reshape(1, 1),
      Wg1, bg1, Wg2, bg2,
      p['nb_msg_W'], p['nb_msg_b'].reshape(1, H2),
      offs, coeff)

    aggr = jax.ops.segment_sum(msg, tlp, num_segments=N)

    BN = 2000
    nbn = N // BN
    rown = lambda w: pl.BlockSpec((BN, w), lambda i: (i, 0))
    ah = _pcall(
        _k2_body,
        grid=(nbn,),
        in_specs=[rown(ND), rown(H2),
                  full((ND, H2)), full((1, H2)), full((1, H2)), full((1, H2)),
                  full((H2, ND)), full((1, ND)), full((ND, H2))],
        out_specs=rown(H2),
        out_shape=jax.ShapeDtypeStruct((N, H2), F32),
    )(h_node, aggr,
      p['nb_cent_W'], p['nb_cent_b'].reshape(1, H2),
      p['nb_ln_g'].reshape(1, H2), p['nb_ln_b'].reshape(1, H2),
      p['nb_out_W'], p['nb_out_b'].reshape(1, ND),
      p['an_W1'][1:])

    ahl = ah[tlp]

    angles, np3t = _pcall(
        _k3_body,
        grid=(nb,),
        in_specs=[tsp, tsp, row(H2),
                  full((1, H2)), full((1, H2)), full((H2, 1)), full((1, 1)),
                  row3(8), row(8)],
        out_specs=[row(1), tsp3],
        out_shape=[jax.ShapeDtypeStruct((NTP, 1), F32),
                   jax.ShapeDtypeStruct((K, 3, NTP), F32)],
    )(tq_tor, unit, ahl,
      p['an_W1'][0:1], p['an_b1'].reshape(1, H2), p['an_W2'],
      p['an_b2'].reshape(1, 1),
      pf3, pfl)

    newpos = jnp.transpose(np3t[:, :, :NT], (2, 0, 1)).reshape(T, 3)
    pos_update = pos_node.at[tw_node].set(newpos)
    return pos_update, angles[:NT]

# --- scband reference (transcript-rebuilt; emitter-appended) ---
"""Pipeline reference for scband-torsion-net-83786222011180 (READ-ONLY COPY).

The authoritative reference and input builder live on the scoring server;
editing this copy changes nothing except your own understanding.
"""

import jax, jax.numpy as jnp
import numpy as np

N = 10000
NODE_DIM = 128
EDGE_DIM = 16
HIDDEN = 64
CUTOFF = 10.0
N_TOR = 40000
K_TW = 3
T = N_TOR * K_TW
E_EXTRA = 160000
E = N_TOR + T + E_EXTRA


def _glorot(key, shape):
    lim = np.sqrt(6.0 / (shape[0] + shape[1]))
    return jax.random.uniform(key, shape, jnp.float32, -lim, lim)


def _make_params(key):
    ks = jax.random.split(key, 13)
    H2 = HIDDEN // 2
    p = {}
    p['tq_W1'] = _glorot(ks[0], (NODE_DIM * 2 + EDGE_DIM * 3 + 3, HIDDEN)); p['tq_b1'] = jnp.zeros((HIDDEN,))
    p['tq_W2'] = _glorot(ks[1], (HIDDEN, 1)); p['tq_b2'] = jnp.zeros((1,))
    p['nb_node_W1'] = _glorot(ks[2], (NODE_DIM, H2)); p['nb_node_b1'] = jnp.zeros((H2,))
    p['nb_node_W2'] = _glorot(ks[3], (H2, H2)); p['nb_node_b2'] = jnp.zeros((H2,))
    p['nb_edge_W1'] = _glorot(ks[4], (EDGE_DIM, H2)); p['nb_edge_b1'] = jnp.zeros((H2,))
    p['nb_edge_W2'] = _glorot(ks[5], (H2, H2)); p['nb_edge_b2'] = jnp.zeros((H2,))
    p['nb_msg_W'] = _glorot(ks[6], (H2, H2)); p['nb_msg_b'] = jnp.zeros((H2,))
    p['nb_gate_W1'] = _glorot(ks[7], (EDGE_DIM + NODE_DIM + 1, H2)); p['nb_gate_b1'] = jnp.zeros((H2,))
    p['nb_gate_W2'] = _glorot(ks[8], (H2, H2)); p['nb_gate_b2'] = jnp.zeros((H2,))
    p['nb_cent_W'] = _glorot(ks[9], (NODE_DIM, H2)); p['nb_cent_b'] = jnp.zeros((H2,))
    p['nb_ln_g'] = jnp.ones((H2,)); p['nb_ln_b'] = jnp.zeros((H2,))
    p['nb_out_W'] = _glorot(ks[10], (H2, NODE_DIM)); p['nb_out_b'] = jnp.zeros((NODE_DIM,))
    p['an_W1'] = _glorot(ks[11], (NODE_DIM + 1, H2)); p['an_b1'] = jnp.zeros((H2,))
    p['an_W2'] = _glorot(ks[12], (H2, 1)); p['an_b2'] = jnp.zeros((1,))
    return p


def setup_inputs(seed: int = 0):
    key = jax.random.key(seed)
    ks = jax.random.split(key, 10)
    h_node = jax.random.normal(ks[0], (N, NODE_DIM), jnp.float32)
    pos_node = jax.random.normal(ks[1], (N, 3), jnp.float32) * 5.0
    force = jax.random.normal(ks[2], (N, 3), jnp.float32)
    h_edge = jax.random.normal(ks[3], (E, EDGE_DIM), jnp.float32)
    tor_left = jax.random.randint(ks[4], (N_TOR,), 0, N, dtype=jnp.int32)
    tor_right = jax.random.randint(ks[5], (N_TOR,), 0, N, dtype=jnp.int32)
    i_tw = jnp.repeat(jnp.arange(N_TOR, dtype=jnp.int32), K_TW)
    twisted_node = jax.random.randint(ks[6], (T,), 0, N, dtype=jnp.int32)
    ex_src = jax.random.randint(ks[7], (E_EXTRA,), 0, N, dtype=jnp.int32)
    ex_dst = jax.random.randint(ks[8], (E_EXTRA,), 0, N, dtype=jnp.int32)
    edge_index = jnp.stack([
        jnp.concatenate([tor_left, twisted_node, ex_src]),
        jnp.concatenate([tor_right, tor_left[i_tw], ex_dst])])
    tor_edge = jnp.arange(N_TOR, dtype=jnp.int32)
    torsional_edge_anno = jnp.stack([jnp.arange(N_TOR, dtype=jnp.int32), tor_edge])
    twisted_edge = N_TOR + jnp.arange(T, dtype=jnp.int32)
    twisted_edge_anno = jnp.stack([i_tw, twisted_edge])
    params = _make_params(ks[9])
    return {'h_node': h_node, 'pos_node': pos_node, 'force': force, 'h_edge': h_edge,
            'edge_index': edge_index, 'torsional_edge_anno': torsional_edge_anno,
            'twisted_edge_anno': twisted_edge_anno, 'params': params}


def _mlp(x, W1, b1, W2, b2):
    return jax.nn.relu(x @ W1 + b1) @ W2 + b2


def _gaussian_smearing(dist):
    offset = jnp.linspace(0.0, CUTOFF, EDGE_DIM)
    coeff = -0.5 / (offset[1] - offset[0]) ** 2
    return jnp.exp(coeff * (dist[:, None] - offset[None, :]) ** 2)


def _scatter_mean(vals, index, num_segments):
    s = jax.ops.segment_sum(vals, index, num_segments=num_segments)
    c = jax.ops.segment_sum(jnp.ones((vals.shape[0], 1), vals.dtype), index, num_segments=num_segments)
    return s / jnp.maximum(c, 1.0)


def _node_block(x, edge_index, edge_attr, node_time, p):
    row, col = edge_index[0], edge_index[1]
    h_node = _mlp(x, p['nb_node_W1'], p['nb_node_b1'], p['nb_node_W2'], p['nb_node_b2'])
    h_edge = _mlp(edge_attr, p['nb_edge_W1'], p['nb_edge_b1'], p['nb_edge_W2'], p['nb_edge_b2'])
    msg_j = (h_edge * h_node[col]) @ p['nb_msg_W'] + p['nb_msg_b']
    gate = _mlp(jnp.concatenate([edge_attr, x[col], node_time[col]], axis=-1),
                p['nb_gate_W1'], p['nb_gate_b1'], p['nb_gate_W2'], p['nb_gate_b2'])
    msg_j = msg_j * jax.nn.sigmoid(gate)
    aggr = jax.ops.segment_sum(msg_j, row, num_segments=x.shape[0])
    out = x @ p['nb_cent_W'] + p['nb_cent_b'] + aggr
    mu = out.mean(-1, keepdims=True)
    var = out.var(-1, keepdims=True)
    out = (out - mu) / jnp.sqrt(var + 1e-5) * p['nb_ln_g'] + p['nb_ln_b']
    return jax.nn.relu(out) @ p['nb_out_W'] + p['nb_out_b']


def _forward(h_node, pos_node, force, h_edge, params, edge_index, torsional_edge_anno, twisted_edge_anno):
    p = params
    tor_edge = torsional_edge_anno[1]
    i_tw = twisted_edge_anno[0]
    twisted_edge = twisted_edge_anno[1]
    tor_left = edge_index[0][tor_edge]
    tor_right = edge_index[1][tor_edge]
    h_tor_edge = h_edge[tor_edge]
    h_tor_left = h_node[tor_left]
    vec_tor_bond = pos_node[tor_left] - pos_node[tor_right]
    len_tor_bond = jnp.linalg.norm(vec_tor_bond, axis=-1, keepdims=True)
    unit = vec_tor_bond / (len_tor_bond + 1e-06)
    u = unit[i_tw]
    twisted_node = edge_index[0][twisted_edge]
    tor_end = edge_index[1][twisted_edge]
    h_twisted_edge = h_edge[twisted_edge]
    h_twisted_node = h_node[twisted_node]
    force_tw = force[twisted_node]
    vec_twisted = pos_node[twisted_node] - pos_node[tor_end]
    vec_radius = vec_twisted - jnp.sum(vec_twisted * u, -1, keepdims=True) * u
    len_radius = jnp.linalg.norm(vec_radius, axis=-1)
    h_radius = _gaussian_smearing(len_radius)
    force_tangent = force_tw - jnp.sum(force_tw * u, -1, keepdims=True) * u
    torque = jnp.cross(vec_radius, force_tangent)
    h_torque = jnp.concatenate([
        h_twisted_node, h_twisted_edge, h_tor_left[i_tw], h_tor_edge[i_tw], h_radius,
        jnp.linalg.norm(force_tw, axis=-1, keepdims=True),
        jnp.linalg.norm(force_tangent, axis=-1, keepdims=True),
        jnp.linalg.norm(torque, axis=-1, keepdims=True)], axis=-1)
    torque_weight = _mlp(h_torque, p['tq_W1'], p['tq_b1'], p['tq_W2'], p['tq_b2'])
    torque = torque * torque_weight
    n_tor = tor_edge.shape[0]
    torque_tor = _scatter_mean(torque, i_tw, n_tor)
    len_torque = jnp.linalg.norm(torque_tor, axis=-1, keepdims=True)
    ei_flip = jnp.stack([tor_end, twisted_node])
    node_time = jnp.zeros((h_node.shape[0], 1), h_node.dtype)
    h_node2 = _node_block(h_node, ei_flip, h_twisted_edge, node_time, p)
    h_node_tor = h_node2[tor_left]
    angles = jax.nn.sigmoid(_mlp(jnp.concatenate([len_torque, h_node_tor], axis=-1),
                                 p['an_W1'], p['an_b1'], p['an_W2'], p['an_b2'])) * jnp.pi
    direction = jnp.sum(torque_tor * unit, -1, keepdims=True)
    angles = angles * jnp.sign(direction)
    theta = angles[i_tw]
    c = jnp.cos(theta)
    s = jnp.sin(theta)
    anchor = pos_node[tor_end]
    v = pos_node[twisted_node] - anchor
    v_rot = v * c + jnp.cross(u, v) * s + u * jnp.sum(u * v, -1, keepdims=True) * (1.0 - c)
    pos_update = pos_node.at[twisted_node].set(anchor + v_rot)
    return pos_update, angles


def reference(h_node, pos_node, force, h_edge, edge_index, torsional_edge_anno, twisted_edge_anno, params):
    return _forward(h_node, pos_node, force, h_edge, params, edge_index, torsional_edge_anno, twisted_edge_anno)

if __name__ == "__main__":
    import jax
    _d = setup_inputs()
    print(jax.jit(kernel)(*tuple(_d.values())))

</pallas_src>

<mosaic_0001>
#map = affine_map<(d0, d1) -> (0, 0)>
#map1 = affine_map<(d0, d1) -> (0, 0, 0)>
module attributes {stable_mosaic.version = 14 : i64} {
  func.func @gk(%arg0: i32, %arg1: i32, %arg2: memref<10000x128xf32, #tpu.memory_space<hbm>>, %arg3: memref<32x40x128xi32, #tpu.memory_space<hbm>>, %arg4: memref<163840x128xf32, #tpu.memory_space<hbm>>, %arg5: memref<40x128xi32, #tpu.memory_space<vmem>>, %arg6: memref<128x128xf32, #tpu.memory_space<vmem>>, %arg7: memref<!tpu.dma_semaphore, #tpu.memory_space<semaphore_mem>>) attributes {dimension_semantics = [#tpu.dimension_semantics<core_parallel>, #tpu.dimension_semantics<subcore_parallel>], iteration_bounds = array<i64: 2, 16>, scalar_prefetch = 0 : i64, scratch_operands = 3 : i64, tpu.core_type = #tpu.core_type<sc_vector_subcore>, window_params = [{transform_indices = #map}, {transform_indices = #map1}, {transform_indices = #map}]} {
    %mul3A = arith.constant 2 : i32
    %mul3A_0 = arith.muli %arg1, %mul3A : i32
    %add3A = arith.addi %mul3A_0, %arg0 : i32
    "tpu.region"() ({
      %run_scoped3A = tpu.sem_alloc : memref<!tpu.dma_semaphore, #tpu.memory_space<semaphore_mem>>
      %dma_start3A = arith.constant 0 : i32
      %dma_start3A_8 = arith.constant 0 : i32
      %dma_start3A_9 = tpu.memref_slice %arg3[%add3A, %dma_start3A, %dma_start3A_8] : memref<32x40x128xi32, #tpu.memory_space<hbm>> -> memref<1x40x128xi32, #tpu.memory_space<hbm>>
      %dma_start3A_10 = tpu.memref_squeeze %dma_start3A_9 : memref<1x40x128xi32, #tpu.memory_space<hbm>> -> memref<40x128xi32, #tpu.memory_space<hbm>>
      %dma_start3A_11 = arith.constant 0 : i32
      %dma_start3A_12 = arith.constant 0 : i32
      %dma_start3A_13 = tpu.memref_slice %arg3[%add3A, %dma_start3A_11, %dma_start3A_12] : memref<32x40x128xi32, #tpu.memory_space<hbm>> -> memref<1x40x128xi32, #tpu.memory_space<hbm>>
      %dma_start3A_14 = tpu.memref_squeeze %dma_start3A_13 : memref<1x40x128xi32, #tpu.memory_space<hbm>> -> memref<40x128xi32, #tpu.memory_space<hbm>>
      tpu.enqueue_dma source(%dma_start3A_14 : memref<40x128xi32, #tpu.memory_space<hbm>>) target(%arg5 : memref<40x128xi32, #tpu.memory_space<vmem>>) target_semaphore(%run_scoped3A : memref<!tpu.dma_semaphore, #tpu.memory_space<semaphore_mem>>)
      %dma_wait3A = arith.constant 0 : i32
      %dma_wait3A_15 = arith.constant 0 : i32
      %dma_wait3A_16 = tpu.memref_slice %arg3[%add3A, %dma_wait3A, %dma_wait3A_15] : memref<32x40x128xi32, #tpu.memory_space<hbm>> -> memref<1x40x128xi32, #tpu.memory_space<hbm>>
      %dma_wait3A_17 = tpu.memref_squeeze %dma_wait3A_16 : memref<1x40x128xi32, #tpu.memory_space<hbm>> -> memref<40x128xi32, #tpu.memory_space<hbm>>
      %dma_wait3A_18 = arith.constant 0 : i32
      %dma_wait3A_19 = arith.constant 0 : i32
      %dma_wait3A_20 = tpu.memref_slice %arg3[%add3A, %dma_wait3A_18, %dma_wait3A_19] : memref<32x40x128xi32, #tpu.memory_space<hbm>> -> memref<1x40x128xi32, #tpu.memory_space<hbm>>
      %dma_wait3A_21 = tpu.memref_squeeze %dma_wait3A_20 : memref<1x40x128xi32, #tpu.memory_space<hbm>> -> memref<40x128xi32, #tpu.memory_space<hbm>>
      tpu.wait_dma2 semaphore(%run_scoped3A : memref<!tpu.dma_semaphore, #tpu.memory_space<semaphore_mem>>) src(%dma_wait3A_21 : memref<40x128xi32, #tpu.memory_space<hbm>>) dst(%arg5 : memref<40x128xi32, #tpu.memory_space<vmem>>)
      tpu.yield
    }) : () -> ()
    %mul3A_1 = arith.constant 5120 : i32
    %mul3A_2 = arith.muli %add3A, %mul3A_1 : i32
    %scan3A = arith.constant 0 : i32
    %scan3A_3 = arith.constant 0 : i32
    %scan3A_4 = arith.constant 40 : i32
    %scan3A_5 = arith.addi %scan3A_3, %scan3A_4 : i32
    %scan3A_6 = arith.constant 1 : i32
    scf.for %scan3A_8 = %scan3A_3 to %scan3A_5 step %scan3A_6  : i32 {
      %dma_start3A = arith.constant 0 : i32
      %dma_start3A_9 = tpu.memref_slice %arg5[%scan3A_8, %dma_start3A] : memref<40x128xi32, #tpu.memory_space<vmem>> -> memref<1x128xi32, #tpu.memory_space<vmem>>
      %dma_start3A_10 = tpu.memref_squeeze %dma_start3A_9 : memref<1x128xi32, #tpu.memory_space<vmem>> -> memref<128xi32, #tpu.memory_space<vmem>>
      %dma_start3A_11 = arith.constant 0 : i32
      %dma_start3A_12 = arith.constant 0 : i32
      %dma_start3A_13 = tpu.memref_slice %arg2[%dma_start3A_11, %dma_start3A_12] : memref<10000x128xf32, #tpu.memory_space<hbm>> -> memref<10000x128xf32, #tpu.memory_space<hbm>>
      tpu.enqueue_indirect_dma source(%dma_start3A_13 : memref<10000x128xf32, #tpu.memory_space<hbm>>) target(%arg6 : memref<128x128xf32, #tpu.memory_space<vmem>>) offsets(%dma_start3A_10 : memref<128xi32, #tpu.memory_space<vmem>>) semaphore(%arg7 : memref<!tpu.dma_semaphore, #tpu.memory_space<semaphore_mem>>)
      %dma_wait3A = arith.constant 0 : i32
      %dma_wait3A_14 = tpu.memref_slice %arg5[%scan3A_8, %dma_wait3A] : memref<40x128xi32, #tpu.memory_space<vmem>> -> memref<1x128xi32, #tpu.memory_space<vmem>>
      %dma_wait3A_15 = tpu.memref_squeeze %dma_wait3A_14 : memref<1x128xi32, #tpu.memory_space<vmem>> -> memref<128xi32, #tpu.memory_space<vmem>>
      %dma_wait3A_16 = arith.constant 0 : i32
      %dma_wait3A_17 = arith.constant 0 : i32
      %dma_wait3A_18 = tpu.memref_slice %arg2[%dma_wait3A_16, %dma_wait3A_17] : memref<10000x128xf32, #tpu.memory_space<hbm>> -> memref<10000x128xf32, #tpu.memory_space<hbm>>
      tpu.wait_indirect_dma semaphore(%arg7 : memref<!tpu.dma_semaphore, #tpu.memory_space<semaphore_mem>>) src(%dma_wait3A_18 : memref<10000x128xf32, #tpu.memory_space<hbm>>) dst(%arg6 : memref<128x128xf32, #tpu.memory_space<vmem>>)
      %mul3A_19 = arith.constant 128 : i32
      %mul3A_20 = arith.muli %scan3A_8, %mul3A_19 : i32
      %add3A_21 = arith.addi %mul3A_2, %mul3A_20 : i32
      "tpu.region"() ({
        %run_scoped3A = tpu.sem_alloc : memref<!tpu.dma_semaphore, #tpu.memory_space<semaphore_mem>>
        %dma_start3A_22 = arith.constant 0 : i32
        %dma_start3A_23 = tpu.memref_slice %arg4[%add3A_21, %dma_start3A_22] : memref<163840x128xf32, #tpu.memory_space<hbm>> -> memref<128x128xf32, #tpu.memory_space<hbm>>
        %dma_start3A_24 = arith.constant 0 : i32
        %dma_start3A_25 = tpu.memref_slice %arg4[%add3A_21, %dma_start3A_24] : memref<163840x128xf32, #tpu.memory_space<hbm>> -> memref<128x128xf32, #tpu.memory_space<hbm>>
        tpu.enqueue_dma source(%arg6 : memref<128x128xf32, #tpu.memory_space<vmem>>) target(%dma_start3A_25 : memref<128x128xf32, #tpu.memory_space<hbm>>) target_semaphore(%run_scoped3A : memref<!tpu.dma_semaphore, #tpu.memory_space<semaphore_mem>>)
        %dma_wait3A_26 = arith.constant 0 : i32
        %dma_wait3A_27 = tpu.memref_slice %arg4[%add3A_21, %dma_wait3A_26] : memref<163840x128xf32, #tpu.memory_space<hbm>> -> memref<128x128xf32, #tpu.memory_space<hbm>>
        %dma_wait3A_28 = arith.constant 0 : i32
        %dma_wait3A_29 = tpu.memref_slice %arg4[%add3A_21, %dma_wait3A_28] : memref<163840x128xf32, #tpu.memory_space<hbm>> -> memref<128x128xf32, #tpu.memory_space<hbm>>
        tpu.wait_dma2 semaphore(%run_scoped3A : memref<!tpu.dma_semaphore, #tpu.memory_space<semaphore_mem>>) src(%arg6 : memref<128x128xf32, #tpu.memory_space<vmem>>) dst(%dma_wait3A_29 : memref<128x128xf32, #tpu.memory_space<hbm>>)
        tpu.yield
      }) : () -> ()
    }
    %scan3A_7 = arith.constant 40 : i32
    return
  }
}

module attributes {stable_mosaic.version = 14 : i64} {
  func.func @_k1_body(%arg0: i32, %arg1: memref<3x1024x128xf32, #tpu.memory_space<vmem>>, %arg2: memref<3x1024x8xf32, #tpu.memory_space<vmem>>, %arg3: memref<3x1024x16xf32, #tpu.memory_space<vmem>>, %arg4: memref<1024x128xf32, #tpu.memory_space<vmem>>, %arg5: memref<1024x16xf32, #tpu.memory_space<vmem>>, %arg6: memref<1024x8xf32, #tpu.memory_space<vmem>>, %arg7: memref<1024x8xf32, #tpu.memory_space<vmem>>, %arg8: memref<128x64xf32, #tpu.memory_space<vmem>>, %arg9: memref<16x64xf32, #tpu.memory_space<vmem>>, %arg10: memref<128x64xf32, #tpu.memory_space<vmem>>, %arg11: memref<16x64xf32, #tpu.memory_space<vmem>>, %arg12: memref<16x64xf32, #tpu.memory_space<vmem>>, %arg13: memref<3x64xf32, #tpu.memory_space<vmem>>, %arg14: memref<1x64xf32, #tpu.memory_space<vmem>>, %arg15: memref<64x1xf32, #tpu.memory_space<vmem>>, %arg16: memref<1x1xf32, #tpu.memory_space<vmem>>, %arg17: memref<144x96xf32, #tpu.memory_space<vmem>>, %arg18: memref<1x96xf32, #tpu.memory_space<vmem>>, %arg19: memref<96x96xf32, #tpu.memory_space<vmem>>, %arg20: memref<1x96xf32, #tpu.memory_space<vmem>>, %arg21: memref<32x32xf32, #tpu.memory_space<vmem>>, %arg22: memref<1x32xf32, #tpu.memory_space<vmem>>, %arg23: memref<1x16xf32, #tpu.memory_space<vmem>>, %arg24: memref<1x1xf32, #tpu.memory_space<vmem>>, %arg25: memref<1024x32xf32, #tpu.memory_space<vmem>>, %arg26: memref<3x1024xf32, #tpu.memory_space<vmem>>, %arg27: memref<3x1024xf32, #tpu.memory_space<vmem>>) attributes {dimension_semantics = [#tpu.dimension_semantics<arbitrary>], iteration_bounds = array<i64: 40>, scalar_prefetch = 0 : i64, scratch_operands = 0 : i64, tpu.core_type = #tpu.core_type<tc>, window_params = [{transform_indices = @transform_0, window_bounds = array<i64: 3, 1024, 128>}, {transform_indices = @transform_1, window_bounds = array<i64: 3, 1024, 8>}, {transform_indices = @transform_2, window_bounds = array<i64: 3, 1024, 16>}, {transform_indices = @transform_3, window_bounds = array<i64: 1024, 128>}, {transform_indices = @transform_4, window_bounds = array<i64: 1024, 16>}, {transform_indices = @transform_5, window_bounds = array<i64: 1024, 8>}, {transform_indices = @transform_6, window_bounds = array<i64: 1024, 8>}, {pipeline_mode = #tpu.pipeline_mode<synchronous>, transform_indices = @transform_7, window_bounds = array<i64: 128, 64>}, {pipeline_mode = #tpu.pipeline_mode<synchronous>, transform_indices = @transform_8, window_bounds = array<i64: 16, 64>}, {pipeline_mode = #tpu.pipeline_mode<synchronous>, transform_indices = @transform_9, window_bounds = array<i64: 128, 64>}, {pipeline_mode = #tpu.pipeline_mode<synchronous>, transform_indices = @transform_10, window_bounds = array<i64: 16, 64>}, {pipeline_mode = #tpu.pipeline_mode<synchronous>, transform_indices = @transform_11, window_bounds = array<i64: 16, 64>}, {pipeline_mode = #tpu.pipeline_mode<synchronous>, transform_indices = @transform_12, window_bounds = array<i64: 3, 64>}, {pipeline_mode = #tpu.pipeline_mode<synchronous>, transform_indices = @transform_13, window_bounds = array<i64: 1, 64>}, {pipeline_mode = #tpu.pipeline_mode<synchronous>, transform_indices = @transform_14, window_bounds = array<i64: 64, 1>}, {pipeline_mode = #tpu.pipeline_mode<synchronous>, transform_indices = @transform_15, window_bounds = array<i64: 1, 1>}, {pipeline_mode = #tpu.pipeline_mode<synchronous>, transform_indices = @transform_16, window_bounds = array<i64: 144, 96>}, {pipeline_mode = #tpu.pipeline_mode<synchronous>, transform_indices = @transform_17, window_bounds = array<i64: 1, 96>}, {pipeline_mode = #tpu.pipeline_mode<synchronous>, transform_indices = @transform_18, window_bounds = array<i64: 96, 96>}, {pipeline_mode = #tpu.pipeline_mode<synchronous>, transform_indices = @transform_19, window_bounds = array<i64: 1, 96>}, {pipeline_mode = #tpu.pipeline_mode<synchronous>, transform_indices = @transform_20, window_bounds = array<i64: 32, 32>}, {pipeline_mode = #tpu.pipeline_mode<synchronous>, transform_indices = @transform_21, window_bounds = array<i64: 1, 32>}, {pipeline_mode = #tpu.pipeline_mode<synchronous>, transform_indices = @transform_22, window_bounds = array<i64: 1, 16>}, {pipeline_mode = #tpu.pipeline_mode<synchronous>, transform_indices = @transform_23, window_bounds = array<i64: 1, 1>}, {transform_indices = @transform_24, window_bounds = array<i64: 1024, 32>}, {transform_indices = @transform_25, window_bounds = array<i64: 3, 1024>}, {transform_indices = @transform_26, window_bounds = array<i64: 3, 1024>}]} {
    %get3A = arith.constant 0 : index
    %get3A_0 = arith.constant 0 : index
    %get3A_1 = vector.load %arg6[%get3A, %get3A_0] : memref<1024x8xf32, #tpu.memory_space<vmem>>, vector<1024x8xf32>
    %transpose3A = tpu.transpose %get3A_1, [1, 0] : vector<1024x8xf32> -> vector<8x1024xf32>
    %get3A_2 = arith.constant 0 : index
    %get3A_3 = arith.constant 0 : index
    %get3A_4 = vector.load %arg7[%get3A_2, %get3A_3] : memref<1024x8xf32, #tpu.memory_space<vmem>>, vector<1024x8xf32>
    %transpose3A_5 = tpu.transpose %get3A_4, [1, 0] : vector<1024x8xf32> -> vector<8x1024xf32>
    %slice3A = vector.extract_strided_slice %transpose3A {offsets = [0, 0], sizes = [1, 1024], strides = [1, 1]} : vector<8x1024xf32> to vector<1x1024xf32>
    %slice3A_6 = vector.extract_strided_slice %transpose3A {offsets = [1, 0], sizes = [1, 1024], strides = [1, 1]} : vector<8x1024xf32> to vector<1x1024xf32>
    %slice3A_7 = vector.extract_strided_slice %transpose3A {offsets = [2, 0], sizes = [1, 1024], strides = [1, 1]} : vector<8x1024xf32> to vector<1x1024xf32>
    %slice3A_8 = vector.extract_strided_slice %transpose3A_5 {offsets = [0, 0], sizes = [1, 1024], strides = [1, 1]} : vector<8x1024xf32> to vector<1x1024xf32>
    %slice3A_9 = vector.extract_strided_slice %transpose3A_5 {offsets = [1, 0], sizes = [1, 1024], strides = [1, 1]} : vector<8x1024xf32> to vector<1x1024xf32>
    %slice3A_10 = vector.extract_strided_slice %transpose3A_5 {offsets = [2, 0], sizes = [1, 1024], strides = [1, 1]} : vector<8x1024xf32> to vector<1x1024xf32>
    %sub3A = arith.subf %slice3A, %slice3A_8 : vector<1x1024xf32>
    %sub3A_11 = arith.subf %slice3A_6, %slice3A_9 : vector<1x1024xf32>
    %sub3A_12 = arith.subf %slice3A_7, %slice3A_10 : vector<1x1024xf32>
    %mul3A = arith.mulf %sub3A, %sub3A : vector<1x1024xf32>
    %mul3A_13 = arith.mulf %sub3A_11, %sub3A_11 : vector<1x1024xf32>
    %add3A = arith.addf %mul3A, %mul3A_13 : vector<1x1024xf32>
    %mul3A_14 = arith.mulf %sub3A_12, %sub3A_12 : vector<1x1024xf32>
    %add3A_15 = arith.addf %add3A, %mul3A_14 : vector<1x1024xf32>
    %sqrt3A = math.sqrt %add3A_15 : vector<1x1024xf32>
    %add3A_16 = arith.constant 9.99999997E-7 : f32
    %add3A_17 = vector.broadcast %add3A_16 : f32 to vector<1x1024xf32>
    %add3A_18 = arith.addf %sqrt3A, %add3A_17 : vector<1x1024xf32>
    %div3A = arith.constant 1.000000e+00 : f32
    %div3A_19 = vector.broadcast %div3A : f32 to vector<1x1024xf32>
    %div3A_20 = arith.divf %div3A_19, %add3A_18 : vector<1x1024xf32>
    %mul3A_21 = arith.mulf %sub3A, %div3A_20 : vector<1x1024xf32>
    %mul3A_22 = arith.mulf %sub3A_11, %div3A_20 : vector<1x1024xf32>
    %mul3A_23 = arith.mulf %sub3A_12, %div3A_20 : vector<1x1024xf32>
    %concatenate3A = tpu.concatenate %mul3A_21, %mul3A_22, %mul3A_23 in 0 : vector<1x1024xf32>, vector<1x1024xf32>, vector<1x1024xf32> -> vector<3x1024xf32>
    %swap3A = arith.constant 0 : index
    %swap3A_24 = arith.constant 0 : index
    %swap3A_25 = vector.load %arg27[%swap3A, %swap3A_24] : memref<3x1024xf32, #tpu.memory_space<vmem>>, vector<3x1024xf32>
    tpu.vector_store %arg27[%swap3A, %swap3A_24], %concatenate3A {strides = array<i32>} : memref<3x1024xf32, #tpu.memory_space<vmem>>, vector<3x1024xf32>,
    %get3A_26 = arith.constant 0 : index
    %get3A_27 = arith.constant 0 : index
    %get3A_28 = vector.load %arg4[%get3A_26, %get3A_27] : memref<1024x128xf32, #tpu.memory_space<vmem>>, vector<1024x128xf32>
    %get3A_29 = arith.constant 0 : index
    %get3A_30 = arith.constant 0 : index
    %get3A_31 = vector.load %arg10[%get3A_29, %get3A_30] : memref<128x64xf32, #tpu.memory_space<vmem>>, vector<128x64xf32>
    %dot_general3A = arith.constant dense<0.000000e+00> : vector<1024x64xf32>
    %dot_general3A_32 = tpu.matmul %get3A_28, %get3A_31, %dot_general3A {dimension_numbers = #tpu.dot_dimension_numbers<[1], [0], [0], [1], [0, 0, 1, 1], [], []>, precision = #tpu.contract_precision<fp32>, transpose_lhs_hint = false} : vector<1024x128xf32>, vector<128x64xf32>, vector<1024x64xf32> -> vector<1024x64xf32>
    %get3A_33 = arith.constant 0 : index
    %get3A_34 = arith.constant 0 : index
    %get3A_35 = vector.load %arg5[%get3A_33, %get3A_34] : memref<1024x16xf32, #tpu.memory_space<vmem>>, vector<1024x16xf32>
    %get3A_36 = arith.constant 0 : index
    %get3A_37 = arith.constant 0 : index
    %get3A_38 = vector.load %arg11[%get3A_36, %get3A_37] : memref<16x64xf32, #tpu.memory_space<vmem>>, vector<16x64xf32>
    %dot_general3A_39 = arith.constant dense<0.000000e+00> : vector<1024x64xf32>
    %dot_general3A_40 = tpu.matmul %get3A_35, %get3A_38, %dot_general3A_39 {dimension_numbers = #tpu.dot_dimension_numbers<[1], [0], [0], [1], [0, 0, 1, 1], [], []>, precision = #tpu.contract_precision<fp32>, transpose_lhs_hint = false} : vector<1024x16xf32>, vector<16x64xf32>, vector<1024x64xf32> -> vector<1024x64xf32>
    %add3A_41 = arith.addf %dot_general3A_32, %dot_general3A_40 : vector<1024x64xf32>
    %get3A_42 = arith.constant 0 : index
    %get3A_43 = arith.constant 0 : index
    %get3A_44 = vector.load %arg24[%get3A_42, %get3A_43] : memref<1x1xf32, #tpu.memory_space<vmem>>, vector<1x1xf32>
    %get3A_45 = vector.extract %get3A_44[0, 0] : f32 from vector<1x1xf32>
    %get3A_46 = arith.constant 0 : index
    %get3A_47 = arith.constant 0 : index
    %get3A_48 = arith.constant 0 : index
    %get3A_49 = vector.load %arg1[%get3A_46, %get3A_47, %get3A_48] : memref<3x1024x128xf32, #tpu.memory_space<vmem>>, vector<1x1024x128xf32>
    %get3A_50 = vector.shape_cast %get3A_49 : vector<1x1024x128xf32> to vector<1024x128xf32>
    %get3A_51 = arith.constant 0 : index
    %get3A_52 = arith.constant 0 : index
    %get3A_53 = arith.constant 0 : index
    %get3A_54 = vector.load %arg3[%get3A_51, %get3A_52, %get3A_53] : memref<3x1024x16xf32, #tpu.memory_space<vmem>>, vector<1x1024x16xf32>
    %get3A_55 = vector.shape_cast %get3A_54 : vector<1x1024x16xf32> to vector<1024x16xf32>
    %get3A_56 = arith.constant 0 : index
    %get3A_57 = arith.constant 0 : index
    %get3A_58 = arith.constant 0 : index
    %get3A_59 = vector.load %arg2[%get3A_56, %get3A_57, %get3A_58] : memref<3x1024x8xf32, #tpu.memory_space<vmem>>, vector<1x1024x8xf32>
    %get3A_60 = vector.shape_cast %get3A_59 : vector<1x1024x8xf32> to vector<1024x8xf32>
    %transpose3A_61 = tpu.transpose %get3A_60, [1, 0] : vector<1024x8xf32> -> vector<8x1024xf32>
    %slice3A_62 = vector.extract_strided_slice %transpose3A_61 {offsets = [0, 0], sizes = [1, 1024], strides = [1, 1]} : vector<8x1024xf32> to vector<1x1024xf32>
    %slice3A_63 = vector.extract_strided_slice %transpose3A_61 {offsets = [1, 0], sizes = [1, 1024], strides = [1, 1]} : vector<8x1024xf32> to vector<1x1024xf32>
    %slice3A_64 = vector.extract_strided_slice %transpose3A_61 {offsets = [2, 0], sizes = [1, 1024], strides = [1, 1]} : vector<8x1024xf32> to vector<1x1024xf32>
    %slice3A_65 = vector.extract_strided_slice %transpose3A_61 {offsets = [3, 0], sizes = [1, 1024], strides = [1, 1]} : vector<8x1024xf32> to vector<1x1024xf32>
    %slice3A_66 = vector.extract_strided_slice %transpose3A_61 {offsets = [4, 0], sizes = [1, 1024], strides = [1, 1]} : vector<8x1024xf32> to vector<1x1024xf32>
    %slice3A_67 = vector.extract_strided_slice %transpose3A_61 {offsets = [5, 0], sizes = [1, 1024], strides = [1, 1]} : vector<8x1024xf32> to vector<1x1024xf32>
    %sub3A_68 = arith.subf %slice3A_62, %slice3A : vector<1x1024xf32>
    %sub3A_69 = arith.subf %slice3A_63, %slice3A_6 : vector<1x1024xf32>
    %sub3A_70 = arith.subf %slice3A_64, %slice3A_7 : vector<1x1024xf32>
    %mul3A_71 = arith.mulf %sub3A_68, %mul3A_21 : vector<1x1024xf32>
    %mul3A_72 = arith.mulf %sub3A_69, %mul3A_22 : vector<1x1024xf32>
    %add3A_73 = arith.addf %mul3A_71, %mul3A_72 : vector<1x1024xf32>
    %mul3A_74 = arith.mulf %sub3A_70, %mul3A_23 : vector<1x1024xf32>
    %add3A_75 = arith.addf %add3A_73, %mul3A_74 : vector<1x1024xf32>
    %mul3A_76 = arith.mulf %add3A_75, %mul3A_21 : vector<1x1024xf32>
    %sub3A_77 = arith.subf %sub3A_68, %mul3A_76 : vector<1x1024xf32>
    %mul3A_78 = arith.mulf %add3A_75, %mul3A_22 : vector<1x1024xf32>
    %sub3A_79 = arith.subf %sub3A_69, %mul3A_78 : vector<1x1024xf32>
    %mul3A_80 = arith.mulf %add3A_75, %mul3A_23 : vector<1x1024xf32>
    %sub3A_81 = arith.subf %sub3A_70, %mul3A_80 : vector<1x1024xf32>
    %mul3A_82 = arith.mulf %sub3A_77, %sub3A_77 : vector<1x1024xf32>
    %mul3A_83 = arith.mulf %sub3A_79, %sub3A_79 : vector<1x1024xf32>
    %add3A_84 = arith.addf %mul3A_82, %mul3A_83 : vector<1x1024xf32>
    %mul3A_85 = arith.mulf %sub3A_81, %sub3A_81 : vector<1x1024xf32>
    %add3A_86 = arith.addf %add3A_84, %mul3A_85 : vector<1x1024xf32>
    %sqrt3A_87 = math.sqrt %add3A_86 : vector<1x1024xf32>
    %mul3A_88 = arith.mulf %slice3A_65, %mul3A_21 : vector<1x1024xf32>
    %mul3A_89 = arith.mulf %slice3A_66, %mul3A_22 : vector<1x1024xf32>
    %add3A_90 = arith.addf %mul3A_88, %mul3A_89 : vector<1x1024xf32>
    %mul3A_91 = arith.mulf %slice3A_67, %mul3A_23 : vector<1x1024xf32>
    %add3A_92 = arith.addf %add3A_90, %mul3A_91 : vector<1x1024xf32>
    %mul3A_93 = arith.mulf %add3A_92, %mul3A_21 : vector<1x1024xf32>
    %sub3A_94 = arith.subf %slice3A_65, %mul3A_93 : vector<1x1024xf32>
    %mul3A_95 = arith.mulf %add3A_92, %mul3A_22 : vector<1x1024xf32>
    %sub3A_96 = arith.subf %slice3A_66, %mul3A_95 : vector<1x1024xf32>
    %mul3A_97 = arith.mulf %add3A_92, %mul3A_23 : vector<1x1024xf32>
    %sub3A_98 = arith.subf %slice3A_67, %mul3A_97 : vector<1x1024xf32>
    %mul3A_99 = arith.mulf %sub3A_79, %sub3A_98 : vector<1x1024xf32>
    %mul3A_100 = arith.mulf %sub3A_81, %sub3A_96 : vector<1x1024xf32>
    %sub3A_101 = arith.subf %mul3A_99, %mul3A_100 : vector<1x1024xf32>
    %mul3A_102 = arith.mulf %sub3A_81, %sub3A_94 : vector<1x1024xf32>
    %mul3A_103 = arith.mulf %sub3A_77, %sub3A_98 : vector<1x1024xf32>
    %sub3A_104 = arith.subf %mul3A_102, %mul3A_103 : vector<1x1024xf32>
    %mul3A_105 = arith.mulf %sub3A_77, %sub3A_96 : vector<1x1024xf32>
    %mul3A_106 = arith.mulf %sub3A_79, %sub3A_94 : vector<1x1024xf32>
    %sub3A_107 = arith.subf %mul3A_105, %mul3A_106 : vector<1x1024xf32>
    %mul3A_108 = arith.mulf %slice3A_65, %slice3A_65 : vector<1x1024xf32>
    %mul3A_109 = arith.mulf %slice3A_66, %slice3A_66 : vector<1x1024xf32>
    %add3A_110 = arith.addf %mul3A_108, %mul3A_109 : vector<1x1024xf32>
    %mul3A_111 = arith.mulf %slice3A_67, %slice3A_67 : vector<1x1024xf32>
    %add3A_112 = arith.addf %add3A_110, %mul3A_111 : vector<1x1024xf32>
    %sqrt3A_113 = math.sqrt %add3A_112 : vector<1x1024xf32>
    %mul3A_114 = arith.mulf %sub3A_94, %sub3A_94 : vector<1x1024xf32>
    %mul3A_115 = arith.mulf %sub3A_96, %sub3A_96 : vector<1x1024xf32>
    %add3A_116 = arith.addf %mul3A_114, %mul3A_115 : vector<1x1024xf32>
    %mul3A_117 = arith.mulf %sub3A_98, %sub3A_98 : vector<1x1024xf32>
    %add3A_118 = arith.addf %add3A_116, %mul3A_117 : vector<1x1024xf32>
    %sqrt3A_119 = math.sqrt %add3A_118 : vector<1x1024xf32>
    %mul3A_120 = arith.mulf %sub3A_101, %sub3A_101 : vector<1x1024xf32>
    %mul3A_121 = arith.mulf %sub3A_104, %sub3A_104 : vector<1x1024xf32>
    %add3A_122 = arith.addf %mul3A_120, %mul3A_121 : vector<1x1024xf32>
    %mul3A_123 = arith.mulf %sub3A_107, %sub3A_107 : vector<1x1024xf32>
    %add3A_124 = arith.addf %add3A_122, %mul3A_123 : vector<1x1024xf32>
    %sqrt3A_125 = math.sqrt %add3A_124 : vector<1x1024xf32>
    %concatenate3A_126 = tpu.concatenate %sqrt3A_87, %sqrt3A_113, %sqrt3A_119, %sqrt3A_125 in 0 : vector<1x1024xf32>, vector<1x1024xf32>, vector<1x1024xf32>, vector<1x1024xf32> -> vector<4x1024xf32>
    %transpose3A_127 = tpu.transpose %concatenate3A_126, [1, 0] : vector<4x1024xf32> -> vector<1024x4xf32>
    %slice3A_128 = vector.extract_strided_slice %transpose3A_127 {offsets = [0, 0], sizes = [1024, 1], strides = [1, 1]} : vector<1024x4xf32> to vector<1024x1xf32>
    %get3A_129 = arith.constant 0 : index
    %get3A_130 = arith.constant 0 : index
    %get3A_131 = vector.load %arg23[%get3A_129, %get3A_130] : memref<1x16xf32, #tpu.memory_space<vmem>>, vector<1x16xf32>
    %sub3A_132 = vector.broadcast %slice3A_128 : vector<1024x1xf32> to vector<1024x16xf32>
    %sub3A_133 = vector.broadcast %get3A_131 : vector<1x16xf32> to vector<1024x16xf32>
    %sub3A_134 = arith.subf %sub3A_132, %sub3A_133 : vector<1024x16xf32>
    %integer_pow3A = arith.mulf %sub3A_134, %sub3A_134 : vector<1024x16xf32>
    %mul3A_135 = vector.broadcast %get3A_45 : f32 to vector<1024x16xf32>
    %mul3A_136 = arith.mulf %mul3A_135, %integer_pow3A : vector<1024x16xf32>
    %exp3A = math.exp %mul3A_136 : vector<1024x16xf32>
    %get3A_137 = arith.constant 0 : index
    %get3A_138 = arith.constant 0 : index
    %get3A_139 = vector.load %arg8[%get3A_137, %get3A_138] : memref<128x64xf32, #tpu.memory_space<vmem>>, vector<128x64xf32>
    %dot_general3A_140 = arith.constant dense<0.000000e+00> : vector<1024x64xf32>
    %dot_general3A_141 = tpu.matmul %get3A_50, %get3A_139, %dot_general3A_140 {dimension_numbers = #tpu.dot_dimension_numbers<[1], [0], [0], [1], [0, 0, 1, 1], [], []>, precision = #tpu.contract_precision<fp32>, transpose_lhs_hint = false} : vector<1024x128xf32>, vector<128x64xf32>, vector<1024x64xf32> -> vector<1024x64xf32>
    %get3A_142 = arith.constant 0 : index
    %get3A_143 = arith.constant 0 : index
    %get3A_144 = vector.load %arg9[%get3A_142, %get3A_143] : memref<16x64xf32, #tpu.memory_space<vmem>>, vector<16x64xf32>
    %dot_general3A_145 = arith.constant dense<0.000000e+00> : vector<1024x64xf32>
    %dot_general3A_146 = tpu.matmul %get3A_55, %get3A_144, %dot_general3A_145 {dimension_numbers = #tpu.dot_dimension_numbers<[1], [0], [0], [1], [0, 0, 1, 1], [], []>, precision = #tpu.contract_precision<fp32>, transpose_lhs_hint = false} : vector<1024x16xf32>, vector<16x64xf32>, vector<1024x64xf32> -> vector<1024x64xf32>
    %add3A_147 = arith.addf %dot_general3A_141, %dot_general3A_146 : vector<1024x64xf32>
    %add3A_148 = arith.addf %add3A_147, %add3A_41 : vector<1024x64xf32>
    %get3A_149 = arith.constant 0 : index
    %get3A_150 = arith.constant 0 : index
    %get3A_151 = vector.load %arg12[%get3A_149, %get3A_150] : memref<16x64xf32, #tpu.memory_space<vmem>>, vector<16x64xf32>
    %dot_general3A_152 = arith.constant dense<0.000000e+00> : vector<1024x64xf32>
    %dot_general3A_153 = tpu.matmul %exp3A, %get3A_151, %dot_general3A_152 {dimension_numbers = #tpu.dot_dimension_numbers<[1], [0], [0], [1], [0, 0, 1, 1], [], []>, precision = #tpu.contract_precision<fp32>, transpose_lhs_hint = false} : vector<1024x16xf32>, vector<16x64xf32>, vector<1024x64xf32> -> vector<1024x64xf32>
    %add3A_154 = arith.addf %add3A_148, %dot_general3A_153 : vector<1024x64xf32>
    %slice3A_155 = vector.extract_strided_slice %transpose3A_127 {offsets = [0, 1], sizes = [1024, 3], strides = [1, 1]} : vector<1024x4xf32> to vector<1024x3xf32>
    %get3A_156 = arith.constant 0 : index
    %get3A_157 = arith.constant 0 : index
    %get3A_158 = vector.load %arg13[%get3A_156, %get3A_157] : memref<3x64xf32, #tpu.memory_space<vmem>>, vector<3x64xf32>
    %dot_general3A_159 = arith.constant dense<0.000000e+00> : vector<1024x64xf32>
    %dot_general3A_160 = tpu.matmul %slice3A_155, %get3A_158, %dot_general3A_159 {dimension_numbers = #tpu.dot_dimension_numbers<[1], [0], [0], [1], [0, 0, 1, 1], [], []>, precision = #tpu.contract_precision<fp32>, transpose_lhs_hint = false} : vector<1024x3xf32>, vector<3x64xf32>, vector<1024x64xf32> -> vector<1024x64xf32>
    %add3A_161 = arith.addf %add3A_154, %dot_general3A_160 : vector<1024x64xf32>
    %get3A_162 = arith.constant 0 : index
    %get3A_163 = arith.constant 0 : index
    %get3A_164 = vector.load %arg14[%get3A_162, %get3A_163] : memref<1x64xf32, #tpu.memory_space<vmem>>, vector<1x64xf32>
    %add3A_165 = vector.broadcast %get3A_164 : vector<1x64xf32> to vector<1024x64xf32>
    %add3A_166 = arith.addf %add3A_161, %add3A_165 : vector<1024x64xf32>
    %max3A = arith.constant 0.000000e+00 : f32
    %max3A_167 = vector.broadcast %max3A : f32 to vector<1024x64xf32>
    %max3A_168 = arith.maximumf %add3A_166, %max3A_167 : vector<1024x64xf32>
    %get3A_169 = arith.constant 0 : index
    %get3A_170 = arith.constant 0 : index
    %get3A_171 = vector.load %arg15[%get3A_169, %get3A_170] : memref<64x1xf32, #tpu.memory_space<vmem>>, vector<64x1xf32>
    %dot_general3A_172 = arith.constant dense<0.000000e+00> : vector<1024x1xf32>
    %dot_general3A_173 = tpu.matmul %max3A_168, %get3A_171, %dot_general3A_172 {dimension_numbers = #tpu.dot_dimension_numbers<[1], [0], [0], [1], [0, 0, 1, 1], [], []>, precision = #tpu.contract_precision<fp32>, transpose_lhs_hint = false} : vector<1024x64xf32>, vector<64x1xf32>, vector<1024x1xf32> -> vector<1024x1xf32>
    %get3A_174 = arith.constant 0 : index
    %get3A_175 = arith.constant 0 : index
    %get3A_176 = vector.load %arg16[%get3A_174, %get3A_175] : memref<1x1xf32, #tpu.memory_space<vmem>>, vector<1x1xf32>
    %add3A_177 = vector.broadcast %get3A_176 : vector<1x1xf32> to vector<1024x1xf32>
    %add3A_178 = arith.addf %dot_general3A_173, %add3A_177 : vector<1024x1xf32>
    %transpose3A_179 = tpu.transpose %add3A_178, [1, 0] : vector<1024x1xf32> -> vector<1x1024xf32>
    %mul3A_180 = arith.mulf %sub3A_101, %transpose3A_179 : vector<1x1024xf32>
    %mul3A_181 = arith.mulf %sub3A_104, %transpose3A_179 : vector<1x1024xf32>
    %mul3A_182 = arith.mulf %sub3A_107, %transpose3A_179 : vector<1x1024xf32>
    %concatenate3A_183 = tpu.concatenate %get3A_50, %get3A_55 in 1 : vector<1024x128xf32>, vector<1024x16xf32> -> vector<1024x144xf32>
    %get3A_184 = arith.constant 1 : index
    %get3A_185 = arith.constant 0 : index
    %get3A_186 = arith.constant 0 : index
    %get3A_187 = vector.load %arg1[%get3A_184, %get3A_185, %get3A_186] : memref<3x1024x128xf32, #tpu.memory_space<vmem>>, vector<1x1024x128xf32>
    %get3A_188 = vector.shape_cast %get3A_187 : vector<1x1024x128xf32> to vector<1024x128xf32>
    %get3A_189 = arith.constant 1 : index
    %get3A_190 = arith.constant 0 : index
    %get3A_191 = arith.constant 0 : index
    %get3A_192 = vector.load %arg3[%get3A_189, %get3A_190, %get3A_191] : memref<3x1024x16xf32, #tpu.memory_space<vmem>>, vector<1x1024x16xf32>
    %get3A_193 = vector.shape_cast %get3A_192 : vector<1x1024x16xf32> to vector<1024x16xf32>
    %get3A_194 = arith.constant 1 : index
    %get3A_195 = arith.constant 0 : index
    %get3A_196 = arith.constant 0 : index
    %get3A_197 = vector.load %arg2[%get3A_194, %get3A_195, %get3A_196] : memref<3x1024x8xf32, #tpu.memory_space<vmem>>, vector<1x1024x8xf32>
    %get3A_198 = vector.shape_cast %get3A_197 : vector<1x1024x8xf32> to vector<1024x8xf32>
    %transpose3A_199 = tpu.transpose %get3A_198, [1, 0] : vector<1024x8xf32> -> vector<8x1024xf32>
    %slice3A_200 = vector.extract_strided_slice %transpose3A_199 {offsets = [0, 0], sizes = [1, 1024], strides = [1, 1]} : vector<8x1024xf32> to vector<1x1024xf32>
    %slice3A_201 = vector.extract_strided_slice %transpose3A_199 {offsets = [1, 0], sizes = [1, 1024], strides = [1, 1]} : vector<8x1024xf32> to vector<1x1024xf32>
    %slice3A_202 = vector.extract_strided_slice %transpose3A_199 {offsets = [2, 0], sizes = [1, 1024], strides = [1, 1]} : vector<8x1024xf32> to vector<1x1024xf32>
    %slice3A_203 = vector.extract_strided_slice %transpose3A_199 {offsets = [3, 0], sizes = [1, 1024], strides = [1, 1]} : vector<8x1024xf32> to vector<1x1024xf32>
    %slice3A_204 = vector.extract_strided_slice %transpose3A_199 {offsets = [4, 0], sizes = [1, 1024], strides = [1, 1]} : vector<8x1024xf32> to vector<1x1024xf32>
    %slice3A_205 = vector.extract_strided_slice %transpose3A_199 {offsets = [5, 0], sizes = [1, 1024], strides = [1, 1]} : vector<8x1024xf32> to vector<1x1024xf32>
    %sub3A_206 = arith.subf %slice3A_200, %slice3A : vector<1x1024xf32>
    %sub3A_207 = arith.subf %slice3A_201, %slice3A_6 : vector<1x1024xf32>
    %sub3A_208 = arith.subf %slice3A_202, %slice3A_7 : vector<1x1024xf32>
    %mul3A_209 = arith.mulf %sub3A_206, %mul3A_21 : vector<1x1024xf32>
    %mul3A_210 = arith.mulf %sub3A_207, %mul3A_22 : vector<1x1024xf32>
    %add3A_211 = arith.addf %mul3A_209, %mul3A_210 : vector<1x1024xf32>
    %mul3A_212 = arith.mulf %sub3A_208, %mul3A_23 : vector<1x1024xf32>
    %add3A_213 = arith.addf %add3A_211, %mul3A_212 : vector<1x1024xf32>
    %mul3A_214 = arith.mulf %add3A_213, %mul3A_21 : vector<1x1024xf32>
    %sub3A_215 = arith.subf %sub3A_206, %mul3A_214 : vector<1x1024xf32>
    %mul3A_216 = arith.mulf %add3A_213, %mul3A_22 : vector<1x1024xf32>
    %sub3A_217 = arith.subf %sub3A_207, %mul3A_216 : vector<1x1024xf32>
    %mul3A_218 = arith.mulf %add3A_213, %mul3A_23 : vector<1x1024xf32>
    %sub3A_219 = arith.subf %sub3A_208, %mul3A_218 : vector<1x1024xf32>
    %mul3A_220 = arith.mulf %sub3A_215, %sub3A_215 : vector<1x1024xf32>
    %mul3A_221 = arith.mulf %sub3A_217, %sub3A_217 : vector<1x1024xf32>
    %add3A_222 = arith.addf %mul3A_220, %mul3A_221 : vector<1x1024xf32>
    %mul3A_223 = arith.mulf %sub3A_219, %sub3A_219 : vector<1x1024xf32>
    %add3A_224 = arith.addf %add3A_222, %mul3A_223 : vector<1x1024xf32>
    %sqrt3A_225 = math.sqrt %add3A_224 : vector<1x1024xf32>
    %mul3A_226 = arith.mulf %slice3A_203, %mul3A_21 : vector<1x1024xf32>
    %mul3A_227 = arith.mulf %slice3A_204, %mul3A_22 : vector<1x1024xf32>
    %add3A_228 = arith.addf %mul3A_226, %mul3A_227 : vector<1x1024xf32>
    %mul3A_229 = arith.mulf %slice3A_205, %mul3A_23 : vector<1x1024xf32>
    %add3A_230 = arith.addf %add3A_228, %mul3A_229 : vector<1x1024xf32>
    %mul3A_231 = arith.mulf %add3A_230, %mul3A_21 : vector<1x1024xf32>
    %sub3A_232 = arith.subf %slice3A_203, %mul3A_231 : vector<1x1024xf32>
    %mul3A_233 = arith.mulf %add3A_230, %mul3A_22 : vector<1x1024xf32>
    %sub3A_234 = arith.subf %slice3A_204, %mul3A_233 : vector<1x1024xf32>
    %mul3A_235 = arith.mulf %add3A_230, %mul3A_23 : vector<1x1024xf32>
    %sub3A_236 = arith.subf %slice3A_205, %mul3A_235 : vector<1x1024xf32>
    %mul3A_237 = arith.mulf %sub3A_217, %sub3A_236 : vector<1x1024xf32>
    %mul3A_238 = arith.mulf %sub3A_219, %sub3A_234 : vector<1x1024xf32>
    %sub3A_239 = arith.subf %mul3A_237, %mul3A_238 : vector<1x1024xf32>
    %mul3A_240 = arith.mulf %sub3A_219, %sub3A_232 : vector<1x1024xf32>
    %mul3A_241 = arith.mulf %sub3A_215, %sub3A_236 : vector<1x1024xf32>
    %sub3A_242 = arith.subf %mul3A_240, %mul3A_241 : vector<1x1024xf32>
    %mul3A_243 = arith.mulf %sub3A_215, %sub3A_234 : vector<1x1024xf32>
    %mul3A_244 = arith.mulf %sub3A_217, %sub3A_232 : vector<1x1024xf32>
    %sub3A_245 = arith.subf %mul3A_243, %mul3A_244 : vector<1x1024xf32>
    %mul3A_246 = arith.mulf %slice3A_203, %slice3A_203 : vector<1x1024xf32>
    %mul3A_247 = arith.mulf %slice3A_204, %slice3A_204 : vector<1x1024xf32>
    %add3A_248 = arith.addf %mul3A_246, %mul3A_247 : vector<1x1024xf32>
    %mul3A_249 = arith.mulf %slice3A_205, %slice3A_205 : vector<1x1024xf32>
    %add3A_250 = arith.addf %add3A_248, %mul3A_249 : vector<1x1024xf32>
    %sqrt3A_251 = math.sqrt %add3A_250 : vector<1x1024xf32>
    %mul3A_252 = arith.mulf %sub3A_232, %sub3A_232 : vector<1x1024xf32>
    %mul3A_253 = arith.mulf %sub3A_234, %sub3A_234 : vector<1x1024xf32>
    %add3A_254 = arith.addf %mul3A_252, %mul3A_253 : vector<1x1024xf32>
    %mul3A_255 = arith.mulf %sub3A_236, %sub3A_236 : vector<1x1024xf32>
    %add3A_256 = arith.addf %add3A_254, %mul3A_255 : vector<1x1024xf32>
    %sqrt3A_257 = math.sqrt %add3A_256 : vector<1x1024xf32>
    %mul3A_258 = arith.mulf %sub3A_239, %sub3A_239 : vector<1x1024xf32>
    %mul3A_259 = arith.mulf %sub3A_242, %sub3A_242 : vector<1x1024xf32>
    %add3A_260 = arith.addf %mul3A_258, %mul3A_259 : vector<1x1024xf32>
    %mul3A_261 = arith.mulf %sub3A_245, %sub3A_245 : vector<1x1024xf32>
    %add3A_262 = arith.addf %add3A_260, %mul3A_261 : vector<1x1024xf32>
    %sqrt3A_263 = math.sqrt %add3A_262 : vector<1x1024xf32>
    %concatenate3A_264 = tpu.concatenate %sqrt3A_225, %sqrt3A_251, %sqrt3A_257, %sqrt3A_263 in 0 : vector<1x1024xf32>, vector<1x1024xf32>, vector<1x1024xf32>, vector<1x1024xf32> -> vector<4x1024xf32>
    %transpose3A_265 = tpu.transpose %concatenate3A_264, [1, 0] : vector<4x1024xf32> -> vector<1024x4xf32>
    %slice3A_266 = vector.extract_strided_slice %transpose3A_265 {offsets = [0, 0], sizes = [1024, 1], strides = [1, 1]} : vector<1024x4xf32> to vector<1024x1xf32>
    %get3A_267 = arith.constant 0 : index
    %get3A_268 = arith.constant 0 : index
    %get3A_269 = vector.load %arg23[%get3A_267, %get3A_268] : memref<1x16xf32, #tpu.memory_space<vmem>>, vector<1x16xf32>
    %sub3A_270 = vector.broadcast %slice3A_266 : vector<1024x1xf32> to vector<1024x16xf32>
    %sub3A_271 = vector.broadcast %get3A_269 : vector<1x16xf32> to vector<1024x16xf32>
    %sub3A_272 = arith.subf %sub3A_270, %sub3A_271 : vector<1024x16xf32>
    %integer_pow3A_273 = arith.mulf %sub3A_272, %sub3A_272 : vector<1024x16xf32>
    %mul3A_274 = vector.broadcast %get3A_45 : f32 to vector<1024x16xf32>
    %mul3A_275 = arith.mulf %mul3A_274, %integer_pow3A_273 : vector<1024x16xf32>
    %exp3A_276 = math.exp %mul3A_275 : vector<1024x16xf32>
    %get3A_277 = arith.constant 0 : index
    %get3A_278 = arith.constant 0 : index
    %get3A_279 = vector.load %arg8[%get3A_277, %get3A_278] : memref<128x64xf32, #tpu.memory_space<vmem>>, vector<128x64xf32>
    %dot_general3A_280 = arith.constant dense<0.000000e+00> : vector<1024x64xf32>
    %dot_general3A_281 = tpu.matmul %get3A_188, %get3A_279, %dot_general3A_280 {dimension_numbers = #tpu.dot_dimension_numbers<[1], [0], [0], [1], [0, 0, 1, 1], [], []>, precision = #tpu.contract_precision<fp32>, transpose_lhs_hint = false} : vector<1024x128xf32>, vector<128x64xf32>, vector<1024x64xf32> -> vector<1024x64xf32>
    %get3A_282 = arith.constant 0 : index
    %get3A_283 = arith.constant 0 : index
    %get3A_284 = vector.load %arg9[%get3A_282, %get3A_283] : memref<16x64xf32, #tpu.memory_space<vmem>>, vector<16x64xf32>
    %dot_general3A_285 = arith.constant dense<0.000000e+00> : vector<1024x64xf32>
    %dot_general3A_286 = tpu.matmul %get3A_193, %get3A_284, %dot_general3A_285 {dimension_numbers = #tpu.dot_dimension_numbers<[1], [0], [0], [1], [0, 0, 1, 1], [], []>, precision = #tpu.contract_precision<fp32>, transpose_lhs_hint = false} : vector<1024x16xf32>, vector<16x64xf32>, vector<1024x64xf32> -> vector<1024x64xf32>
    %add3A_287 = arith.addf %dot_general3A_281, %dot_general3A_286 : vector<1024x64xf32>
    %add3A_288 = arith.addf %add3A_287, %add3A_41 : vector<1024x64xf32>
    %get3A_289 = arith.constant 0 : index
    %get3A_290 = arith.constant 0 : index
    %get3A_291 = vector.load %arg12[%get3A_289, %get3A_290] : memref<16x64xf32, #tpu.memory_space<vmem>>, vector<16x64xf32>
    %dot_general3A_292 = arith.constant dense<0.000000e+00> : vector<1024x64xf32>
    %dot_general3A_293 = tpu.matmul %exp3A_276, %get3A_291, %dot_general3A_292 {dimension_numbers = #tpu.dot_dimension_numbers<[1], [0], [0], [1], [0, 0, 1, 1], [], []>, precision = #tpu.contract_precision<fp32>, transpose_lhs_hint = false} : vector<1024x16xf32>, vector<16x64xf32>, vector<1024x64xf32> -> vector<1024x64xf32>
    %add3A_294 = arith.addf %add3A_288, %dot_general3A_293 : vector<1024x64xf32>
    %slice3A_295 = vector.extract_strided_slice %transpose3A_265 {offsets = [0, 1], sizes = [1024, 3], strides = [1, 1]} : vector<1024x4xf32> to vector<1024x3xf32>
    %get3A_296 = arith.constant 0 : index
    %get3A_297 = arith.constant 0 : index
    %get3A_298 = vector.load %arg13[%get3A_296, %get3A_297] : memref<3x64xf32, #tpu.memory_space<vmem>>, vector<3x64xf32>
    %dot_general3A_299 = arith.constant dense<0.000000e+00> : vector<1024x64xf32>
    %dot_general3A_300 = tpu.matmul %slice3A_295, %get3A_298, %dot_general3A_299 {dimension_numbers = #tpu.dot_dimension_numbers<[1], [0], [0], [1], [0, 0, 1, 1], [], []>, precision = #tpu.contract_precision<fp32>, transpose_lhs_hint = false} : vector<1024x3xf32>, vector<3x64xf32>, vector<1024x64xf32> -> vector<1024x64xf32>
    %add3A_301 = arith.addf %add3A_294, %dot_general3A_300 : vector<1024x64xf32>
    %get3A_302 = arith.constant 0 : index
    %get3A_303 = arith.constant 0 : index
    %get3A_304 = vector.load %arg14[%get3A_302, %get3A_303] : memref<1x64xf32, #tpu.memory_space<vmem>>, vector<1x64xf32>
    %add3A_305 = vector.broadcast %get3A_304 : vector<1x64xf32> to vector<1024x64xf32>
    %add3A_306 = arith.addf %add3A_301, %add3A_305 : vector<1024x64xf32>
    %max3A_307 = arith.constant 0.000000e+00 : f32
    %max3A_308 = vector.broadcast %max3A_307 : f32 to vector<1024x64xf32>
    %max3A_309 = arith.maximumf %add3A_306, %max3A_308 : vector<1024x64xf32>
    %get3A_310 = arith.constant 0 : index
    %get3A_311 = arith.constant 0 : index
    %get3A_312 = vector.load %arg15[%get3A_310, %get3A_311] : memref<64x1xf32, #tpu.memory_space<vmem>>, vector<64x1xf32>
    %dot_general3A_313 = arith.constant dense<0.000000e+00> : vector<1024x1xf32>
    %dot_general3A_314 = tpu.matmul %max3A_309, %get3A_312, %dot_general3A_313 {dimension_numbers = #tpu.dot_dimension_numbers<[1], [0], [0], [1], [0, 0, 1, 1], [], []>, precision = #tpu.contract_precision<fp32>, transpose_lhs_hint = false} : vector<1024x64xf32>, vector<64x1xf32>, vector<1024x1xf32> -> vector<1024x1xf32>
    %get3A_315 = arith.constant 0 : index
    %get3A_316 = arith.constant 0 : index
    %get3A_317 = vector.load %arg16[%get3A_315, %get3A_316] : memref<1x1xf32, #tpu.memory_space<vmem>>, vector<1x1xf32>
    %add3A_318 = vector.broadcast %get3A_317 : vector<1x1xf32> to vector<1024x1xf32>
    %add3A_319 = arith.addf %dot_general3A_314, %add3A_318 : vector<1024x1xf32>
    %transpose3A_320 = tpu.transpose %add3A_319, [1, 0] : vector<1024x1xf32> -> vector<1x1024xf32>
    %mul3A_321 = arith.mulf %sub3A_239, %transpose3A_320 : vector<1x1024xf32>
    %mul3A_322 = arith.mulf %sub3A_242, %transpose3A_320 : vector<1x1024xf32>
    %mul3A_323 = arith.mulf %sub3A_245, %transpose3A_320 : vector<1x1024xf32>
    %concatenate3A_324 = tpu.concatenate %get3A_188, %get3A_193 in 1 : vector<1024x128xf32>, vector<1024x16xf32> -> vector<1024x144xf32>
    %get3A_325 = arith.constant 2 : index
    %get3A_326 = arith.constant 0 : index
    %get3A_327 = arith.constant 0 : index
    %get3A_328 = vector.load %arg1[%get3A_325, %get3A_326, %get3A_327] : memref<3x1024x128xf32, #tpu.memory_space<vmem>>, vector<1x1024x128xf32>
    %get3A_329 = vector.shape_cast %get3A_328 : vector<1x1024x128xf32> to vector<1024x128xf32>
    %get3A_330 = arith.constant 2 : index
    %get3A_331 = arith.constant 0 : index
    %get3A_332 = arith.constant 0 : index
    %get3A_333 = vector.load %arg3[%get3A_330, %get3A_331, %get3A_332] : memref<3x1024x16xf32, #tpu.memory_space<vmem>>, vector<1x1024x16xf32>
    %get3A_334 = vector.shape_cast %get3A_333 : vector<1x1024x16xf32> to vector<1024x16xf32>
    %get3A_335 = arith.constant 2 : index
    %get3A_336 = arith.constant 0 : index
    %get3A_337 = arith.constant 0 : index
    %get3A_338 = vector.load %arg2[%get3A_335, %get3A_336, %get3A_337] : memref<3x1024x8xf32, #tpu.memory_space<vmem>>, vector<1x1024x8xf32>
    %get3A_339 = vector.shape_cast %get3A_338 : vector<1x1024x8xf32> to vector<1024x8xf32>
    %transpose3A_340 = tpu.transpose %get3A_339, [1, 0] : vector<1024x8xf32> -> vector<8x1024xf32>
    %slice3A_341 = vector.extract_strided_slice %transpose3A_340 {offsets = [0, 0], sizes = [1, 1024], strides = [1, 1]} : vector<8x1024xf32> to vector<1x1024xf32>
    %slice3A_342 = vector.extract_strided_slice %transpose3A_340 {offsets = [1, 0], sizes = [1, 1024], strides = [1, 1]} : vector<8x1024xf32> to vector<1x1024xf32>
    %slice3A_343 = vector.extract_strided_slice %transpose3A_340 {offsets = [2, 0], sizes = [1, 1024], strides = [1, 1]} : vector<8x1024xf32> to vector<1x1024xf32>
    %slice3A_344 = vector.extract_strided_slice %transpose3A_340 {offsets = [3, 0], sizes = [1, 1024], strides = [1, 1]} : vector<8x1024xf32> to vector<1x1024xf32>
    %slice3A_345 = vector.extract_strided_slice %transpose3A_340 {offsets = [4, 0], sizes = [1, 1024], strides = [1, 1]} : vector<8x1024xf32> to vector<1x1024xf32>
    %slice3A_346 = vector.extract_strided_slice %transpose3A_340 {offsets = [5, 0], sizes = [1, 1024], strides = [1, 1]} : vector<8x1024xf32> to vector<1x1024xf32>
    %sub3A_347 = arith.subf %slice3A_341, %slice3A : vector<1x1024xf32>
    %sub3A_348 = arith.subf %slice3A_342, %slice3A_6 : vector<1x1024xf32>
    %sub3A_349 = arith.subf %slice3A_343, %slice3A_7 : vector<1x1024xf32>
    %mul3A_350 = arith.mulf %sub3A_347, %mul3A_21 : vector<1x1024xf32>
    %mul3A_351 = arith.mulf %sub3A_348, %mul3A_22 : vector<1x1024xf32>
    %add3A_352 = arith.addf %mul3A_350, %mul3A_351 : vector<1x1024xf32>
    %mul3A_353 = arith.mulf %sub3A_349, %mul3A_23 : vector<1x1024xf32>
    %add3A_354 = arith.addf %add3A_352, %mul3A_353 : vector<1x1024xf32>
    %mul3A_355 = arith.mulf %add3A_354, %mul3A_21 : vector<1x1024xf32>
    %sub3A_356 = arith.subf %sub3A_347, %mul3A_355 : vector<1x1024xf32>
    %mul3A_357 = arith.mulf %add3A_354, %mul3A_22 : vector<1x1024xf32>
    %sub3A_358 = arith.subf %sub3A_348, %mul3A_357 : vector<1x1024xf32>
    %mul3A_359 = arith.mulf %add3A_354, %mul3A_23 : vector<1x1024xf32>
    %sub3A_360 = arith.subf %sub3A_349, %mul3A_359 : vector<1x1024xf32>
    %mul3A_361 = arith.mulf %sub3A_356, %sub3A_356 : vector<1x1024xf32>
    %mul3A_362 = arith.mulf %sub3A_358, %sub3A_358 : vector<1x1024xf32>
    %add3A_363 = arith.addf %mul3A_361, %mul3A_362 : vector<1x1024xf32>
    %mul3A_364 = arith.mulf %sub3A_360, %sub3A_360 : vector<1x1024xf32>
    %add3A_365 = arith.addf %add3A_363, %mul3A_364 : vector<1x1024xf32>
    %sqrt3A_366 = math.sqrt %add3A_365 : vector<1x1024xf32>
    %mul3A_367 = arith.mulf %slice3A_344, %mul3A_21 : vector<1x1024xf32>
    %mul3A_368 = arith.mulf %slice3A_345, %mul3A_22 : vector<1x1024xf32>
    %add3A_369 = arith.addf %mul3A_367, %mul3A_368 : vector<1x1024xf32>
    %mul3A_370 = arith.mulf %slice3A_346, %mul3A_23 : vector<1x1024xf32>
    %add3A_371 = arith.addf %add3A_369, %mul3A_370 : vector<1x1024xf32>
    %mul3A_372 = arith.mulf %add3A_371, %mul3A_21 : vector<1x1024xf32>
    %sub3A_373 = arith.subf %slice3A_344, %mul3A_372 : vector<1x1024xf32>
    %mul3A_374 = arith.mulf %add3A_371, %mul3A_22 : vector<1x1024xf32>
    %sub3A_375 = arith.subf %slice3A_345, %mul3A_374 : vector<1x1024xf32>
    %mul3A_376 = arith.mulf %add3A_371, %mul3A_23 : vector<1x1024xf32>
    %sub3A_377 = arith.subf %slice3A_346, %mul3A_376 : vector<1x1024xf32>
    %mul3A_378 = arith.mulf %sub3A_358, %sub3A_377 : vector<1x1024xf32>
    %mul3A_379 = arith.mulf %sub3A_360, %sub3A_375 : vector<1x1024xf32>
    %sub3A_380 = arith.subf %mul3A_378, %mul3A_379 : vector<1x1024xf32>
    %mul3A_381 = arith.mulf %sub3A_360, %sub3A_373 : vector<1x1024xf32>
    %mul3A_382 = arith.mulf %sub3A_356, %sub3A_377 : vector<1x1024xf32>
    %sub3A_383 = arith.subf %mul3A_381, %mul3A_382 : vector<1x1024xf32>
    %mul3A_384 = arith.mulf %sub3A_356, %sub3A_375 : vector<1x1024xf32>
    %mul3A_385 = arith.mulf %sub3A_358, %sub3A_373 : vector<1x1024xf32>
    %sub3A_386 = arith.subf %mul3A_384, %mul3A_385 : vector<1x1024xf32>
    %mul3A_387 = arith.mulf %slice3A_344, %slice3A_344 : vector<1x1024xf32>
    %mul3A_388 = arith.mulf %slice3A_345, %slice3A_345 : vector<1x1024xf32>
    %add3A_389 = arith.addf %mul3A_387, %mul3A_388 : vector<1x1024xf32>
    %mul3A_390 = arith.mulf %slice3A_346, %slice3A_346 : vector<1x1024xf32>
    %add3A_391 = arith.addf %add3A_389, %mul3A_390 : vector<1x1024xf32>
    %sqrt3A_392 = math.sqrt %add3A_391 : vector<1x1024xf32>
    %mul3A_393 = arith.mulf %sub3A_373, %sub3A_373 : vector<1x1024xf32>
    %mul3A_394 = arith.mulf %sub3A_375, %sub3A_375 : vector<1x1024xf32>
    %add3A_395 = arith.addf %mul3A_393, %mul3A_394 : vector<1x1024xf32>
    %mul3A_396 = arith.mulf %sub3A_377, %sub3A_377 : vector<1x1024xf32>
    %add3A_397 = arith.addf %add3A_395, %mul3A_396 : vector<1x1024xf32>
    %sqrt3A_398 = math.sqrt %add3A_397 : vector<1x1024xf32>
    %mul3A_399 = arith.mulf %sub3A_380, %sub3A_380 : vector<1x1024xf32>
    %mul3A_400 = arith.mulf %sub3A_383, %sub3A_383 : vector<1x1024xf32>
    %add3A_401 = arith.addf %mul3A_399, %mul3A_400 : vector<1x1024xf32>
    %mul3A_402 = arith.mulf %sub3A_386, %sub3A_386 : vector<1x1024xf32>
    %add3A_403 = arith.addf %add3A_401, %mul3A_402 : vector<1x1024xf32>
    %sqrt3A_404 = math.sqrt %add3A_403 : vector<1x1024xf32>
    %concatenate3A_405 = tpu.concatenate %sqrt3A_366, %sqrt3A_392, %sqrt3A_398, %sqrt3A_404 in 0 : vector<1x1024xf32>, vector<1x1024xf32>, vector<1x1024xf32>, vector<1x1024xf32> -> vector<4x1024xf32>
    %transpose3A_406 = tpu.transpose %concatenate3A_405, [1, 0] : vector<4x1024xf32> -> vector<1024x4xf32>
    %slice3A_407 = vector.extract_strided_slice %transpose3A_406 {offsets = [0, 0], sizes = [1024, 1], strides = [1, 1]} : vector<1024x4xf32> to vector<1024x1xf32>
    %get3A_408 = arith.constant 0 : index
    %get3A_409 = arith.constant 0 : index
    %get3A_410 = vector.load %arg23[%get3A_408, %get3A_409] : memref<1x16xf32, #tpu.memory_space<vmem>>, vector<1x16xf32>
    %sub3A_411 = vector.broadcast %slice3A_407 : vector<1024x1xf32> to vector<1024x16xf32>
    %sub3A_412 = vector.broadcast %get3A_410 : vector<1x16xf32> to vector<1024x16xf32>
    %sub3A_413 = arith.subf %sub3A_411, %sub3A_412 : vector<1024x16xf32>
    %integer_pow3A_414 = arith.mulf %sub3A_413, %sub3A_413 : vector<1024x16xf32>
    %mul3A_415 = vector.broadcast %get3A_45 : f32 to vector<1024x16xf32>
    %mul3A_416 = arith.mulf %mul3A_415, %integer_pow3A_414 : vector<1024x16xf32>
    %exp3A_417 = math.exp %mul3A_416 : vector<1024x16xf32>
    %get3A_418 = arith.constant 0 : index
    %get3A_419 = arith.constant 0 : index
    %get3A_420 = vector.load %arg8[%get3A_418, %get3A_419] : memref<128x64xf32, #tpu.memory_space<vmem>>, vector<128x64xf32>
    %dot_general3A_421 = arith.constant dense<0.000000e+00> : vector<1024x64xf32>
    %dot_general3A_422 = tpu.matmul %get3A_329, %get3A_420, %dot_general3A_421 {dimension_numbers = #tpu.dot_dimension_numbers<[1], [0], [0], [1], [0, 0, 1, 1], [], []>, precision = #tpu.contract_precision<fp32>, transpose_lhs_hint = false} : vector<1024x128xf32>, vector<128x64xf32>, vector<1024x64xf32> -> vector<1024x64xf32>
    %get3A_423 = arith.constant 0 : index
    %get3A_424 = arith.constant 0 : index
    %get3A_425 = vector.load %arg9[%get3A_423, %get3A_424] : memref<16x64xf32, #tpu.memory_space<vmem>>, vector<16x64xf32>
    %dot_general3A_426 = arith.constant dense<0.000000e+00> : vector<1024x64xf32>
    %dot_general3A_427 = tpu.matmul %get3A_334, %get3A_425, %dot_general3A_426 {dimension_numbers = #tpu.dot_dimension_numbers<[1], [0], [0], [1], [0, 0, 1, 1], [], []>, precision = #tpu.contract_precision<fp32>, transpose_lhs_hint = false} : vector<1024x16xf32>, vector<16x64xf32>, vector<1024x64xf32> -> vector<1024x64xf32>
    %add3A_428 = arith.addf %dot_general3A_422, %dot_general3A_427 : vector<1024x64xf32>
    %add3A_429 = arith.addf %add3A_428, %add3A_41 : vector<1024x64xf32>
    %get3A_430 = arith.constant 0 : index
    %get3A_431 = arith.constant 0 : index
    %get3A_432 = vector.load %arg12[%get3A_430, %get3A_431] : memref<16x64xf32, #tpu.memory_space<vmem>>, vector<16x64xf32>
    %dot_general3A_433 = arith.constant dense<0.000000e+00> : vector<1024x64xf32>
    %dot_general3A_434 = tpu.matmul %exp3A_417, %get3A_432, %dot_general3A_433 {dimension_numbers = #tpu.dot_dimension_numbers<[1], [0], [0], [1], [0, 0, 1, 1], [], []>, precision = #tpu.contract_precision<fp32>, transpose_lhs_hint = false} : vector<1024x16xf32>, vector<16x64xf32>, vector<1024x64xf32> -> vector<1024x64xf32>
    %add3A_435 = arith.addf %add3A_429, %dot_general3A_434 : vector<1024x64xf32>
    %slice3A_436 = vector.extract_strided_slice %transpose3A_406 {offsets = [0, 1], sizes = [1024, 3], strides = [1, 1]} : vector<1024x4xf32> to vector<1024x3xf32>
    %get3A_437 = arith.constant 0 : index
    %get3A_438 = arith.constant 0 : index
    %get3A_439 = vector.load %arg13[%get3A_437, %get3A_438] : memref<3x64xf32, #tpu.memory_space<vmem>>, vector<3x64xf32>
    %dot_general3A_440 = arith.constant dense<0.000000e+00> : vector<1024x64xf32>
    %dot_general3A_441 = tpu.matmul %slice3A_436, %get3A_439, %dot_general3A_440 {dimension_numbers = #tpu.dot_dimension_numbers<[1], [0], [0], [1], [0, 0, 1, 1], [], []>, precision = #tpu.contract_precision<fp32>, transpose_lhs_hint = false} : vector<1024x3xf32>, vector<3x64xf32>, vector<1024x64xf32> -> vector<1024x64xf32>
    %add3A_442 = arith.addf %add3A_435, %dot_general3A_441 : vector<1024x64xf32>
    %get3A_443 = arith.constant 0 : index
    %get3A_444 = arith.constant 0 : index
    %get3A_445 = vector.load %arg14[%get3A_443, %get3A_444] : memref<1x64xf32, #tpu.memory_space<vmem>>, vector<1x64xf32>
    %add3A_446 = vector.broadcast %get3A_445 : vector<1x64xf32> to vector<1024x64xf32>
    %add3A_447 = arith.addf %add3A_442, %add3A_446 : vector<1024x64xf32>
    %max3A_448 = arith.constant 0.000000e+00 : f32
    %max3A_449 = vector.broadcast %max3A_448 : f32 to vector<1024x64xf32>
    %max3A_450 = arith.maximumf %add3A_447, %max3A_449 : vector<1024x64xf32>
    %get3A_451 = arith.constant 0 : index
    %get3A_452 = arith.constant 0 : index
    %get3A_453 = vector.load %arg15[%get3A_451, %get3A_452] : memref<64x1xf32, #tpu.memory_space<vmem>>, vector<64x1xf32>
    %dot_general3A_454 = arith.constant dense<0.000000e+00> : vector<1024x1xf32>
    %dot_general3A_455 = tpu.matmul %max3A_450, %get3A_453, %dot_general3A_454 {dimension_numbers = #tpu.dot_dimension_numbers<[1], [0], [0], [1], [0, 0, 1, 1], [], []>, precision = #tpu.contract_precision<fp32>, transpose_lhs_hint = false} : vector<1024x64xf32>, vector<64x1xf32>, vector<1024x1xf32> -> vector<1024x1xf32>
    %get3A_456 = arith.constant 0 : index
    %get3A_457 = arith.constant 0 : index
    %get3A_458 = vector.load %arg16[%get3A_456, %get3A_457] : memref<1x1xf32, #tpu.memory_space<vmem>>, vector<1x1xf32>
    %add3A_459 = vector.broadcast %get3A_458 : vector<1x1xf32> to vector<1024x1xf32>
    %add3A_460 = arith.addf %dot_general3A_455, %add3A_459 : vector<1024x1xf32>
    %transpose3A_461 = tpu.transpose %add3A_460, [1, 0] : vector<1024x1xf32> -> vector<1x1024xf32>
    %mul3A_462 = arith.mulf %sub3A_380, %transpose3A_461 : vector<1x1024xf32>
    %mul3A_463 = arith.mulf %sub3A_383, %transpose3A_461 : vector<1x1024xf32>
    %mul3A_464 = arith.mulf %sub3A_386, %transpose3A_461 : vector<1x1024xf32>
    %concatenate3A_465 = tpu.concatenate %get3A_329, %get3A_334 in 1 : vector<1024x128xf32>, vector<1024x16xf32> -> vector<1024x144xf32>
    %concatenate3A_466 = tpu.concatenate %concatenate3A_183, %concatenate3A_324, %concatenate3A_465 in 0 : vector<1024x144xf32>, vector<1024x144xf32>, vector<1024x144xf32> -> vector<3072x144xf32>
    %get3A_467 = arith.constant 0 : index
    %get3A_468 = arith.constant 0 : index
    %get3A_469 = vector.load %arg17[%get3A_467, %get3A_468] : memref<144x96xf32, #tpu.memory_space<vmem>>, vector<144x96xf32>
    %dot_general3A_470 = arith.constant dense<0.000000e+00> : vector<3072x96xf32>
    %dot_general3A_471 = tpu.matmul %concatenate3A_466, %get3A_469, %dot_general3A_470 {dimension_numbers = #tpu.dot_dimension_numbers<[1], [0], [0], [1], [0, 0, 1, 1], [], []>, precision = #tpu.contract_precision<fp32>, transpose_lhs_hint = false} : vector<3072x144xf32>, vector<144x96xf32>, vector<3072x96xf32> -> vector<3072x96xf32>
    %get3A_472 = arith.constant 0 : index
    %get3A_473 = arith.constant 0 : index
    %get3A_474 = vector.load %arg18[%get3A_472, %get3A_473] : memref<1x96xf32, #tpu.memory_space<vmem>>, vector<1x96xf32>
    %add3A_475 = vector.broadcast %get3A_474 : vector<1x96xf32> to vector<3072x96xf32>
    %add3A_476 = arith.addf %dot_general3A_471, %add3A_475 : vector<3072x96xf32>
    %max3A_477 = arith.constant 0.000000e+00 : f32
    %max3A_478 = vector.broadcast %max3A_477 : f32 to vector<3072x96xf32>
    %max3A_479 = arith.maximumf %add3A_476, %max3A_478 : vector<3072x96xf32>
    %get3A_480 = arith.constant 0 : index
    %get3A_481 = arith.constant 0 : index
    %get3A_482 = vector.load %arg19[%get3A_480, %get3A_481] : memref<96x96xf32, #tpu.memory_space<vmem>>, vector<96x96xf32>
    %dot_general3A_483 = arith.constant dense<0.000000e+00> : vector<3072x96xf32>
    %dot_general3A_484 = tpu.matmul %max3A_479, %get3A_482, %dot_general3A_483 {dimension_numbers = #tpu.dot_dimension_numbers<[1], [0], [0], [1], [0, 0, 1, 1], [], []>, precision = #tpu.contract_precision<fp32>, transpose_lhs_hint = false} : vector<3072x96xf32>, vector<96x96xf32>, vector<3072x96xf32> -> vector<3072x96xf32>
    %get3A_485 = arith.constant 0 : index
    %get3A_486 = arith.constant 0 : index
    %get3A_487 = vector.load %arg20[%get3A_485, %get3A_486] : memref<1x96xf32, #tpu.memory_space<vmem>>, vector<1x96xf32>
    %add3A_488 = vector.broadcast %get3A_487 : vector<1x96xf32> to vector<3072x96xf32>
    %add3A_489 = arith.addf %dot_general3A_484, %add3A_488 : vector<3072x96xf32>
    %slice3A_490 = vector.extract_strided_slice %add3A_489 {offsets = [0, 32], sizes = [3072, 32], strides = [1, 1]} : vector<3072x96xf32> to vector<3072x32xf32>
    %slice3A_491 = vector.extract_strided_slice %add3A_489 {offsets = [0, 0], sizes = [3072, 32], strides = [1, 1]} : vector<3072x96xf32> to vector<3072x32xf32>
    %mul3A_492 = arith.mulf %slice3A_490, %slice3A_491 : vector<3072x32xf32>
    %get3A_493 = arith.constant 0 : index
    %get3A_494 = arith.constant 0 : index
    %get3A_495 = vector.load %arg21[%get3A_493, %get3A_494] : memref<32x32xf32, #tpu.memory_space<vmem>>, vector<32x32xf32>
    %dot_general3A_496 = arith.constant dense<0.000000e+00> : vector<3072x32xf32>
    %dot_general3A_497 = tpu.matmul %mul3A_492, %get3A_495, %dot_general3A_496 {dimension_numbers = #tpu.dot_dimension_numbers<[1], [0], [0], [1], [0, 0, 1, 1], [], []>, precision = #tpu.contract_precision<fp32>, transpose_lhs_hint = false} : vector<3072x32xf32>, vector<32x32xf32>, vector<3072x32xf32> -> vector<3072x32xf32>
    %get3A_498 = arith.constant 0 : index
    %get3A_499 = arith.constant 0 : index
    %get3A_500 = vector.load %arg22[%get3A_498, %get3A_499] : memref<1x32xf32, #tpu.memory_space<vmem>>, vector<1x32xf32>
    %add3A_501 = vector.broadcast %get3A_500 : vector<1x32xf32> to vector<3072x32xf32>
    %add3A_502 = arith.addf %dot_general3A_497, %add3A_501 : vector<3072x32xf32>
    %slice3A_503 = vector.extract_strided_slice %add3A_489 {offsets = [0, 64], sizes = [3072, 32], strides = [1, 1]} : vector<3072x96xf32> to vector<3072x32xf32>
    %logistic3A = arith.negf %slice3A_503 : vector<3072x32xf32>
    %logistic3A_504 = math.exp %logistic3A : vector<3072x32xf32>
    %logistic3A_505 = arith.constant 1.000000e+00 : f32
    %logistic3A_506 = vector.broadcast %logistic3A_505 : f32 to vector<3072x32xf32>
    %logistic3A_507 = arith.addf %logistic3A_506, %logistic3A_504 : vector<3072x32xf32>
    %logistic3A_508 = arith.divf %logistic3A_506, %logistic3A_507 : vector<3072x32xf32>
    %mul3A_509 = arith.mulf %add3A_502, %logistic3A_508 : vector<3072x32xf32>
    %slice3A_510 = vector.extract_strided_slice %mul3A_509 {offsets = [0, 0], sizes = [1024, 32], strides = [1, 1]} : vector<3072x32xf32> to vector<1024x32xf32>
    %slice3A_511 = vector.extract_strided_slice %mul3A_509 {offsets = [1024, 0], sizes = [1024, 32], strides = [1, 1]} : vector<3072x32xf32> to vector<1024x32xf32>
    %add3A_512 = arith.addf %mul3A_180, %mul3A_321 : vector<1x1024xf32>
    %add3A_513 = arith.addf %mul3A_181, %mul3A_322 : vector<1x1024xf32>
    %add3A_514 = arith.addf %mul3A_182, %mul3A_323 : vector<1x1024xf32>
    %add3A_515 = arith.addf %slice3A_510, %slice3A_511 : vector<1024x32xf32>
    %slice3A_516 = vector.extract_strided_slice %mul3A_509 {offsets = [2048, 0], sizes = [1024, 32], strides = [1, 1]} : vector<3072x32xf32> to vector<1024x32xf32>
    %add3A_517 = arith.addf %add3A_512, %mul3A_462 : vector<1x1024xf32>
    %add3A_518 = arith.addf %add3A_513, %mul3A_463 : vector<1x1024xf32>
    %add3A_519 = arith.addf %add3A_514, %mul3A_464 : vector<1x1024xf32>
    %add3A_520 = arith.addf %add3A_515, %slice3A_516 : vector<1024x32xf32>
    %concatenate3A_521 = tpu.concatenate %add3A_517, %add3A_518, %add3A_519 in 0 : vector<1x1024xf32>, vector<1x1024xf32>, vector<1x1024xf32> -> vector<3x1024xf32>
    %div3A_522 = arith.constant 3.000000e+00 : f32
    %div3A_523 = vector.broadcast %div3A_522 : f32 to vector<3x1024xf32>
    %div3A_524 = arith.divf %concatenate3A_521, %div3A_523 : vector<3x1024xf32>
    %swap3A_525 = arith.constant 0 : index
    %swap3A_526 = arith.constant 0 : index
    %swap3A_527 = vector.load %arg26[%swap3A_525, %swap3A_526] : memref<3x1024xf32, #tpu.memory_space<vmem>>, vector<3x1024xf32>
    tpu.vector_store %arg26[%swap3A_525, %swap3A_526], %div3A_524 {strides = array<i32>} : memref<3x1024xf32, #tpu.memory_space<vmem>>, vector<3x1024xf32>,
    %mul3A_528 = arith.constant 1024 : i32
    %mul3A_529 = arith.muli %arg0, %mul3A_528 : i32
    %iota3A = tpu.iota {dimensions = array<i32: 0>} : vector<1024x1xi32>
    %add3A_530 = vector.broadcast %mul3A_529 : i32 to vector<1024x1xi32>
    %add3A_531 = arith.addi %add3A_530, %iota3A : vector<1024x1xi32>
    %lt3A = arith.constant 40000 : i32
    %lt3A_532 = vector.broadcast %lt3A : i32 to vector<1024x1xi32>
    %lt3A_533 = arith.cmpi slt, %add3A_531, %lt3A_532 : vector<1024x1xi32>
    %jit3A = arith.constant 0.000000e+00 : f32
    %broadcast_in_dim3A = vector.shape_cast %lt3A_533 : vector<1024x1xi1> to vector<1024x1xi1>
    %broadcast_in_dim3A_534 = vector.broadcast %broadcast_in_dim3A : vector<1024x1xi1> to vector<1024x32xi1>
    %broadcast_in_dim3A_535 = vector.broadcast %jit3A : f32 to vector<1024x32xf32>
    %select_n3A = arith.select %broadcast_in_dim3A_534, %add3A_520, %broadcast_in_dim3A_535 : vector<1024x32xi1>, vector<1024x32xf32>
    %swap3A_536 = arith.constant 0 : index
    %swap3A_537 = arith.constant 0 : index
    %swap3A_538 = vector.load %arg25[%swap3A_536, %swap3A_537] : memref<1024x32xf32, #tpu.memory_space<vmem>>, vector<1024x32xf32>
    tpu.vector_store %arg25[%swap3A_536, %swap3A_537], %select_n3A {strides = array<i32>} : memref<1024x32xf32, #tpu.memory_space<vmem>>, vector<1024x32xf32>,
    return
  }
  func.func @transform_0(%arg0: i32) -> (i32, i32, i32) {
    %c0_i32 = arith.constant 0 : i32
    %c0_i32_0 = arith.constant 0 : i32
    %c0_i32_1 = arith.constant 0 : i32
    return %c0_i32, %arg0, %c0_i32_0 : i32, i32, i32
  }
  func.func @transform_1(%arg0: i32) -> (i32, i32, i32) {
    %c0_i32 = arith.constant 0 : i32
    %c0_i32_0 = arith.constant 0 : i32
    %c0_i32_1 = arith.constant 0 : i32
    return %c0_i32, %arg0, %c0_i32_0 : i32, i32, i32
  }
  func.func @transform_2(%arg0: i32) -> (i32, i32, i32) {
    %c0_i32 = arith.constant 0 : i32
    %c0_i32_0 = arith.constant 0 : i32
    %c0_i32_1 = arith.constant 0 : i32
    return %c0_i32, %arg0, %c0_i32_0 : i32, i32, i32
  }
  func.func @transform_3(%arg0: i32) -> (i32, i32) {
    %c0_i32 = arith.constant 0 : i32
    %c0_i32_0 = arith.constant 0 : i32
    return %arg0, %c0_i32 : i32, i32
  }
  func.func @transform_4(%arg0: i32) -> (i32, i32) {
    %c0_i32 = arith.constant 0 : i32
    %c0_i32_0 = arith.constant 0 : i32
    return %arg0, %c0_i32 : i32, i32
  }
  func.func @transform_5(%arg0: i32) -> (i32, i32) {
    %c0_i32 = arith.constant 0 : i32
    %c0_i32_0 = arith.constant 0 : i32
    return %arg0, %c0_i32 : i32, i32
  }
  func.func @transform_6(%arg0: i32) -> (i32, i32) {
    %c0_i32 = arith.constant 0 : i32
    %c0_i32_0 = arith.constant 0 : i32
    return %arg0, %c0_i32 : i32, i32
  }
  func.func @transform_7(%arg0: i32) -> (i32, i32) {
    %c0_i32 = arith.constant 0 : i32
    %c0_i32_0 = arith.constant 0 : i32
    %c0_i32_1 = arith.constant 0 : i32
    return %c0_i32, %c0_i32_0 : i32, i32
  }
  func.func @transform_8(%arg0: i32) -> (i32, i32) {
    %c0_i32 = arith.constant 0 : i32
    %c0_i32_0 = arith.constant 0 : i32
    %c0_i32_1 = arith.constant 0 : i32
    return %c0_i32, %c0_i32_0 : i32, i32
  }
  func.func @transform_9(%arg0: i32) -> (i32, i32) {
    %c0_i32 = arith.constant 0 : i32
    %c0_i32_0 = arith.constant 0 : i32
    %c0_i32_1 = arith.constant 0 : i32
    return %c0_i32, %c0_i32_0 : i32, i32
  }
  func.func @transform_10(%arg0: i32) -> (i32, i32) {
    %c0_i32 = arith.constant 0 : i32
    %c0_i32_0 = arith.constant 0 : i32
    %c0_i32_1 = arith.constant 0 : i32
    return %c0_i32, %c0_i32_0 : i32, i32
  }
  func.func @transform_11(%arg0: i32) -> (i32, i32) {
    %c0_i32 = arith.constant 0 : i32
    %c0_i32_0 = arith.constant 0 : i32
    %c0_i32_1 = arith.constant 0 : i32
    return %c0_i32, %c0_i32_0 : i32, i32
  }
  func.func @transform_12(%arg0: i32) -> (i32, i32) {
    %c0_i32 = arith.constant 0 : i32
    %c0_i32_0 = arith.constant 0 : i32
    %c0_i32_1 = arith.constant 0 : i32
    return %c0_i32, %c0_i32_0 : i32, i32
  }
  func.func @transform_13(%arg0: i32) -> (i32, i32) {
    %c0_i32 = arith.constant 0 : i32
    %c0_i32_0 = arith.constant 0 : i32
    %c0_i32_1 = arith.constant 0 : i32
    return %c0_i32, %c0_i32_0 : i32, i32
  }
  func.func @transform_14(%arg0: i32) -> (i32, i32) {
    %c0_i32 = arith.constant 0 : i32
    %c0_i32_0 = arith.constant 0 : i32
    %c0_i32_1 = arith.constant 0 : i32
    return %c0_i32, %c0_i32_0 : i32, i32
  }
  func.func @transform_15(%arg0: i32) -> (i32, i32) {
    %c0_i32 = arith.constant 0 : i32
    %c0_i32_0 = arith.constant 0 : i32
    %c0_i32_1 = arith.constant 0 : i32
    return %c0_i32, %c0_i32_0 : i32, i32
  }
  func.func @transform_16(%arg0: i32) -> (i32, i32) {
    %c0_i32 = arith.constant 0 : i32
    %c0_i32_0 = arith.constant 0 : i32
    %c0_i32_1 = arith.constant 0 : i32
    return %c0_i32, %c0_i32_0 : i32, i32
  }
  func.func @transform_17(%arg0: i32) -> (i32, i32) {
    %c0_i32 = arith.constant 0 : i32
    %c0_i32_0 = arith.constant 0 : i32
    %c0_i32_1 = arith.constant 0 : i32
    return %c0_i32, %c0_i32_0 : i32, i32
  }
  func.func @transform_18(%arg0: i32) -> (i32, i32) {
    %c0_i32 = arith.constant 0 : i32
    %c0_i32_0 = arith.constant 0 : i32
    %c0_i32_1 = arith.constant 0 : i32
    return %c0_i32, %c0_i32_0 : i32, i32
  }
  func.func @transform_19(%arg0: i32) -> (i32, i32) {
    %c0_i32 = arith.constant 0 : i32
    %c0_i32_0 = arith.constant 0 : i32
    %c0_i32_1 = arith.constant 0 : i32
    return %c0_i32, %c0_i32_0 : i32, i32
  }
  func.func @transform_20(%arg0: i32) -> (i32, i32) {
    %c0_i32 = arith.constant 0 : i32
    %c0_i32_0 = arith.constant 0 : i32
    %c0_i32_1 = arith.constant 0 : i32
    return %c0_i32, %c0_i32_0 : i32, i32
  }
  func.func @transform_21(%arg0: i32) -> (i32, i32) {
    %c0_i32 = arith.constant 0 : i32
    %c0_i32_0 = arith.constant 0 : i32
    %c0_i32_1 = arith.constant 0 : i32
    return %c0_i32, %c0_i32_0 : i32, i32
  }
  func.func @transform_22(%arg0: i32) -> (i32, i32) {
    %c0_i32 = arith.constant 0 : i32
    %c0_i32_0 = arith.constant 0 : i32
    %c0_i32_1 = arith.constant 0 : i32
    return %c0_i32, %c0_i32_0 : i32, i32
  }
  func.func @transform_23(%arg0: i32) -> (i32, i32) {
    %c0_i32 = arith.constant 0 : i32
    %c0_i32_0 = arith.constant 0 : i32
    %c0_i32_1 = arith.constant 0 : i32
    return %c0_i32, %c0_i32_0 : i32, i32
  }
  func.func @transform_24(%arg0: i32) -> (i32, i32) {
    %c0_i32 = arith.constant 0 : i32
    %c0_i32_0 = arith.constant 0 : i32
    return %arg0, %c0_i32 : i32, i32
  }
  func.func @transform_25(%arg0: i32) -> (i32, i32) {
    %c0_i32 = arith.constant 0 : i32
    %c0_i32_0 = arith.constant 0 : i32
    return %c0_i32, %arg0 : i32, i32
  }
  func.func @transform_26(%arg0: i32) -> (i32, i32) {
    %c0_i32 = arith.constant 0 : i32
    %c0_i32_0 = arith.constant 0 : i32
    return %c0_i32, %arg0 : i32, i32
  }
}

module attributes {stable_mosaic.version = 14 : i64} {
  func.func @_k2_body(%arg0: i32, %arg1: memref<2000x128xf32, #tpu.memory_space<vmem>>, %arg2: memref<2000x32xf32, #tpu.memory_space<vmem>>, %arg3: memref<128x32xf32, #tpu.memory_space<vmem>>, %arg4: memref<1x32xf32, #tpu.memory_space<vmem>>, %arg5: memref<1x32xf32, #tpu.memory_space<vmem>>, %arg6: memref<1x32xf32, #tpu.memory_space<vmem>>, %arg7: memref<32x128xf32, #tpu.memory_space<vmem>>, %arg8: memref<1x128xf32, #tpu.memory_space<vmem>>, %arg9: memref<128x32xf32, #tpu.memory_space<vmem>>, %arg10: memref<2000x32xf32, #tpu.memory_space<vmem>>) attributes {dimension_semantics = [#tpu.dimension_semantics<arbitrary>], iteration_bounds = array<i64: 5>, scalar_prefetch = 0 : i64, scratch_operands = 0 : i64, tpu.core_type = #tpu.core_type<tc>, window_params = [{transform_indices = @transform_0, window_bounds = array<i64: 2000, 128>}, {transform_indices = @transform_1, window_bounds = array<i64: 2000, 32>}, {pipeline_mode = #tpu.pipeline_mode<synchronous>, transform_indices = @transform_2, window_bounds = array<i64: 128, 32>}, {pipeline_mode = #tpu.pipeline_mode<synchronous>, transform_indices = @transform_3, window_bounds = array<i64: 1, 32>}, {pipeline_mode = #tpu.pipeline_mode<synchronous>, transform_indices = @transform_4, window_bounds = array<i64: 1, 32>}, {pipeline_mode = #tpu.pipeline_mode<synchronous>, transform_indices = @transform_5, window_bounds = array<i64: 1, 32>}, {pipeline_mode = #tpu.pipeline_mode<synchronous>, transform_indices = @transform_6, window_bounds = array<i64: 32, 128>}, {pipeline_mode = #tpu.pipeline_mode<synchronous>, transform_indices = @transform_7, window_bounds = array<i64: 1, 128>}, {pipeline_mode = #tpu.pipeline_mode<synchronous>, transform_indices = @transform_8, window_bounds = array<i64: 128, 32>}, {transform_indices = @transform_9, window_bounds = array<i64: 2000, 32>}]} {
    %get3A = arith.constant 0 : index
    %get3A_0 = arith.constant 0 : index
    %get3A_1 = vector.load %arg1[%get3A, %get3A_0] : memref<2000x128xf32, #tpu.memory_space<vmem>>, vector<2000x128xf32>
    %get3A_2 = arith.constant 0 : index
    %get3A_3 = arith.constant 0 : index
    %get3A_4 = vector.load %arg3[%get3A_2, %get3A_3] : memref<128x32xf32, #tpu.memory_space<vmem>>, vector<128x32xf32>
    %dot_general3A = arith.constant dense<0.000000e+00> : vector<2000x32xf32>
    %dot_general3A_5 = tpu.matmul %get3A_1, %get3A_4, %dot_general3A {dimension_numbers = #tpu.dot_dimension_numbers<[1], [0], [0], [1], [0, 0, 1, 1], [], []>, precision = #tpu.contract_precision<fp32>, transpose_lhs_hint = false} : vector<2000x128xf32>, vector<128x32xf32>, vector<2000x32xf32> -> vector<2000x32xf32>
    %get3A_6 = arith.constant 0 : index
    %get3A_7 = arith.constant 0 : index
    %get3A_8 = vector.load %arg4[%get3A_6, %get3A_7] : memref<1x32xf32, #tpu.memory_space<vmem>>, vector<1x32xf32>
    %add3A = vector.broadcast %get3A_8 : vector<1x32xf32> to vector<2000x32xf32>
    %add3A_9 = arith.addf %dot_general3A_5, %add3A : vector<2000x32xf32>
    %get3A_10 = arith.constant 0 : index
    %get3A_11 = arith.constant 0 : index
    %get3A_12 = vector.load %arg2[%get3A_10, %get3A_11] : memref<2000x32xf32, #tpu.memory_space<vmem>>, vector<2000x32xf32>
    %add3A_13 = arith.addf %add3A_9, %get3A_12 : vector<2000x32xf32>
    %reduce_sum3A = arith.constant dense<0.000000e+00> : vector<2000xf32>
    %reduce_sum3A_14 = vector.multi_reduction <add>, %add3A_13, %reduce_sum3A [1] : vector<2000x32xf32> to vector<2000xf32>
    %broadcast_in_dim3A = vector.shape_cast %reduce_sum3A_14 : vector<2000xf32> to vector<2000x1xf32>
    %div3A = arith.constant 3.200000e+01 : f32
    %div3A_15 = vector.broadcast %div3A : f32 to vector<2000x1xf32>
    %div3A_16 = arith.divf %broadcast_in_dim3A, %div3A_15 : vector<2000x1xf32>
    %sub3A = vector.broadcast %div3A_16 : vector<2000x1xf32> to vector<2000x32xf32>
    %sub3A_17 = arith.subf %add3A_13, %sub3A : vector<2000x32xf32>
    %integer_pow3A = arith.mulf %sub3A_17, %sub3A_17 : vector<2000x32xf32>
    %reduce_sum3A_18 = arith.constant dense<0.000000e+00> : vector<2000xf32>
    %reduce_sum3A_19 = vector.multi_reduction <add>, %integer_pow3A, %reduce_sum3A_18 [1] : vector<2000x32xf32> to vector<2000xf32>
    %broadcast_in_dim3A_20 = vector.shape_cast %reduce_sum3A_19 : vector<2000xf32> to vector<2000x1xf32>
    %div3A_21 = arith.constant 3.200000e+01 : f32
    %div3A_22 = vector.broadcast %div3A_21 : f32 to vector<2000x1xf32>
    %div3A_23 = arith.divf %broadcast_in_dim3A_20, %div3A_22 : vector<2000x1xf32>
    %sub3A_24 = vector.broadcast %div3A_16 : vector<2000x1xf32> to vector<2000x32xf32>
    %sub3A_25 = arith.subf %add3A_13, %sub3A_24 : vector<2000x32xf32>
    %add3A_26 = arith.constant 9.99999974E-6 : f32
    %add3A_27 = vector.broadcast %add3A_26 : f32 to vector<2000x1xf32>
    %add3A_28 = arith.addf %div3A_23, %add3A_27 : vector<2000x1xf32>
    %sqrt3A = math.sqrt %add3A_28 : vector<2000x1xf32>
    %div3A_29 = vector.broadcast %sqrt3A : vector<2000x1xf32> to vector<2000x32xf32>
    %div3A_30 = arith.divf %sub3A_25, %div3A_29 : vector<2000x32xf32>
    %get3A_31 = arith.constant 0 : index
    %get3A_32 = arith.constant 0 : index
    %get3A_33 = vector.load %arg5[%get3A_31, %get3A_32] : memref<1x32xf32, #tpu.memory_space<vmem>>, vector<1x32xf32>
    %mul3A = vector.broadcast %get3A_33 : vector<1x32xf32> to vector<2000x32xf32>
    %mul3A_34 = arith.mulf %div3A_30, %mul3A : vector<2000x32xf32>
    %get3A_35 = arith.constant 0 : index
    %get3A_36 = arith.constant 0 : index
    %get3A_37 = vector.load %arg6[%get3A_35, %get3A_36] : memref<1x32xf32, #tpu.memory_space<vmem>>, vector<1x32xf32>
    %add3A_38 = vector.broadcast %get3A_37 : vector<1x32xf32> to vector<2000x32xf32>
    %add3A_39 = arith.addf %mul3A_34, %add3A_38 : vector<2000x32xf32>
    %max3A = arith.constant 0.000000e+00 : f32
    %max3A_40 = vector.broadcast %max3A : f32 to vector<2000x32xf32>
    %max3A_41 = arith.maximumf %add3A_39, %max3A_40 : vector<2000x32xf32>
    %get3A_42 = arith.constant 0 : index
    %get3A_43 = arith.constant 0 : index
    %get3A_44 = vector.load %arg7[%get3A_42, %get3A_43] : memref<32x128xf32, #tpu.memory_space<vmem>>, vector<32x128xf32>
    %dot_general3A_45 = arith.constant dense<0.000000e+00> : vector<2000x128xf32>
    %dot_general3A_46 = tpu.matmul %max3A_41, %get3A_44, %dot_general3A_45 {dimension_numbers = #tpu.dot_dimension_numbers<[1], [0], [0], [1], [0, 0, 1, 1], [], []>, precision = #tpu.contract_precision<fp32>, transpose_lhs_hint = false} : vector<2000x32xf32>, vector<32x128xf32>, vector<2000x128xf32> -> vector<2000x128xf32>
    %get3A_47 = arith.constant 0 : index
    %get3A_48 = arith.constant 0 : index
    %get3A_49 = vector.load %arg8[%get3A_47, %get3A_48] : memref<1x128xf32, #tpu.memory_space<vmem>>, vector<1x128xf32>
    %add3A_50 = vector.broadcast %get3A_49 : vector<1x128xf32> to vector<2000x128xf32>
    %add3A_51 = arith.addf %dot_general3A_46, %add3A_50 : vector<2000x128xf32>
    %get3A_52 = arith.constant 0 : index
    %get3A_53 = arith.constant 0 : index
    %get3A_54 = vector.load %arg9[%get3A_52, %get3A_53] : memref<128x32xf32, #tpu.memory_space<vmem>>, vector<128x32xf32>
    %dot_general3A_55 = arith.constant dense<0.000000e+00> : vector<2000x32xf32>
    %dot_general3A_56 = tpu.matmul %add3A_51, %get3A_54, %dot_general3A_55 {dimension_numbers = #tpu.dot_dimension_numbers<[1], [0], [0], [1], [0, 0, 1, 1], [], []>, precision = #tpu.contract_precision<fp32>, transpose_lhs_hint = false} : vector<2000x128xf32>, vector<128x32xf32>, vector<2000x32xf32> -> vector<2000x32xf32>
    %swap3A = arith.constant 0 : index
    %swap3A_57 = arith.constant 0 : index
    %swap3A_58 = vector.load %arg10[%swap3A, %swap3A_57] : memref<2000x32xf32, #tpu.memory_space<vmem>>, vector<2000x32xf32>
    tpu.vector_store %arg10[%swap3A, %swap3A_57], %dot_general3A_56 {strides = array<i32>} : memref<2000x32xf32, #tpu.memory_space<vmem>>, vector<2000x32xf32>,
    return
  }
  func.func @transform_0(%arg0: i32) -> (i32, i32) {
    %c0_i32 = arith.constant 0 : i32
    %c0_i32_0 = arith.constant 0 : i32
    return %arg0, %c0_i32 : i32, i32
  }
  func.func @transform_1(%arg0: i32) -> (i32, i32) {
    %c0_i32 = arith.constant 0 : i32
    %c0_i32_0 = arith.constant 0 : i32
    return %arg0, %c0_i32 : i32, i32
  }
  func.func @transform_2(%arg0: i32) -> (i32, i32) {
    %c0_i32 = arith.constant 0 : i32
    %c0_i32_0 = arith.constant 0 : i32
    %c0_i32_1 = arith.constant 0 : i32
    return %c0_i32, %c0_i32_0 : i32, i32
  }
  func.func @transform_3(%arg0: i32) -> (i32, i32) {
    %c0_i32 = arith.constant 0 : i32
    %c0_i32_0 = arith.constant 0 : i32
    %c0_i32_1 = arith.constant 0 : i32
    return %c0_i32, %c0_i32_0 : i32, i32
  }
  func.func @transform_4(%arg0: i32) -> (i32, i32) {
    %c0_i32 = arith.constant 0 : i32
    %c0_i32_0 = arith.constant 0 : i32
    %c0_i32_1 = arith.constant 0 : i32
    return %c0_i32, %c0_i32_0 : i32, i32
  }
  func.func @transform_5(%arg0: i32) -> (i32, i32) {
    %c0_i32 = arith.constant 0 : i32
    %c0_i32_0 = arith.constant 0 : i32
    %c0_i32_1 = arith.constant 0 : i32
    return %c0_i32, %c0_i32_0 : i32, i32
  }
  func.func @transform_6(%arg0: i32) -> (i32, i32) {
    %c0_i32 = arith.constant 0 : i32
    %c0_i32_0 = arith.constant 0 : i32
    %c0_i32_1 = arith.constant 0 : i32
    return %c0_i32, %c0_i32_0 : i32, i32
  }
  func.func @transform_7(%arg0: i32) -> (i32, i32) {
    %c0_i32 = arith.constant 0 : i32
    %c0_i32_0 = arith.constant 0 : i32
    %c0_i32_1 = arith.constant 0 : i32
    return %c0_i32, %c0_i32_0 : i32, i32
  }
  func.func @transform_8(%arg0: i32) -> (i32, i32) {
    %c0_i32 = arith.constant 0 : i32
    %c0_i32_0 = arith.constant 0 : i32
    %c0_i32_1 = arith.constant 0 : i32
    return %c0_i32, %c0_i32_0 : i32, i32
  }
  func.func @transform_9(%arg0: i32) -> (i32, i32) {
    %c0_i32 = arith.constant 0 : i32
    %c0_i32_0 = arith.constant 0 : i32
    return %arg0, %c0_i32 : i32, i32
  }
}

module attributes {stable_mosaic.version = 14 : i64} {
  func.func @_k3_body(%arg0: i32, %arg1: memref<3x1024xf32, #tpu.memory_space<vmem>>, %arg2: memref<3x1024xf32, #tpu.memory_space<vmem>>, %arg3: memref<1024x32xf32, #tpu.memory_space<vmem>>, %arg4: memref<1x32xf32, #tpu.memory_space<vmem>>, %arg5: memref<1x32xf32, #tpu.memory_space<vmem>>, %arg6: memref<32x1xf32, #tpu.memory_space<vmem>>, %arg7: memref<1x1xf32, #tpu.memory_space<vmem>>, %arg8: memref<3x1024x8xf32, #tpu.memory_space<vmem>>, %arg9: memref<1024x8xf32, #tpu.memory_space<vmem>>, %arg10: memref<1024x1xf32, #tpu.memory_space<vmem>>, %arg11: memref<3x3x1024xf32, #tpu.memory_space<vmem>>) attributes {dimension_semantics = [#tpu.dimension_semantics<arbitrary>], iteration_bounds = array<i64: 40>, scalar_prefetch = 0 : i64, scratch_operands = 0 : i64, tpu.core_type = #tpu.core_type<tc>, window_params = [{transform_indices = @transform_0, window_bounds = array<i64: 3, 1024>}, {transform_indices = @transform_1, window_bounds = array<i64: 3, 1024>}, {transform_indices = @transform_2, window_bounds = array<i64: 1024, 32>}, {pipeline_mode = #tpu.pipeline_mode<synchronous>, transform_indices = @transform_3, window_bounds = array<i64: 1, 32>}, {pipeline_mode = #tpu.pipeline_mode<synchronous>, transform_indices = @transform_4, window_bounds = array<i64: 1, 32>}, {pipeline_mode = #tpu.pipeline_mode<synchronous>, transform_indices = @transform_5, window_bounds = array<i64: 32, 1>}, {pipeline_mode = #tpu.pipeline_mode<synchronous>, transform_indices = @transform_6, window_bounds = array<i64: 1, 1>}, {transform_indices = @transform_7, window_bounds = array<i64: 3, 1024, 8>}, {transform_indices = @transform_8, window_bounds = array<i64: 1024, 8>}, {transform_indices = @transform_9, window_bounds = array<i64: 1024, 1>}, {transform_indices = @transform_10, window_bounds = array<i64: 3, 3, 1024>}]} {
    %get3A = arith.constant 0 : index
    %get3A_0 = arith.constant 0 : index
    %get3A_1 = vector.load %arg1[%get3A, %get3A_0] : memref<3x1024xf32, #tpu.memory_space<vmem>>, vector<3x1024xf32>
    %slice3A = vector.extract_strided_slice %get3A_1 {offsets = [0, 0], sizes = [1, 1024], strides = [1, 1]} : vector<3x1024xf32> to vector<1x1024xf32>
    %slice3A_2 = vector.extract_strided_slice %get3A_1 {offsets = [1, 0], sizes = [1, 1024], strides = [1, 1]} : vector<3x1024xf32> to vector<1x1024xf32>
    %slice3A_3 = vector.extract_strided_slice %get3A_1 {offsets = [2, 0], sizes = [1, 1024], strides = [1, 1]} : vector<3x1024xf32> to vector<1x1024xf32>
    %get3A_4 = arith.constant 0 : index
    %get3A_5 = arith.constant 0 : index
    %get3A_6 = vector.load %arg2[%get3A_4, %get3A_5] : memref<3x1024xf32, #tpu.memory_space<vmem>>, vector<3x1024xf32>
    %slice3A_7 = vector.extract_strided_slice %get3A_6 {offsets = [0, 0], sizes = [1, 1024], strides = [1, 1]} : vector<3x1024xf32> to vector<1x1024xf32>
    %slice3A_8 = vector.extract_strided_slice %get3A_6 {offsets = [1, 0], sizes = [1, 1024], strides = [1, 1]} : vector<3x1024xf32> to vector<1x1024xf32>
    %slice3A_9 = vector.extract_strided_slice %get3A_6 {offsets = [2, 0], sizes = [1, 1024], strides = [1, 1]} : vector<3x1024xf32> to vector<1x1024xf32>
    %mul3A = arith.mulf %slice3A, %slice3A : vector<1x1024xf32>
    %mul3A_10 = arith.mulf %slice3A_2, %slice3A_2 : vector<1x1024xf32>
    %add3A = arith.addf %mul3A, %mul3A_10 : vector<1x1024xf32>
    %mul3A_11 = arith.mulf %slice3A_3, %slice3A_3 : vector<1x1024xf32>
    %add3A_12 = arith.addf %add3A, %mul3A_11 : vector<1x1024xf32>
    %sqrt3A = math.sqrt %add3A_12 : vector<1x1024xf32>
    %transpose3A = tpu.transpose %sqrt3A, [1, 0] : vector<1x1024xf32> -> vector<1024x1xf32>
    %get3A_13 = arith.constant 0 : index
    %get3A_14 = arith.constant 0 : index
    %get3A_15 = vector.load %arg4[%get3A_13, %get3A_14] : memref<1x32xf32, #tpu.memory_space<vmem>>, vector<1x32xf32>
    %mul3A_16 = vector.broadcast %transpose3A : vector<1024x1xf32> to vector<1024x32xf32>
    %mul3A_17 = vector.broadcast %get3A_15 : vector<1x32xf32> to vector<1024x32xf32>
    %mul3A_18 = arith.mulf %mul3A_16, %mul3A_17 : vector<1024x32xf32>
    %get3A_19 = arith.constant 0 : index
    %get3A_20 = arith.constant 0 : index
    %get3A_21 = vector.load %arg3[%get3A_19, %get3A_20] : memref<1024x32xf32, #tpu.memory_space<vmem>>, vector<1024x32xf32>
    %add3A_22 = arith.addf %mul3A_18, %get3A_21 : vector<1024x32xf32>
    %get3A_23 = arith.constant 0 : index
    %get3A_24 = arith.constant 0 : index
    %get3A_25 = vector.load %arg5[%get3A_23, %get3A_24] : memref<1x32xf32, #tpu.memory_space<vmem>>, vector<1x32xf32>
    %add3A_26 = vector.broadcast %get3A_25 : vector<1x32xf32> to vector<1024x32xf32>
    %add3A_27 = arith.addf %add3A_22, %add3A_26 : vector<1024x32xf32>
    %max3A = arith.constant 0.000000e+00 : f32
    %max3A_28 = vector.broadcast %max3A : f32 to vector<1024x32xf32>
    %max3A_29 = arith.maximumf %add3A_27, %max3A_28 : vector<1024x32xf32>
    %get3A_30 = arith.constant 0 : index
    %get3A_31 = arith.constant 0 : index
    %get3A_32 = vector.load %arg6[%get3A_30, %get3A_31] : memref<32x1xf32, #tpu.memory_space<vmem>>, vector<32x1xf32>
    %dot_general3A = arith.constant dense<0.000000e+00> : vector<1024x1xf32>
    %dot_general3A_33 = tpu.matmul %max3A_29, %get3A_32, %dot_general3A {dimension_numbers = #tpu.dot_dimension_numbers<[1], [0], [0], [1], [0, 0, 1, 1], [], []>, precision = #tpu.contract_precision<fp32>, transpose_lhs_hint = false} : vector<1024x32xf32>, vector<32x1xf32>, vector<1024x1xf32> -> vector<1024x1xf32>
    %get3A_34 = arith.constant 0 : index
    %get3A_35 = arith.constant 0 : index
    %get3A_36 = vector.load %arg7[%get3A_34, %get3A_35] : memref<1x1xf32, #tpu.memory_space<vmem>>, vector<1x1xf32>
    %add3A_37 = vector.broadcast %get3A_36 : vector<1x1xf32> to vector<1024x1xf32>
    %add3A_38 = arith.addf %dot_general3A_33, %add3A_37 : vector<1024x1xf32>
    %logistic3A = arith.negf %add3A_38 : vector<1024x1xf32>
    %logistic3A_39 = math.exp %logistic3A : vector<1024x1xf32>
    %logistic3A_40 = arith.constant 1.000000e+00 : f32
    %logistic3A_41 = vector.broadcast %logistic3A_40 : f32 to vector<1024x1xf32>
    %logistic3A_42 = arith.addf %logistic3A_41, %logistic3A_39 : vector<1024x1xf32>
    %logistic3A_43 = arith.divf %logistic3A_41, %logistic3A_42 : vector<1024x1xf32>
    %mul3A_44 = arith.constant 3.14159274 : f32
    %mul3A_45 = vector.broadcast %mul3A_44 : f32 to vector<1024x1xf32>
    %mul3A_46 = arith.mulf %logistic3A_43, %mul3A_45 : vector<1024x1xf32>
    %transpose3A_47 = tpu.transpose %mul3A_46, [1, 0] : vector<1024x1xf32> -> vector<1x1024xf32>
    %mul3A_48 = arith.mulf %slice3A, %slice3A_7 : vector<1x1024xf32>
    %mul3A_49 = arith.mulf %slice3A_2, %slice3A_8 : vector<1x1024xf32>
    %add3A_50 = arith.addf %mul3A_48, %mul3A_49 : vector<1x1024xf32>
    %mul3A_51 = arith.mulf %slice3A_3, %slice3A_9 : vector<1x1024xf32>
    %add3A_52 = arith.addf %add3A_50, %mul3A_51 : vector<1x1024xf32>
    %sign3A = tpu.bitcast %add3A_52 : vector<1x1024xf32> -> vector<1x1024xi32>
    %sign3A_53 = arith.constant -2147483648 : i32
    %sign3A_54 = vector.broadcast %sign3A_53 : i32 to vector<1x1024xi32>
    %sign3A_55 = arith.andi %sign3A, %sign3A_54 : vector<1x1024xi32>
    %sign3A_56 = arith.constant 1065353216 : i32
    %sign3A_57 = vector.broadcast %sign3A_56 : i32 to vector<1x1024xi32>
    %sign3A_58 = arith.ori %sign3A_57, %sign3A_55 : vector<1x1024xi32>
    %sign3A_59 = tpu.bitcast %sign3A_58 : vector<1x1024xi32> -> vector<1x1024xf32>
    %sign3A_60 = math.absf %add3A_52 : vector<1x1024xf32>
    %sign3A_61 = arith.constant 0.000000e+00 : f32
    %sign3A_62 = vector.broadcast %sign3A_61 : f32 to vector<1x1024xf32>
    %sign3A_63 = arith.cmpf ogt, %sign3A_60, %sign3A_62 : vector<1x1024xf32>
    %sign3A_64 = arith.select %sign3A_63, %sign3A_59, %add3A_52 : vector<1x1024xi1>, vector<1x1024xf32>
    %mul3A_65 = arith.mulf %transpose3A_47, %sign3A_64 : vector<1x1024xf32>
    %transpose3A_66 = tpu.transpose %mul3A_65, [1, 0] : vector<1x1024xf32> -> vector<1024x1xf32>
    %swap3A = arith.constant 0 : index
    %swap3A_67 = arith.constant 0 : index
    %swap3A_68 = vector.load %arg10[%swap3A, %swap3A_67] : memref<1024x1xf32, #tpu.memory_space<vmem>>, vector<1024x1xf32>
    tpu.vector_store %arg10[%swap3A, %swap3A_67], %transpose3A_66 {strides = array<i32>} : memref<1024x1xf32, #tpu.memory_space<vmem>>, vector<1024x1xf32>,
    %cos3A = math.cos %mul3A_65 : vector<1x1024xf32>
    %sin3A = math.sin %mul3A_65 : vector<1x1024xf32>
    %get3A_69 = arith.constant 0 : index
    %get3A_70 = arith.constant 0 : index
    %get3A_71 = vector.load %arg9[%get3A_69, %get3A_70] : memref<1024x8xf32, #tpu.memory_space<vmem>>, vector<1024x8xf32>
    %transpose3A_72 = tpu.transpose %get3A_71, [1, 0] : vector<1024x8xf32> -> vector<8x1024xf32>
    %slice3A_73 = vector.extract_strided_slice %transpose3A_72 {offsets = [0, 0], sizes = [1, 1024], strides = [1, 1]} : vector<8x1024xf32> to vector<1x1024xf32>
    %slice3A_74 = vector.extract_strided_slice %transpose3A_72 {offsets = [1, 0], sizes = [1, 1024], strides = [1, 1]} : vector<8x1024xf32> to vector<1x1024xf32>
    %slice3A_75 = vector.extract_strided_slice %transpose3A_72 {offsets = [2, 0], sizes = [1, 1024], strides = [1, 1]} : vector<8x1024xf32> to vector<1x1024xf32>
    %get3A_76 = arith.constant 0 : index
    %get3A_77 = arith.constant 0 : index
    %get3A_78 = arith.constant 0 : index
    %get3A_79 = vector.load %arg8[%get3A_76, %get3A_77, %get3A_78] : memref<3x1024x8xf32, #tpu.memory_space<vmem>>, vector<1x1024x8xf32>
    %get3A_80 = vector.shape_cast %get3A_79 : vector<1x1024x8xf32> to vector<1024x8xf32>
    %transpose3A_81 = tpu.transpose %get3A_80, [1, 0] : vector<1024x8xf32> -> vector<8x1024xf32>
    %slice3A_82 = vector.extract_strided_slice %transpose3A_81 {offsets = [0, 0], sizes = [1, 1024], strides = [1, 1]} : vector<8x1024xf32> to vector<1x1024xf32>
    %slice3A_83 = vector.extract_strided_slice %transpose3A_81 {offsets = [1, 0], sizes = [1, 1024], strides = [1, 1]} : vector<8x1024xf32> to vector<1x1024xf32>
    %slice3A_84 = vector.extract_strided_slice %transpose3A_81 {offsets = [2, 0], sizes = [1, 1024], strides = [1, 1]} : vector<8x1024xf32> to vector<1x1024xf32>
    %sub3A = arith.subf %slice3A_82, %slice3A_73 : vector<1x1024xf32>
    %sub3A_85 = arith.subf %slice3A_83, %slice3A_74 : vector<1x1024xf32>
    %sub3A_86 = arith.subf %slice3A_84, %slice3A_75 : vector<1x1024xf32>
    %mul3A_87 = arith.mulf %slice3A_8, %sub3A_86 : vector<1x1024xf32>
    %mul3A_88 = arith.mulf %slice3A_9, %sub3A_85 : vector<1x1024xf32>
    %sub3A_89 = arith.subf %mul3A_87, %mul3A_88 : vector<1x1024xf32>
    %mul3A_90 = arith.mulf %slice3A_9, %sub3A : vector<1x1024xf32>
    %mul3A_91 = arith.mulf %slice3A_7, %sub3A_86 : vector<1x1024xf32>
    %sub3A_92 = arith.subf %mul3A_90, %mul3A_91 : vector<1x1024xf32>
    %mul3A_93 = arith.mulf %slice3A_7, %sub3A_85 : vector<1x1024xf32>
    %mul3A_94 = arith.mulf %slice3A_8, %sub3A : vector<1x1024xf32>
    %sub3A_95 = arith.subf %mul3A_93, %mul3A_94 : vector<1x1024xf32>
    %mul3A_96 = arith.mulf %slice3A_7, %sub3A : vector<1x1024xf32>
    %mul3A_97 = arith.mulf %slice3A_8, %sub3A_85 : vector<1x1024xf32>
    %add3A_98 = arith.addf %mul3A_96, %mul3A_97 : vector<1x1024xf32>
    %mul3A_99 = arith.mulf %slice3A_9, %sub3A_86 : vector<1x1024xf32>
    %add3A_100 = arith.addf %add3A_98, %mul3A_99 : vector<1x1024xf32>
    %sub3A_101 = arith.constant 1.000000e+00 : f32
    %sub3A_102 = vector.broadcast %sub3A_101 : f32 to vector<1x1024xf32>
    %sub3A_103 = arith.subf %sub3A_102, %cos3A : vector<1x1024xf32>
    %mul3A_104 = arith.mulf %add3A_100, %sub3A_103 : vector<1x1024xf32>
    %mul3A_105 = arith.mulf %sub3A, %cos3A : vector<1x1024xf32>
    %add3A_106 = arith.addf %slice3A_73, %mul3A_105 : vector<1x1024xf32>
    %mul3A_107 = arith.mulf %sub3A_89, %sin3A : vector<1x1024xf32>
    %add3A_108 = arith.addf %add3A_106, %mul3A_107 : vector<1x1024xf32>
    %mul3A_109 = arith.mulf %slice3A_7, %mul3A_104 : vector<1x1024xf32>
    %add3A_110 = arith.addf %add3A_108, %mul3A_109 : vector<1x1024xf32>
    %mul3A_111 = arith.mulf %sub3A_85, %cos3A : vector<1x1024xf32>
    %add3A_112 = arith.addf %slice3A_74, %mul3A_111 : vector<1x1024xf32>
    %mul3A_113 = arith.mulf %sub3A_92, %sin3A : vector<1x1024xf32>
    %add3A_114 = arith.addf %add3A_112, %mul3A_113 : vector<1x1024xf32>
    %mul3A_115 = arith.mulf %slice3A_8, %mul3A_104 : vector<1x1024xf32>
    %add3A_116 = arith.addf %add3A_114, %mul3A_115 : vector<1x1024xf32>
    %mul3A_117 = arith.mulf %sub3A_86, %cos3A : vector<1x1024xf32>
    %add3A_118 = arith.addf %slice3A_75, %mul3A_117 : vector<1x1024xf32>
    %mul3A_119 = arith.mulf %sub3A_95, %sin3A : vector<1x1024xf32>
    %add3A_120 = arith.addf %add3A_118, %mul3A_119 : vector<1x1024xf32>
    %mul3A_121 = arith.mulf %slice3A_9, %mul3A_104 : vector<1x1024xf32>
    %add3A_122 = arith.addf %add3A_120, %mul3A_121 : vector<1x1024xf32>
    %concatenate3A = tpu.concatenate %add3A_110, %add3A_116, %add3A_122 in 0 : vector<1x1024xf32>, vector<1x1024xf32>, vector<1x1024xf32> -> vector<3x1024xf32>
    %swap3A_123 = arith.constant 0 : index
    %swap3A_124 = arith.constant 0 : index
    %swap3A_125 = arith.constant 0 : index
    %swap3A_126 = vector.load %arg11[%swap3A_123, %swap3A_124, %swap3A_125] : memref<3x3x1024xf32, #tpu.memory_space<vmem>>, vector<1x3x1024xf32>
    %swap3A_127 = vector.shape_cast %swap3A_126 : vector<1x3x1024xf32> to vector<3x1024xf32>
    %swap3A_128 = vector.shape_cast %concatenate3A : vector<3x1024xf32> to vector<1x3x1024xf32>
    tpu.vector_store %arg11[%swap3A_123, %swap3A_124, %swap3A_125], %swap3A_128 {strides = array<i32>} : memref<3x3x1024xf32, #tpu.memory_space<vmem>>, vector<1x3x1024xf32>,
    %get3A_129 = arith.constant 1 : index
    %get3A_130 = arith.constant 0 : index
    %get3A_131 = arith.constant 0 : index
    %get3A_132 = vector.load %arg8[%get3A_129, %get3A_130, %get3A_131] : memref<3x1024x8xf32, #tpu.memory_space<vmem>>, vector<1x1024x8xf32>
    %get3A_133 = vector.shape_cast %get3A_132 : vector<1x1024x8xf32> to vector<1024x8xf32>
    %transpose3A_134 = tpu.transpose %get3A_133, [1, 0] : vector<1024x8xf32> -> vector<8x1024xf32>
    %slice3A_135 = vector.extract_strided_slice %transpose3A_134 {offsets = [0, 0], sizes = [1, 1024], strides = [1, 1]} : vector<8x1024xf32> to vector<1x1024xf32>
    %slice3A_136 = vector.extract_strided_slice %transpose3A_134 {offsets = [1, 0], sizes = [1, 1024], strides = [1, 1]} : vector<8x1024xf32> to vector<1x1024xf32>
    %slice3A_137 = vector.extract_strided_slice %transpose3A_134 {offsets = [2, 0], sizes = [1, 1024], strides = [1, 1]} : vector<8x1024xf32> to vector<1x1024xf32>
    %sub3A_138 = arith.subf %slice3A_135, %slice3A_73 : vector<1x1024xf32>
    %sub3A_139 = arith.subf %slice3A_136, %slice3A_74 : vector<1x1024xf32>
    %sub3A_140 = arith.subf %slice3A_137, %slice3A_75 : vector<1x1024xf32>
    %mul3A_141 = arith.mulf %slice3A_8, %sub3A_140 : vector<1x1024xf32>
    %mul3A_142 = arith.mulf %slice3A_9, %sub3A_139 : vector<1x1024xf32>
    %sub3A_143 = arith.subf %mul3A_141, %mul3A_142 : vector<1x1024xf32>
    %mul3A_144 = arith.mulf %slice3A_9, %sub3A_138 : vector<1x1024xf32>
    %mul3A_145 = arith.mulf %slice3A_7, %sub3A_140 : vector<1x1024xf32>
    %sub3A_146 = arith.subf %mul3A_144, %mul3A_145 : vector<1x1024xf32>
    %mul3A_147 = arith.mulf %slice3A_7, %sub3A_139 : vector<1x1024xf32>
    %mul3A_148 = arith.mulf %slice3A_8, %sub3A_138 : vector<1x1024xf32>
    %sub3A_149 = arith.subf %mul3A_147, %mul3A_148 : vector<1x1024xf32>
    %mul3A_150 = arith.mulf %slice3A_7, %sub3A_138 : vector<1x1024xf32>
    %mul3A_151 = arith.mulf %slice3A_8, %sub3A_139 : vector<1x1024xf32>
    %add3A_152 = arith.addf %mul3A_150, %mul3A_151 : vector<1x1024xf32>
    %mul3A_153 = arith.mulf %slice3A_9, %sub3A_140 : vector<1x1024xf32>
    %add3A_154 = arith.addf %add3A_152, %mul3A_153 : vector<1x1024xf32>
    %sub3A_155 = arith.constant 1.000000e+00 : f32
    %sub3A_156 = vector.broadcast %sub3A_155 : f32 to vector<1x1024xf32>
    %sub3A_157 = arith.subf %sub3A_156, %cos3A : vector<1x1024xf32>
    %mul3A_158 = arith.mulf %add3A_154, %sub3A_157 : vector<1x1024xf32>
    %mul3A_159 = arith.mulf %sub3A_138, %cos3A : vector<1x1024xf32>
    %add3A_160 = arith.addf %slice3A_73, %mul3A_159 : vector<1x1024xf32>
    %mul3A_161 = arith.mulf %sub3A_143, %sin3A : vector<1x1024xf32>
    %add3A_162 = arith.addf %add3A_160, %mul3A_161 : vector<1x1024xf32>
    %mul3A_163 = arith.mulf %slice3A_7, %mul3A_158 : vector<1x1024xf32>
    %add3A_164 = arith.addf %add3A_162, %mul3A_163 : vector<1x1024xf32>
    %mul3A_165 = arith.mulf %sub3A_139, %cos3A : vector<1x1024xf32>
    %add3A_166 = arith.addf %slice3A_74, %mul3A_165 : vector<1x1024xf32>
    %mul3A_167 = arith.mulf %sub3A_146, %sin3A : vector<1x1024xf32>
    %add3A_168 = arith.addf %add3A_166, %mul3A_167 : vector<1x1024xf32>
    %mul3A_169 = arith.mulf %slice3A_8, %mul3A_158 : vector<1x1024xf32>
    %add3A_170 = arith.addf %add3A_168, %mul3A_169 : vector<1x1024xf32>
    %mul3A_171 = arith.mulf %sub3A_140, %cos3A : vector<1x1024xf32>
    %add3A_172 = arith.addf %slice3A_75, %mul3A_171 : vector<1x1024xf32>
    %mul3A_173 = arith.mulf %sub3A_149, %sin3A : vector<1x1024xf32>
    %add3A_174 = arith.addf %add3A_172, %mul3A_173 : vector<1x1024xf32>
    %mul3A_175 = arith.mulf %slice3A_9, %mul3A_158 : vector<1x1024xf32>
    %add3A_176 = arith.addf %add3A_174, %mul3A_175 : vector<1x1024xf32>
    %concatenate3A_177 = tpu.concatenate %add3A_164, %add3A_170, %add3A_176 in 0 : vector<1x1024xf32>, vector<1x1024xf32>, vector<1x1024xf32> -> vector<3x1024xf32>
    %swap3A_178 = arith.constant 1 : index
    %swap3A_179 = arith.constant 0 : index
    %swap3A_180 = arith.constant 0 : index
    %swap3A_181 = vector.load %arg11[%swap3A_178, %swap3A_179, %swap3A_180] : memref<3x3x1024xf32, #tpu.memory_space<vmem>>, vector<1x3x1024xf32>
    %swap3A_182 = vector.shape_cast %swap3A_181 : vector<1x3x1024xf32> to vector<3x1024xf32>
    %swap3A_183 = vector.shape_cast %concatenate3A_177 : vector<3x1024xf32> to vector<1x3x1024xf32>
    tpu.vector_store %arg11[%swap3A_178, %swap3A_179, %swap3A_180], %swap3A_183 {strides = array<i32>} : memref<3x3x1024xf32, #tpu.memory_space<vmem>>, vector<1x3x1024xf32>,
    %get3A_184 = arith.constant 2 : index
    %get3A_185 = arith.constant 0 : index
    %get3A_186 = arith.constant 0 : index
    %get3A_187 = vector.load %arg8[%get3A_184, %get3A_185, %get3A_186] : memref<3x1024x8xf32, #tpu.memory_space<vmem>>, vector<1x1024x8xf32>
    %get3A_188 = vector.shape_cast %get3A_187 : vector<1x1024x8xf32> to vector<1024x8xf32>
    %transpose3A_189 = tpu.transpose %get3A_188, [1, 0] : vector<1024x8xf32> -> vector<8x1024xf32>
    %slice3A_190 = vector.extract_strided_slice %transpose3A_189 {offsets = [0, 0], sizes = [1, 1024], strides = [1, 1]} : vector<8x1024xf32> to vector<1x1024xf32>
    %slice3A_191 = vector.extract_strided_slice %transpose3A_189 {offsets = [1, 0], sizes = [1, 1024], strides = [1, 1]} : vector<8x1024xf32> to vector<1x1024xf32>
    %slice3A_192 = vector.extract_strided_slice %transpose3A_189 {offsets = [2, 0], sizes = [1, 1024], strides = [1, 1]} : vector<8x1024xf32> to vector<1x1024xf32>
    %sub3A_193 = arith.subf %slice3A_190, %slice3A_73 : vector<1x1024xf32>
    %sub3A_194 = arith.subf %slice3A_191, %slice3A_74 : vector<1x1024xf32>
    %sub3A_195 = arith.subf %slice3A_192, %slice3A_75 : vector<1x1024xf32>
    %mul3A_196 = arith.mulf %slice3A_8, %sub3A_195 : vector<1x1024xf32>
    %mul3A_197 = arith.mulf %slice3A_9, %sub3A_194 : vector<1x1024xf32>
    %sub3A_198 = arith.subf %mul3A_196, %mul3A_197 : vector<1x1024xf32>
    %mul3A_199 = arith.mulf %slice3A_9, %sub3A_193 : vector<1x1024xf32>
    %mul3A_200 = arith.mulf %slice3A_7, %sub3A_195 : vector<1x1024xf32>
    %sub3A_201 = arith.subf %mul3A_199, %mul3A_200 : vector<1x1024xf32>
    %mul3A_202 = arith.mulf %slice3A_7, %sub3A_194 : vector<1x1024xf32>
    %mul3A_203 = arith.mulf %slice3A_8, %sub3A_193 : vector<1x1024xf32>
    %sub3A_204 = arith.subf %mul3A_202, %mul3A_203 : vector<1x1024xf32>
    %mul3A_205 = arith.mulf %slice3A_7, %sub3A_193 : vector<1x1024xf32>
    %mul3A_206 = arith.mulf %slice3A_8, %sub3A_194 : vector<1x1024xf32>
    %add3A_207 = arith.addf %mul3A_205, %mul3A_206 : vector<1x1024xf32>
    %mul3A_208 = arith.mulf %slice3A_9, %sub3A_195 : vector<1x1024xf32>
    %add3A_209 = arith.addf %add3A_207, %mul3A_208 : vector<1x1024xf32>
    %sub3A_210 = arith.constant 1.000000e+00 : f32
    %sub3A_211 = vector.broadcast %sub3A_210 : f32 to vector<1x1024xf32>
    %sub3A_212 = arith.subf %sub3A_211, %cos3A : vector<1x1024xf32>
    %mul3A_213 = arith.mulf %add3A_209, %sub3A_212 : vector<1x1024xf32>
    %mul3A_214 = arith.mulf %sub3A_193, %cos3A : vector<1x1024xf32>
    %add3A_215 = arith.addf %slice3A_73, %mul3A_214 : vector<1x1024xf32>
    %mul3A_216 = arith.mulf %sub3A_198, %sin3A : vector<1x1024xf32>
    %add3A_217 = arith.addf %add3A_215, %mul3A_216 : vector<1x1024xf32>
    %mul3A_218 = arith.mulf %slice3A_7, %mul3A_213 : vector<1x1024xf32>
    %add3A_219 = arith.addf %add3A_217, %mul3A_218 : vector<1x1024xf32>
    %mul3A_220 = arith.mulf %sub3A_194, %cos3A : vector<1x1024xf32>
    %add3A_221 = arith.addf %slice3A_74, %mul3A_220 : vector<1x1024xf32>
    %mul3A_222 = arith.mulf %sub3A_201, %sin3A : vector<1x1024xf32>
    %add3A_223 = arith.addf %add3A_221, %mul3A_222 : vector<1x1024xf32>
    %mul3A_224 = arith.mulf %slice3A_8, %mul3A_213 : vector<1x1024xf32>
    %add3A_225 = arith.addf %add3A_223, %mul3A_224 : vector<1x1024xf32>
    %mul3A_226 = arith.mulf %sub3A_195, %cos3A : vector<1x1024xf32>
    %add3A_227 = arith.addf %slice3A_75, %mul3A_226 : vector<1x1024xf32>
    %mul3A_228 = arith.mulf %sub3A_204, %sin3A : vector<1x1024xf32>
    %add3A_229 = arith.addf %add3A_227, %mul3A_228 : vector<1x1024xf32>
    %mul3A_230 = arith.mulf %slice3A_9, %mul3A_213 : vector<1x1024xf32>
    %add3A_231 = arith.addf %add3A_229, %mul3A_230 : vector<1x1024xf32>
    %concatenate3A_232 = tpu.concatenate %add3A_219, %add3A_225, %add3A_231 in 0 : vector<1x1024xf32>, vector<1x1024xf32>, vector<1x1024xf32> -> vector<3x1024xf32>
    %swap3A_233 = arith.constant 2 : index
    %swap3A_234 = arith.constant 0 : index
    %swap3A_235 = arith.constant 0 : index
    %swap3A_236 = vector.load %arg11[%swap3A_233, %swap3A_234, %swap3A_235] : memref<3x3x1024xf32, #tpu.memory_space<vmem>>, vector<1x3x1024xf32>
    %swap3A_237 = vector.shape_cast %swap3A_236 : vector<1x3x1024xf32> to vector<3x1024xf32>
    %swap3A_238 = vector.shape_cast %concatenate3A_232 : vector<3x1024xf32> to vector<1x3x1024xf32>
    tpu.vector_store %arg11[%swap3A_233, %swap3A_234, %swap3A_235], %swap3A_238 {strides = array<i32>} : memref<3x3x1024xf32, #tpu.memory_space<vmem>>, vector<1x3x1024xf32>,
    return
  }
  func.func @transform_0(%arg0: i32) -> (i32, i32) {
    %c0_i32 = arith.constant 0 : i32
    %c0_i32_0 = arith.constant 0 : i32
    return %c0_i32, %arg0 : i32, i32
  }
  func.func @transform_1(%arg0: i32) -> (i32, i32) {
    %c0_i32 = arith.constant 0 : i32
    %c0_i32_0 = arith.constant 0 : i32
    return %c0_i32, %arg0 : i32, i32
  }
  func.func @transform_2(%arg0: i32) -> (i32, i32) {
    %c0_i32 = arith.constant 0 : i32
    %c0_i32_0 = arith.constant 0 : i32
    return %arg0, %c0_i32 : i32, i32
  }
  func.func @transform_3(%arg0: i32) -> (i32, i32) {
    %c0_i32 = arith.constant 0 : i32
    %c0_i32_0 = arith.constant 0 : i32
    %c0_i32_1 = arith.constant 0 : i32
    return %c0_i32, %c0_i32_0 : i32, i32
  }
  func.func @transform_4(%arg0: i32) -> (i32, i32) {
    %c0_i32 = arith.constant 0 : i32
    %c0_i32_0 = arith.constant 0 : i32
    %c0_i32_1 = arith.constant 0 : i32
    return %c0_i32, %c0_i32_0 : i32, i32
  }
  func.func @transform_5(%arg0: i32) -> (i32, i32) {
    %c0_i32 = arith.constant 0 : i32
    %c0_i32_0 = arith.constant 0 : i32
    %c0_i32_1 = arith.constant 0 : i32
    return %c0_i32, %c0_i32_0 : i32, i32
  }
  func.func @transform_6(%arg0: i32) -> (i32, i32) {
    %c0_i32 = arith.constant 0 : i32
    %c0_i32_0 = arith.constant 0 : i32
    %c0_i32_1 = arith.constant 0 : i32
    return %c0_i32, %c0_i32_0 : i32, i32
  }
  func.func @transform_7(%arg0: i32) -> (i32, i32, i32) {
    %c0_i32 = arith.constant 0 : i32
    %c0_i32_0 = arith.constant 0 : i32
    %c0_i32_1 = arith.constant 0 : i32
    return %c0_i32, %arg0, %c0_i32_0 : i32, i32, i32
  }
  func.func @transform_8(%arg0: i32) -> (i32, i32) {
    %c0_i32 = arith.constant 0 : i32
    %c0_i32_0 = arith.constant 0 : i32
    return %arg0, %c0_i32 : i32, i32
  }
  func.func @transform_9(%arg0: i32) -> (i32, i32) {
    %c0_i32 = arith.constant 0 : i32
    %c0_i32_0 = arith.constant 0 : i32
    return %arg0, %c0_i32 : i32, i32
  }
  func.func @transform_10(%arg0: i32) -> (i32, i32, i32) {
    %c0_i32 = arith.constant 0 : i32
    %c0_i32_0 = arith.constant 0 : i32
    %c0_i32_1 = arith.constant 0 : i32
    return %c0_i32, %c0_i32_0, %arg0 : i32, i32, i32
  }
}

</mosaic_0001>

<sc_bundles>
// kernel: kernel.6.cloned.1.call-start
scs
__scs_entry_jumppad:
0x0: {  	(pc) =	sbr.rel $0x88, $3  }
0x1: {  	(tag) =	ssettag $0x0;
	lr =	simm.s32 $0x1  }
0x2: {  	[smem:$0x3F80] =	sst lr;
	_ =	strace $0xD0000000  }
0x3: {  	_ = 	snop  }
0x4: {  	_ = 	snop  }
0x5: {  	_ = 	snop  }
0x6: {  	_ = 	snop  }
0x7: {  	_ = 	snop  }
__scs_overlays_trampoline_lowered:
0x8: {  	[smem:$0x3F8F] =	sst s0  }
0x9: {  	[smem:$0x3F90] =	sst s1  }
0xa: {  	[smem:$0x3F91] =	sst s2  }
0xb: {  	[smem:$0x3F92] =	sst s3  }
0xc: {  	[smem:$0x3F93] =	sst s4  }
0xd: {  	[smem:$0x3F94] =	sst s5  }
0xe: {  	[smem:$0x3F95] =	sst s6  }
0xf: {  	[smem:$0x3F96] =	sst s7  }
0x10: {  	[smem:$0x3F97] =	sst s8  }
0x11: {  	[smem:$0x3F98] =	sst s9;
	s0 =	simm.s32 @!p0 $0x0  }
0x12: {  	s1 =	sld [smem:$0x3F7E];
	s0 =	simm.s32 @p0 $0x1  }
0x13: {  	[smem:$0x3F99] =	sst s0;
	s0 =	simm.s32 @!p1 $0x0  }
0x14: {  	s2 =	sld [smem:$0x3F7D];
	s0 =	simm.s32 @p1 $0x1  }
0x15: {  	[smem:$0x3F9A] =	sst s0;
	s0 =	simm.s32 @!p2 $0x0  }
0x16: {  	s3 =	sld [smem:$0x3FDB];
	s0 =	simm.s32 @p2 $0x1  }
0x17: {  	s4 =	simm.s32 $0x1BF5;
	[smem:$0x3F9C] =	sst s0  }
0x18: {  	s0 =	sld [smem:$0x3F7F];
	_ =	swait.ge [sflag:s4], $0x0  }
0x19: {  	s7 =	sld [smem:$0x3F80]  }
0x1a: {  	s8 =	sadd.s32 $0xFFFFE003, lr  }
0x1b: {  	s9 =	sadd.s32 $0xFFFFFEF7, lr;
	s5 =	simm.s32 $0xFFFFFFFF;
	p2 =	slt.u32 s8, $0xFFFFF086  }
0x1c: {  	p1 =	slt.u32 s9, $0xF7A;
	s5 =	simm.s32 @!p2 $0x0  }
0x1d: {  	s5 =	simm.s32 @p1 $0x1;
	p0 =	seq.s32 s7, s2  }
0x1e: {  	s7 =	smul.u32 @!p0 $0xF7A, s2;
	p2 =	seq.s32 @!p0 s5, $0x0  }
0x1f: {  	s9 =	smul.u32 $0xF7A, s1;
	s8 =	simm.s32 @!p0 $0x1BF5;
	p2 =	por !p2, p0  }
0x20: {  	[sflag:s8] =	ssyncset.s32 @!p0 $0xFFFFF086;
	s6 =	sadd.s32 @!p0 s3, s7;
	s7 =	simm.s32 @!p0 $0x108  }
0x21: {  	s3 =	sadd.s32 s3, s9;
	s6 =	sadd.s32 @!p0 $0x88, s6;
	s7 =	simm.s32 @p2 $0x1082  }
0x22: {  	[simem:s7], [sflag:s8] =	dma.local @!p0 [hbm:s6], $0xF7A  }
0x23: {  	s9 =	sor.u32 $0xD0000000, s2;
	s6 =	simm.s32 $0x108;
	_ =	swait.ge @!p0 [sflag:s8], $0x0  }
0x24: {  	s3 =	sadd.s32 $0x88, s3;
	s6 =	simm.s32 @!p1 $0x1082;
	[sflag:s4] =	ssyncset.s32 $0xFFFFF086  }
0x25: {  	[simem:s6], [sflag:s4] =	dma.local [hbm:s3], $0xF7A  }
0x26: {  	[smem:$0x3F80] =	sst s1;
	(tag) =	ssettag s2;
	_ =	strace s9  }
0x27: {  	s1 =	sld [smem:$0x3F90]  }
0x28: {  	s2 =	sld [smem:$0x3F91]  }
0x29: {  	s4 =	sld [smem:$0x3F93]  }
0x2a: {  	p0 =	seq.s32 s5, $0x0;
	s5 =	sld [smem:$0x3F94]  }
0x2b: {  	s6 =	sld [smem:$0x3F95]  }
0x2c: {  	s7 =	sld [smem:$0x3F96]  }
0x2d: {  	s3 =	simm.s32 $0x108;
	s8 =	sld [smem:$0x3F97]  }
0x2e: {  	s3 =	simm.s32 @!p0 $0x1082;
	s9 =	sld [smem:$0x3F98]  }
0x2f: {  	lr =	sadd.s32 s0, s3;
	s0 =	sld [smem:$0x3F8F]  }
0x30: {  	s3 =	sld [smem:$0x3F92]  }
0x31: {  	[smem:$0x3F9B] =	sst s10  }
0x32: {  	s10 =	sld [smem:$0x3F99];
	_ =	sdelay $0x3  }
0x33: {  	p0 =	seq.s32 s10, $0x1;
	s10 =	sld [smem:$0x3F9B];
	_ =	sdelay $0x3  }
0x34: {  	[smem:$0x3F9B] =	sst s10  }
0x35: {  	s10 =	sld [smem:$0x3F9A];
	_ =	sdelay $0x3  }
0x36: {  	p1 =	seq.s32 s10, $0x1;
	s10 =	sld [smem:$0x3F9B];
	_ =	sdelay $0x3  }
0x37: {  	[smem:$0x3F9B] =	sst s10  }
0x38: {  	s10 =	sld [smem:$0x3F9C]  }
0x39: {  	_ = 	snop;
	(pc) =	sbr.ind lr, $3  }
0x3a: {  	_ = 	snop  }
0x3b: {  	_ = 	snop  }
0x3c: {  	p2 =	seq.s32 s10, $0x1;
	s10 =	sld [smem:$0x3F9B]  }
0x3d: {  	_ =	shalt  }
0x3e: {  	_ =	shalt  }
0x3f: {  	_ =	shalt  }
0x40: {  	_ =	shalt  }
0x41: {  	_ =	shalt  }
0x42: {  	_ =	shalt  }
0x43: {  	_ =	shalt  }
0x44: {  	_ =	shalt  }
0x45: {  	_ =	shalt  }
0x46: {  	_ =	shalt  }
0x47: {  	_ =	shalt  }
0x48: {  	_ =	shalt  }
0x49: {  	_ =	shalt  }
0x4a: {  	_ =	shalt  }
0x4b: {  	_ =	shalt  }
0x4c: {  	_ =	shalt  }
0x4d: {  	_ =	shalt  }
0x4e: {  	_ =	shalt  }
0x4f: {  	_ =	shalt  }
0x50: {  	_ =	shalt  }
0x51: {  	_ =	shalt  }
0x52: {  	_ =	shalt  }
0x53: {  	_ =	shalt  }
0x54: {  	_ =	shalt  }
0x55: {  	_ =	shalt  }
0x56: {  	_ =	shalt  }
0x57: {  	_ =	shalt  }
0x58: {  	_ =	shalt  }
0x59: {  	_ =	shalt  }
0x5a: {  	_ =	shalt  }
0x5b: {  	_ =	shalt  }
0x5c: {  	_ =	shalt  }
0x5d: {  	_ =	shalt  }
0x5e: {  	_ =	shalt  }
0x5f: {  	_ =	shalt  }
0x60: {  	_ =	shalt  }
0x61: {  	_ =	shalt  }
0x62: {  	_ =	shalt  }
0x63: {  	_ =	shalt  }
0x64: {  	_ =	shalt  }
0x65: {  	_ =	shalt  }
0x66: {  	_ =	shalt  }
0x67: {  	_ =	shalt  }
0x68: {  	_ =	shalt  }
0x69: {  	_ =	shalt  }
0x6a: {  	_ =	shalt  }
0x6b: {  	_ =	shalt  }
0x6c: {  	_ =	shalt  }
0x6d: {  	_ =	shalt  }
0x6e: {  	_ =	shalt  }
0x6f: {  	_ =	shalt  }
0x70: {  	_ =	shalt  }
0x71: {  	_ =	shalt  }
0x72: {  	_ =	shalt  }
0x73: {  	_ =	shalt  }
0x74: {  	_ =	shalt  }
0x75: {  	_ =	shalt  }
0x76: {  	_ =	shalt  }
0x77: {  	_ =	shalt  }
0x78: {  	_ =	shalt  }
0x79: {  	_ =	shalt  }
0x7a: {  	_ =	shalt  }
0x7b: {  	_ =	shalt  }
0x7c: {  	_ =	shalt  }
0x7d: {  	_ =	shalt  }
0x7e: {  	_ =	shalt  }
0x7f: {  	_ =	shalt  }
0x80: {  	_ =	shalt  }
0x81: {  	_ =	shalt  }
0x82: {  	_ =	shalt  }
0x83: {  	_ =	shalt  }
0x84: {  	_ =	shalt  }
0x85: {  	_ =	shalt  }
0x86: {  	_ =	shalt  }
0x87: {  	_ =	shalt  }
.Lfunc_end0:
.L_simem_size_0:
called_computation.1_lowered:
.L_overlay_start_0:
0x88: {  	s2 =	sld [smem:$0x3FD9]  }
0x89: {  	s3 =	sld [smem:$0x3FFE];
	_ =	sdelay $0x1  }
0x8a: {  	s1 =	srdreg.scid  }
0x8b: {  	s0 =	sand.u32 $0x1, s1  }
0x8c: {  	s17 =	sshll.u32 s0, $0xA;
	s2 =	sadd.s32 s3, s2  }
0x8d: {  	s2 =	sadd.s32 s2, s17  }
0x8e: {  	[smem:$0x3FA7] =	sst s2  }
0x8f: {  	_ = 	snop  }
0x90: {  	s2 =	sld [smem:$0x3FC9];
	(tm) =	ssettm $0x1  }
0x91: {  	s18 =	sld [smem:$0x3FFB];
	_ =	sdelay $0x3  }
0x92: {  	_ =	strace s18  }
0x93: {  	s3 =	sld [smem:$0x3FFC];
	_ =	sdelay $0x3  }
0x94: {  	_ =	strace s3  }
0x95: {  	s3 =	sld [smem:$0x3FFD];
	_ =	sdelay $0x3  }
0x96: {  	_ =	strace s3  }
0x97: {  	_ =	strace $0x8FFFFFFF  }
0x98: {  	s19 =	sld [smem:$0x3FDB];
	_ =	sdelay $0x1  }
0x99: {  	s4 =	simm.s32 $_scs_section_size  }
0x9a: {  	s5 =	simm.s32 $_size__tile_overlayer_lowered;
	s6 =	simm.s32 $_tile_overlayer_lowered  }
0x9b: {  	s22 =	simm.s32 $0x1BFF;
	s21 =	sshll.u32 s6, $0x1;
	s3 =	sadd.s32 s4, s19  }
0x9c: {  	s7 =	simm.s32 $0x0;
	s20 =	sshll.u32 s5, $0x1;
	s5 =	sadd.s32 s21, s3  }
0x9d: {  	[timem:s7], [sflag:s22] =	dma.local [hbm:s5], s20  }
0x9e: {  	_ =	swait.ge [sflag:s22], s20  }
0x9f: {  	s4 =	ssub.s32 $0x0, s20;
	[sflag:s22] =	ssyncset.done $0x0  }
0xa0: {  	[sflag:s22] =	ssyncadd.s32 s4;
	_ =	sdelay $0x1  }
0xa1: {  	s23 =	simm.s32 $0x1B8B  }
0xa2: {  	_ =	swait.ge [sflag:s23], $0x1  }
0xa3: {  	[sflag:s23] =	ssyncset.done $0x0  }
0xa4: {  	s25 =	simm.s32 $0x1B8E;
	s24 =	sld [smem:$0x3FFE];
	[sflag:s23] =	ssyncadd.s32 $0xFFFFFFFF  }
0xa5: {  	s26 =	simm.s32 $execute0_lowered;
	[smem:$0x3FD2] =	sst s25  }
0xa6: {  	s5 =	sshll.u32 s26, $0x1;
	_ =	strace $0x80000046;
	[dreg:$0x1] =	wrdreg $0xFFFFFFFF  }
0xa7: {  	s28 =	simm.s32 $_size_execute0_lowered;
	s3 =	sadd.s32 s3, s5;
	[dreg:$0x0] =	wrdreg $0x0  }
0xa8: {  	s5 =	sshll.u32 s28, $0x1;
	[dreg:$0x2] =	wrdreg s3  }
0xa9: {  	[dreg:$0x3] =	wrdreg s5  }
0xaa: {  	[dreg:$0x4] =	wrdreg $0xC0  }
0xab: {  	_ =	task [dreg:s7], $0x5FFFF  }
0xac: {  	[dreg:$0x1] =	wrdreg $0xFFFFFFFF  }
0xad: {  	[dreg:$0x0] =	wrdreg $0x60  }
0xae: {  	[dreg:$0x2] =	wrdreg s2  }
0xaf: {  	[dreg:$0x3] =	wrdreg s24  }
0xb0: {  	[dreg:$0x4] =	wrdreg $0x9  }
0xb1: {  	_ =	task.clear_ibuf [dreg:s7], $0x5FFFF;
	_ =	strace $0x90000046  }
0xb2: {  	s29 =	simm.s32 $0x9;
	_ =	strace $0x80000048  }
0xb3: {  	_ =	swait.ge [sflag:s29], $0x1  }
0xb4: {  	[sflag:s29] =	ssyncadd.s32 $0xFFFFFFFF  }
0xb5: {  	_ =	strace $0x90000048  }
0xb6: {  	_ =	sfence  }
0xb7: {  	s30 =	sld [smem:$0x0];
	_ =	sdelay $0x2  }
0xb8: {  	s31 =	sshll.u32 s1, $0xD;
	s1 =	sshrl.u32 s1, $0x2  }
0xb9: {  	s3 =	sand.u32 $0x4000, s31;
	s1 =	sadd.s32 s1, s30  }
0xba: {  	s0 =	sor.u32 s3, s0;
	s1 =	sshll.u32 s1, $0x11  }
0xbb: {  	s0 =	sor.u32 s1, s0  }
0xbc: {  	s0 =	sadd.s32 $0x8F2B, s0  }
0xbd: {  	[sflag:s0] =	ssyncadd.remote.s32 $0x1  }
0xbe: {  	_ =	sfence.sel $0xFFFF  }
0xbf: {  	[dreg:$0x0] =	wrdreg $0xFFFFFFFF;
	(pc) =	sbr.abs _section_cstart, $3  }
0xc0: {  	[dreg:$0x1] =	wrdreg $0xFFFFFFFF  }
0xc1: {  	_ =	task.clear_ibuf [dreg:s7], $0x2FFFF;
	_ =	strace $0x9FFFFFFF  }
0xc2: {  	(tm) =	ssettm $0x7FFFFFFF  }
0xc3: {  	_ =	shalt  }
tec
execute0_lowered:
.L_overlay_start_1:
0x0: {  	(tag) =	ssettag $0x1  }
0x1: {  	s2 =	rddreg [dreg:$0x0];
	s1 =	srdreg.scid  }
0x2: {  	s0 =	stileid.u32;
	s4 =	rddreg [dreg:$0x1];
	s3 =	simm.s32 $0x0  }
0x3: {  	s11 =	simm.s32 $0x0;
	s5 =	sand.u32 $0x1, s1;
	s1 =	rddreg [dreg:$0x2]  }
0x4: {  	s6 =	sshll.u32 s0, $0x1;
	[smem:$0x7FF] =	sst s3;
	s7 =	smul.u32 $0x28000, s0  }
0x5: {  	s6 =	sor.u32 s5, s6;
	s8 =	ssub.s32 $0x2, s5;
	s10 =	smul.u32 $0x14000, s5  }
0x6: {  	_ =	strace $0x80000047;
	s6 =	smul.u32 $0x1400, s6;
	s9 =	sshrl.u32 s8, $0x1  }
0x7: {  	s30 =	sadd.s32 s7, s4;
	s7 =	simm.s32 $0x2;
	s31 =	ssub.s32 s8, s9  }
0x8: {  	s8 =	simm.s32 $0x80;
	s9 =	simm.s32 $0x1400;
	s6 =	sshrl.u32 s6, $0x3  }
0x9: {  	s5 =	smax.u32 s31, $0x1;
	s29 =	sadd.s32 s6, s4;
	s6 =	sadd.s32 s10, s30  }
0xa: {  	s10 =	simm.s32 $0x1;
	s4 =	sadd.s32 $0xA7200, s29;
	s6 =	sadd.s32 $0xAC200, s6  }
.LBB2_1:
0xb: {  	[tilespmem:s3], [sflag:$0x2] =	stream.linear.gather [hbm4b:s4+s3], $0x1400, $0x38;
	[tilespmem:$0x5400] =	vst v63  }
0xc: {  	_ =	swait.ge [sflag:s7], $0x1400  }
0xd: {  	[sflag:s7] =	ssyncset.done $0x0  }
0xe: {  	s12 =	simm.s32 $0x0;
	[sflag:s7] =	ssyncadd.s32 $0xFFFFEC00  }
0xf: {  	[tilespmem:s9], [sflag:$0x1] =	stream.indirect.gather [hbm4b:s2+s8], $0x80, s12, s8, $0xb8;
	[tilespmem:$0x5400] =	vst v63  }
0x10: {  	_ =	swait.ge [sflag:s10], $0x4000  }
0x11: {  	[sflag:s10] =	ssyncset.done $0x0  }
0x12: {  	[sflag:s10] =	ssyncadd.s32 $0xFFFFC000  }
0x13: {  	[hbm4b:s6+s3] =	stream.linear.scatter [tilespmem:s9], [sflag:$0x2], $0x4000, $0x38;
	[tilespmem:$0x5400] =	vst v63  }
0x14: {  	s13 =	simm.s32 $0x200;
	_ =	swait.ge [sflag:s7], $0x4000  }
0x15: {  	s14 =	simm.s32 $0x400;
	s12 =	sadd.s32 $0x800, s6;
	[sflag:s7] =	ssyncset.done $0x0  }
.LBB2_2:
0x16: {  	s15 =	sshra.s32 s13, $0x2  }
0x17: {  	[sflag:s7] =	ssyncadd.s32 $0xFFFFC000;
	s13 =	smov.u32 s14;
	s16 =	sadd.s32 $0x200, s14  }
0x18: {  	[tilespmem:s9], [sflag:$0x1] =	stream.indirect.gather [hbm4b:s2+s8], $0x80, s15, s8, $0xb8;
	[tilespmem:$0x5400] =	vst v63  }
0x19: {  	p0 =	sne.s32 s14, $0x4E00;
	_ =	swait.ge [sflag:s10], $0x4000  }
.Ltmp0:
0x1a: {  	[sflag:s10] =	ssyncset.done $0x0;
	(pc) =	sbr.rel @p0 .LBB2_2-.Ltmp0, $4  }
0x1b: {  	[sflag:s10] =	ssyncadd.s32 $0xFFFFC000  }
0x1c: {  	[hbm4b:s12+s3] =	stream.linear.scatter [tilespmem:s9], [sflag:$0x2], $0x4000, $0x38;
	[tilespmem:$0x5400] =	vst v63  }
0x1d: {  	_ =	swait.ge [sflag:s7], $0x4000  }
0x1e: {  	s14 =	smov.u32 s16;
	s12 =	sadd.s32 $0x800, s12;
	[sflag:s7] =	ssyncset.done $0x0  }
0x1f: {  	s13 =	sshra.s32 s13, $0x2;
	[sflag:s7] =	ssyncadd.s32 $0xFFFFC000  }
0x20: {  	[tilespmem:s9], [sflag:$0x1] =	stream.indirect.gather [hbm4b:s2+s8], $0x80, s13, s8, $0xb8;
	[tilespmem:$0x5400] =	vst v63  }
0x21: {  	s11 =	sadd.s32 $0x1, s11;
	_ =	swait.ge [sflag:s10], $0x4000  }
0x22: {  	p0 =	sne.s32 s11, s5;
	[sflag:s10] =	ssyncset.done $0x0  }
.Ltmp1:
0x23: {  	[sflag:s10] =	ssyncadd.s32 $0xFFFFC000;
	(pc) =	sbr.rel @p0 .LBB2_1-.Ltmp1, $4  }
0x24: {  	[hbm4b:s12+s3] =	stream.linear.scatter [tilespmem:s9], [sflag:$0x2], $0x4000, $0x38;
	[tilespmem:$0x5400] =	vst v63  }
0x25: {  	_ =	swait.ge [sflag:s7], $0x4000  }
0x26: {  	[sflag:s7] =	ssyncset.done $0x0  }
0x27: {  	[sflag:s7] =	ssyncadd.s32 $0xFFFFC000  }
0x28: {  	_ =	sfence.sel $0x180000  }
0x29: {  	[bflag:$0x0] =	sbarrier.arrive $0xFFFF  }
0x2a: {  	p0 =	sne.s32 s0, $0x0;
	_ =	strace $0x90000047  }
0x2b: {  	s0 =	sadd.s32 @!p0 $0x100000, s1;
	[bflag:$0x2] =	sbarrier.arrive $0xFFFF  }
0x2c: {  	[sflag:s0] =	ssyncadd.tile.s32 @!p0 $0x1;
	_ =	shalt  }
.Lfunc_end2:
_tile_overlayer_lowered:
.L_overlay_start_2:
0x2d: {  	(tag) =	ssettag $0x2  }
0x2e: {  	s0 =	rddreg [dreg:$0x0];
	s2 =	stileid.u32  }
0x2f: {  	s1 =	rddreg [dreg:$0x1];
	p0 =	sne.s32 s2, $0x0  }
0x30: {  	s3 =	rddreg [dreg:$0x2];
	[bflag:$0x3] =	sbarrier.arrive $0xFFFF;
	s2 =	simm.s32 @!p0 $0x1C02  }
0x31: {  	[timem:s3], [sflag:s2] =	dma.local @!p0 [hbm:s0], s1  }
0x32: {  	s0 =	simm.s32 @!p0 $0x2  }
0x33: {  	_ =	swait.ge @!p0 [sflag:s0], s1  }
0x34: {  	s1 =	ssub.s32 @!p0 $0x0, s1;
	[sflag:s0] =	ssyncset.done @!p0 $0x0  }
0x35: {  	[sflag:s0] =	ssyncadd.s32 @!p0 s1  }
0x36: {  	[bflag:$0x3] =	sbarrier.arrive $0xFFFF  }
0x37: {  	_ =	shalt  }

// kernel: scatter_offload_async_start
scs
__scs_entry_jumppad:
0x0: {  	(pc) =	sbr.rel $0x88, $3  }
0x1: {  	(tag) =	ssettag $0x0;
	lr =	simm.s32 $0x1  }
0x2: {  	[smem:$0x3F80] =	sst lr;
	_ =	strace $0xD0000000  }
0x3: {  	_ = 	snop  }
0x4: {  	_ = 	snop  }
0x5: {  	_ = 	snop  }
0x6: {  	_ = 	snop  }
0x7: {  	_ = 	snop  }
__scs_overlays_trampoline_lowered:
0x8: {  	[smem:$0x3F8F] =	sst s0  }
0x9: {  	[smem:$0x3F90] =	sst s1  }
0xa: {  	[smem:$0x3F91] =	sst s2  }
0xb: {  	[smem:$0x3F92] =	sst s3  }
0xc: {  	[smem:$0x3F93] =	sst s4  }
0xd: {  	[smem:$0x3F94] =	sst s5  }
0xe: {  	[smem:$0x3F95] =	sst s6  }
0xf: {  	[smem:$0x3F96] =	sst s7  }
0x10: {  	[smem:$0x3F97] =	sst s8  }
0x11: {  	[smem:$0x3F98] =	sst s9;
	s0 =	simm.s32 @!p0 $0x0  }
0x12: {  	s1 =	sld [smem:$0x3F7E];
	s0 =	simm.s32 @p0 $0x1  }
0x13: {  	[smem:$0x3F99] =	sst s0;
	s0 =	simm.s32 @!p1 $0x0  }
0x14: {  	s2 =	sld [smem:$0x3F7D];
	s0 =	simm.s32 @p1 $0x1  }
0x15: {  	[smem:$0x3F9A] =	sst s0;
	s0 =	simm.s32 @!p2 $0x0  }
0x16: {  	s3 =	sld [smem:$0x3FDB];
	s0 =	simm.s32 @p2 $0x1  }
0x17: {  	s4 =	simm.s32 $0x1BF5;
	[smem:$0x3F9C] =	sst s0  }
0x18: {  	s0 =	sld [smem:$0x3F7F];
	_ =	swait.ge [sflag:s4], $0x0  }
0x19: {  	s7 =	sld [smem:$0x3F80]  }
0x1a: {  	s8 =	sadd.s32 $0xFFFFE003, lr  }
0x1b: {  	s9 =	sadd.s32 $0xFFFFFEF7, lr;
	s5 =	simm.s32 $0xFFFFFFFF;
	p2 =	slt.u32 s8, $0xFFFFF086  }
0x1c: {  	p1 =	slt.u32 s9, $0xF7A;
	s5 =	simm.s32 @!p2 $0x0  }
0x1d: {  	s5 =	simm.s32 @p1 $0x1;
	p0 =	seq.s32 s7, s2  }
0x1e: {  	s7 =	smul.u32 @!p0 $0xF7A, s2;
	p2 =	seq.s32 @!p0 s5, $0x0  }
0x1f: {  	s9 =	smul.u32 $0xF7A, s1;
	s8 =	simm.s32 @!p0 $0x1BF5;
	p2 =	por !p2, p0  }
0x20: {  	[sflag:s8] =	ssyncset.s32 @!p0 $0xFFFFF086;
	s6 =	sadd.s32 @!p0 s3, s7;
	s7 =	simm.s32 @!p0 $0x108  }
0x21: {  	s3 =	sadd.s32 s3, s9;
	s6 =	sadd.s32 @!p0 $0x88, s6;
	s7 =	simm.s32 @p2 $0x1082  }
0x22: {  	[simem:s7], [sflag:s8] =	dma.local @!p0 [hbm:s6], $0xF7A  }
0x23: {  	s9 =	sor.u32 $0xD0000000, s2;
	s6 =	simm.s32 $0x108;
	_ =	swait.ge @!p0 [sflag:s8], $0x0  }
0x24: {  	s3 =	sadd.s32 $0x88, s3;
	s6 =	simm.s32 @!p1 $0x1082;
	[sflag:s4] =	ssyncset.s32 $0xFFFFF086  }
0x25: {  	[simem:s6], [sflag:s4] =	dma.local [hbm:s3], $0xF7A  }
0x26: {  	[smem:$0x3F80] =	sst s1;
	(tag) =	ssettag s2;
	_ =	strace s9  }
0x27: {  	s1 =	sld [smem:$0x3F90]  }
0x28: {  	s2 =	sld [smem:$0x3F91]  }
0x29: {  	s4 =	sld [smem:$0x3F93]  }
0x2a: {  	p0 =	seq.s32 s5, $0x0;
	s5 =	sld [smem:$0x3F94]  }
0x2b: {  	s6 =	sld [smem:$0x3F95]  }
0x2c: {  	s7 =	sld [smem:$0x3F96]  }
0x2d: {  	s3 =	simm.s32 $0x108;
	s8 =	sld [smem:$0x3F97]  }
0x2e: {  	s3 =	simm.s32 @!p0 $0x1082;
	s9 =	sld [smem:$0x3F98]  }
0x2f: {  	lr =	sadd.s32 s0, s3;
	s0 =	sld [smem:$0x3F8F]  }
0x30: {  	s3 =	sld [smem:$0x3F92]  }
0x31: {  	[smem:$0x3F9B] =	sst s10  }
0x32: {  	s10 =	sld [smem:$0x3F99];
	_ =	sdelay $0x3  }
0x33: {  	p0 =	seq.s32 s10, $0x1;
	s10 =	sld [smem:$0x3F9B];
	_ =	sdelay $0x3  }
0x34: {  	[smem:$0x3F9B] =	sst s10  }
0x35: {  	s10 =	sld [smem:$0x3F9A];
	_ =	sdelay $0x3  }
0x36: {  	p1 =	seq.s32 s10, $0x1;
	s10 =	sld [smem:$0x3F9B];
	_ =	sdelay $0x3  }
0x37: {  	[smem:$0x3F9B] =	sst s10  }
0x38: {  	s10 =	sld [smem:$0x3F9C]  }
0x39: {  	_ = 	snop;
	(pc) =	sbr.ind lr, $3  }
0x3a: {  	_ = 	snop  }
0x3b: {  	_ = 	snop  }
0x3c: {  	p2 =	seq.s32 s10, $0x1;
	s10 =	sld [smem:$0x3F9B]  }
0x3d: {  	_ =	shalt  }
0x3e: {  	_ =	shalt  }
0x3f: {  	_ =	shalt  }
0x40: {  	_ =	shalt  }
0x41: {  	_ =	shalt  }
0x42: {  	_ =	shalt  }
0x43: {  	_ =	shalt  }
0x44: {  	_ =	shalt  }
0x45: {  	_ =	shalt  }
0x46: {  	_ =	shalt  }
0x47: {  	_ =	shalt  }
0x48: {  	_ =	shalt  }
0x49: {  	_ =	shalt  }
0x4a: {  	_ =	shalt  }
0x4b: {  	_ =	shalt  }
0x4c: {  	_ =	shalt  }
0x4d: {  	_ =	shalt  }
0x4e: {  	_ =	shalt  }
0x4f: {  	_ =	shalt  }
0x50: {  	_ =	shalt  }
0x51: {  	_ =	shalt  }
0x52: {  	_ =	shalt  }
0x53: {  	_ =	shalt  }
0x54: {  	_ =	shalt  }
0x55: {  	_ =	shalt  }
0x56: {  	_ =	shalt  }
0x57: {  	_ =	shalt  }
0x58: {  	_ =	shalt  }
0x59: {  	_ =	shalt  }
0x5a: {  	_ =	shalt  }
0x5b: {  	_ =	shalt  }
0x5c: {  	_ =	shalt  }
0x5d: {  	_ =	shalt  }
0x5e: {  	_ =	shalt  }
0x5f: {  	_ =	shalt  }
0x60: {  	_ =	shalt  }
0x61: {  	_ =	shalt  }
0x62: {  	_ =	shalt  }
0x63: {  	_ =	shalt  }
0x64: {  	_ =	shalt  }
0x65: {  	_ =	shalt  }
0x66: {  	_ =	shalt  }
0x67: {  	_ =	shalt  }
0x68: {  	_ =	shalt  }
0x69: {  	_ =	shalt  }
0x6a: {  	_ =	shalt  }
0x6b: {  	_ =	shalt  }
0x6c: {  	_ =	shalt  }
0x6d: {  	_ =	shalt  }
0x6e: {  	_ =	shalt  }
0x6f: {  	_ =	shalt  }
0x70: {  	_ =	shalt  }
0x71: {  	_ =	shalt  }
0x72: {  	_ =	shalt  }
0x73: {  	_ =	shalt  }
0x74: {  	_ =	shalt  }
0x75: {  	_ =	shalt  }
0x76: {  	_ =	shalt  }
0x77: {  	_ =	shalt  }
0x78: {  	_ =	shalt  }
0x79: {  	_ =	shalt  }
0x7a: {  	_ =	shalt  }
0x7b: {  	_ =	shalt  }
0x7c: {  	_ =	shalt  }
0x7d: {  	_ =	shalt  }
0x7e: {  	_ =	shalt  }
0x7f: {  	_ =	shalt  }
0x80: {  	_ =	shalt  }
0x81: {  	_ =	shalt  }
0x82: {  	_ =	shalt  }
0x83: {  	_ =	shalt  }
0x84: {  	_ =	shalt  }
0x85: {  	_ =	shalt  }
0x86: {  	_ =	shalt  }
0x87: {  	_ =	shalt  }
.Lfunc_end0:
.L_simem_size_0:
called_computation_lowered:
.L_overlay_start_0:
0x88: {  	s2 =	sld [smem:$0x3FD9]  }
0x89: {  	s3 =	sld [smem:$0x3FFE];
	_ =	sdelay $0x1  }
0x8a: {  	s1 =	srdreg.scid  }
0x8b: {  	s0 =	sand.u32 $0x1, s1  }
0x8c: {  	s15 =	sshll.u32 s0, $0xA;
	s2 =	sadd.s32 s3, s2  }
0x8d: {  	s2 =	sadd.s32 s2, s15  }
0x8e: {  	[smem:$0x3FA7] =	sst s2  }
0x8f: {  	_ = 	snop  }
0x90: {  	(tm) =	ssettm $0x1  }
0x91: {  	s16 =	sld [smem:$0x3FFB];
	_ =	sdelay $0x3  }
0x92: {  	_ =	strace s16  }
0x93: {  	s2 =	sld [smem:$0x3FFC];
	_ =	sdelay $0x3  }
0x94: {  	_ =	strace s2  }
0x95: {  	s2 =	sld [smem:$0x3FFD];
	_ =	sdelay $0x3  }
0x96: {  	_ =	strace s2  }
0x97: {  	_ =	strace $0x8FFFFFFF  }
0x98: {  	s17 =	sld [smem:$0x3FDB];
	_ =	sdelay $0x1  }
0x99: {  	s18 =	simm.s32 $_scs_section_size  }
0x9a: {  	s4 =	simm.s32 $_size__tile_overlayer_lowered;
	s5 =	simm.s32 $_tile_overlayer_lowered  }
0x9b: {  	s21 =	simm.s32 $0x1BFF;
	s20 =	sshll.u32 s5, $0x1;
	s2 =	sadd.s32 s18, s17  }
0x9c: {  	s6 =	simm.s32 $0x0;
	s19 =	sshll.u32 s4, $0x1;
	s4 =	sadd.s32 s20, s2  }
0x9d: {  	[timem:s6], [sflag:s21] =	dma.local [hbm:s4], s19  }
0x9e: {  	_ =	swait.ge [sflag:s21], s19  }
0x9f: {  	s3 =	ssub.s32 $0x0, s19;
	[sflag:s21] =	ssyncset.done $0x0  }
0xa0: {  	[sflag:s21] =	ssyncadd.s32 s3;
	_ =	sdelay $0x1  }
0xa1: {  	s22 =	simm.s32 $0x1B8B  }
0xa2: {  	_ =	swait.ge [sflag:s22], $0x1  }
0xa3: {  	[sflag:s22] =	ssyncset.done $0x0  }
0xa4: {  	s23 =	sld [smem:$0x3FFE];
	[sflag:s22] =	ssyncadd.s32 $0xFFFFFFFF  }
0xa5: {  	s25 =	simm.s32 $0x1B8E;
	s24 =	sld [smem:$0x0]  }
0xa6: {  	s26 =	simm.s32 $execute0_lowered;
	[smem:$0x3FD2] =	sst s25  }
0xa7: {  	s5 =	sshll.u32 s26, $0x1;
	_ =	strace $0x80000049;
	[dreg:$0x1] =	wrdreg $0xFFFFFFFF  }
0xa8: {  	s28 =	simm.s32 $_size_execute0_lowered;
	s2 =	sadd.s32 s2, s5;
	[dreg:$0x0] =	wrdreg $0x0  }
0xa9: {  	s5 =	sshll.u32 s28, $0x1;
	[dreg:$0x2] =	wrdreg s2  }
0xaa: {  	[dreg:$0x3] =	wrdreg s5  }
0xab: {  	[dreg:$0x4] =	wrdreg $0xC0  }
0xac: {  	_ =	task [dreg:s6], $0x5FFFF  }
0xad: {  	[dreg:$0x1] =	wrdreg $0xFFFFFFFF  }
0xae: {  	[dreg:$0x0] =	wrdreg $0x60  }
0xaf: {  	[dreg:$0x2] =	wrdreg s23  }
0xb0: {  	[dreg:$0x3] =	wrdreg s1  }
0xb1: {  	[dreg:$0x4] =	wrdreg s24  }
0xb2: {  	[dreg:$0x5] =	wrdreg $0x9  }
0xb3: {  	_ =	task.clear_ibuf [dreg:s6], $0x6FFFF;
	_ =	strace $0x90000049  }
0xb4: {  	s29 =	simm.s32 $0x9;
	_ =	strace $0x8000004B  }
0xb5: {  	_ =	swait.ge [sflag:s29], $0x1  }
0xb6: {  	[sflag:s29] =	ssyncadd.s32 $0xFFFFFFFF  }
0xb7: {  	_ =	strace $0x9000004B  }
0xb8: {  	_ =	sfence  }
0xb9: {  	s30 =	sld [smem:$0x0];
	_ =	sdelay $0x2  }
0xba: {  	s31 =	sshll.u32 s1, $0xD;
	s1 =	sshrl.u32 s1, $0x2  }
0xbb: {  	s3 =	sand.u32 $0x4000, s31;
	s1 =	sadd.s32 s1, s30  }
0xbc: {  	s0 =	sor.u32 s3, s0;
	s1 =	sshll.u32 s1, $0x11  }
0xbd: {  	s0 =	sor.u32 s1, s0  }
0xbe: {  	s0 =	sadd.s32 $0x8F2B, s0  }
0xbf: {  	[sflag:s0] =	ssyncadd.remote.s32 $0x1  }
0xc0: {  	_ =	sfence.sel $0xFFFF  }
0xc1: {  	[dreg:$0x0] =	wrdreg $0xFFFFFFFF;
	(pc) =	sbr.abs _section_cstart, $3  }
0xc2: {  	[dreg:$0x1] =	wrdreg $0xFFFFFFFF  }
0xc3: {  	_ =	task.clear_ibuf [dreg:s6], $0x2FFFF;
	_ =	strace $0x9FFFFFFF  }
0xc4: {  	(tm) =	ssettm $0x7FFFFFFF  }
0xc5: {  	_ =	shalt  }
tec
execute0_lowered:
.L_overlay_start_1:
0x0: {  	(tag) =	ssettag $0x1  }
0x1: {  	s7 =	rddreg [dreg:$0x0]  }
0x2: {  	s2 =	rddreg [dreg:$0x1];
	_ =	strace $0x8000004A;
	s3 =	simm.s32 $0x1  }
0x3: {  	v0 =	vimm.s32 $0x0;
	[sflag:s3] =	ssyncpa.u1 $0x0  }
0x4: {  	[tilespmem:$0x48] =	vst v0  }
0x5: {  	[tilespmem:$0x58] =	vst v0  }
0x6: {  	[tilespmem:$0x68] =	vst v0  }
0x7: {  	[tilespmem:$0x78] =	vst v0  }
0x8: {  	[tilespmem:$0x88] =	vst v0  }
0x9: {  	[tilespmem:$0x98] =	vst v0  }
0xa: {  	[tilespmem:$0xA8] =	vst v0  }
0xb: {  	[tilespmem:$0xB8] =	vst v0  }
0xc: {  	[tilespmem:$0xC8] =	vst v0  }
0xd: {  	[tilespmem:$0xD8] =	vst v0  }
0xe: {  	[tilespmem:$0xE8] =	vst v0  }
0xf: {  	[tilespmem:$0xF8] =	vst v0  }
0x10: {  	[tilespmem:$0x108] =	vst v0  }
0x11: {  	[tilespmem:$0x118] =	vst v0  }
0x12: {  	[tilespmem:$0x128] =	vst v0  }
0x13: {  	[tilespmem:$0x138] =	vst v0  }
0x14: {  	[tilespmem:$0x148] =	vst v0  }
0x15: {  	[tilespmem:$0x158] =	vst v0  }
0x16: {  	[tilespmem:$0x168] =	vst v0  }
0x17: {  	[tilespmem:$0x178] =	vst v0  }
0x18: {  	[tilespmem:$0x188] =	vst v0  }
0x19: {  	[tilespmem:$0x198] =	vst v0  }
0x1a: {  	[tilespmem:$0x1A8] =	vst v0  }
0x1b: {  	[tilespmem:$0x1B8] =	vst v0  }
0x1c: {  	[tilespmem:$0x1C8] =	vst v0  }
0x1d: {  	[tilespmem:$0x1D8] =	vst v0  }
0x1e: {  	[tilespmem:$0x1E8] =	vst v0  }
0x1f: {  	[tilespmem:$0x1F8] =	vst v0  }
0x20: {  	[tilespmem:$0x208] =	vst v0  }
0x21: {  	[tilespmem:$0x218] =	vst v0  }
0x22: {  	[tilespmem:$0x228] =	vst v0  }
0x23: {  	[tilespmem:$0x238] =	vst v0  }
0x24: {  	[tilespmem:$0x248] =	vst v0  }
0x25: {  	[tilespmem:$0x258] =	vst v0  }
0x26: {  	[tilespmem:$0x268] =	vst v0  }
0x27: {  	[tilespmem:$0x278] =	vst v0  }
0x28: {  	[tilespmem:$0x288] =	vst v0  }
0x29: {  	[tilespmem:$0x298] =	vst v0  }
0x2a: {  	[tilespmem:$0x2A8] =	vst v0  }
0x2b: {  	[tilespmem:$0x2B8] =	vst v0  }
0x2c: {  	[tilespmem:$0x2C8] =	vst v0  }
0x2d: {  	[tilespmem:$0x2D8] =	vst v0  }
0x2e: {  	[tilespmem:$0x2E8] =	vst v0  }
0x2f: {  	[tilespmem:$0x2F8] =	vst v0  }
0x30: {  	[tilespmem:$0x308] =	vst v0  }
0x31: {  	[tilespmem:$0x318] =	vst v0  }
0x32: {  	[tilespmem:$0x328] =	vst v0  }
0x33: {  	[tilespmem:$0x338] =	vst v0  }
0x34: {  	[tilespmem:$0x348] =	vst v0  }
0x35: {  	[tilespmem:$0x358] =	vst v0  }
0x36: {  	[tilespmem:$0x368] =	vst v0  }
0x37: {  	[tilespmem:$0x378] =	vst v0  }
0x38: {  	[tilespmem:$0x388] =	vst v0  }
0x39: {  	[tilespmem:$0x398] =	vst v0  }
0x3a: {  	[tilespmem:$0x3A8] =	vst v0  }
0x3b: {  	[tilespmem:$0x3B8] =	vst v0  }
0x3c: {  	[tilespmem:$0x3C8] =	vst v0  }
0x3d: {  	[tilespmem:$0x3D8] =	vst v0  }
0x3e: {  	[tilespmem:$0x3E8] =	vst v0  }
0x3f: {  	[tilespmem:$0x3F8] =	vst v0  }
0x40: {  	[tilespmem:$0x408] =	vst v0  }
0x41: {  	[tilespmem:$0x418] =	vst v0  }
0x42: {  	[tilespmem:$0x428] =	vst v0  }
0x43: {  	[tilespmem:$0x438] =	vst v0  }
0x44: {  	[tilespmem:$0x448] =	vst v0  }
0x45: {  	[tilespmem:$0x458] =	vst v0  }
0x46: {  	[tilespmem:$0x468] =	vst v0  }
0x47: {  	[tilespmem:$0x478] =	vst v0  }
0x48: {  	[tilespmem:$0x488] =	vst v0  }
0x49: {  	[tilespmem:$0x498] =	vst v0  }
0x4a: {  	[tilespmem:$0x4A8] =	vst v0  }
0x4b: {  	[tilespmem:$0x4B8] =	vst v0  }
0x4c: {  	[tilespmem:$0x4C8] =	vst v0  }
0x4d: {  	[tilespmem:$0x4D8] =	vst v0  }
0x4e: {  	[tilespmem:$0x4E8] =	vst v0  }
0x4f: {  	[tilespmem:$0x4F8] =	vst v0  }
0x50: {  	[tilespmem:$0x508] =	vst v0  }
0x51: {  	[tilespmem:$0x518] =	vst v0  }
0x52: {  	[tilespmem:$0x528] =	vst v0  }
0x53: {  	[tilespmem:$0x538] =	vst v0  }
0x54: {  	[tilespmem:$0x548] =	vst v0  }
0x55: {  	[tilespmem:$0x558] =	vst v0  }
0x56: {  	[tilespmem:$0x568] =	vst v0  }
0x57: {  	[tilespmem:$0x578] =	vst v0  }
0x58: {  	[tilespmem:$0x588] =	vst v0  }
0x59: {  	[tilespmem:$0x598] =	vst v0  }
0x5a: {  	[tilespmem:$0x5A8] =	vst v0  }
0x5b: {  	[tilespmem:$0x5B8] =	vst v0  }
0x5c: {  	[tilespmem:$0x5C8] =	vst v0  }
0x5d: {  	[tilespmem:$0x5D8] =	vst v0  }
0x5e: {  	[tilespmem:$0x5E8] =	vst v0  }
0x5f: {  	[tilespmem:$0x5F8] =	vst v0  }
0x60: {  	[tilespmem:$0x608] =	vst v0  }
0x61: {  	[tilespmem:$0x618] =	vst v0  }
0x62: {  	[tilespmem:$0x628] =	vst v0  }
0x63: {  	[tilespmem:$0x638] =	vst v0  }
0x64: {  	[tilespmem:$0x648] =	vst v0  }
0x65: {  	[tilespmem:$0x658] =	vst v0  }
0x66: {  	[tilespmem:$0x668] =	vst v0  }
0x67: {  	[tilespmem:$0x678] =	vst v0  }
0x68: {  	[tilespmem:$0x688] =	vst v0  }
0x69: {  	[tilespmem:$0x698] =	vst v0  }
0x6a: {  	[tilespmem:$0x6A8] =	vst v0  }
0x6b: {  	[tilespmem:$0x6B8] =	vst v0  }
0x6c: {  	[tilespmem:$0x6C8] =	vst v0  }
0x6d: {  	[tilespmem:$0x6D8] =	vst v0  }
0x6e: {  	[tilespmem:$0x6E8] =	vst v0  }
0x6f: {  	[tilespmem:$0x6F8] =	vst v0  }
0x70: {  	[tilespmem:$0x708] =	vst v0  }
0x71: {  	[tilespmem:$0x718] =	vst v0  }
0x72: {  	[tilespmem:$0x728] =	vst v0  }
0x73: {  	[tilespmem:$0x738] =	vst v0  }
0x74: {  	[tilespmem:$0x748] =	vst v0  }
0x75: {  	[tilespmem:$0x758] =	vst v0  }
0x76: {  	[tilespmem:$0x768] =	vst v0  }
0x77: {  	[tilespmem:$0x778] =	vst v0  }
0x78: {  	[tilespmem:$0x788] =	vst v0  }
0x79: {  	[tilespmem:$0x798] =	vst v0  }
0x7a: {  	[tilespmem:$0x7A8] =	vst v0  }
0x7b: {  	[tilespmem:$0x7B8] =	vst v0  }
0x7c: {  	[tilespmem:$0x7C8] =	vst v0  }
0x7d: {  	[tilespmem:$0x7D8] =	vst v0  }
0x7e: {  	[tilespmem:$0x7E8] =	vst v0  }
0x7f: {  	[tilespmem:$0x7F8] =	vst v0  }
0x80: {  	[tilespmem:$0x808] =	vst v0  }
0x81: {  	[tilespmem:$0x818] =	vst v0  }
0x82: {  	[tilespmem:$0x828] =	vst v0  }
0x83: {  	[tilespmem:$0x838] =	vst v0  }
0x84: {  	[tilespmem:$0x848] =	vst v0  }
0x85: {  	[tilespmem:$0x858] =	vst v0  }
0x86: {  	[tilespmem:$0x868] =	vst v0  }
0x87: {  	[tilespmem:$0x878] =	vst v0  }
0x88: {  	[tilespmem:$0x888] =	vst v0  }
0x89: {  	[tilespmem:$0x898] =	vst v0  }
0x8a: {  	[tilespmem:$0x8A8] =	vst v0  }
0x8b: {  	[tilespmem:$0x8B8] =	vst v0  }
0x8c: {  	[tilespmem:$0x8C8] =	vst v0  }
0x8d: {  	[tilespmem:$0x8D8] =	vst v0  }
0x8e: {  	[tilespmem:$0x8E8] =	vst v0  }
0x8f: {  	[tilespmem:$0x8F8] =	vst v0  }
0x90: {  	[tilespmem:$0x908] =	vst v0  }
0x91: {  	[tilespmem:$0x918] =	vst v0  }
0x92: {  	[tilespmem:$0x928] =	vst v0  }
0x93: {  	[tilespmem:$0x938] =	vst v0  }
0x94: {  	[tilespmem:$0x948] =	vst v0  }
0x95: {  	[tilespmem:$0x958] =	vst v0  }
0x96: {  	[tilespmem:$0x968] =	vst v0  }
0x97: {  	[tilespmem:$0x978] =	vst v0  }
0x98: {  	[tilespmem:$0x988] =	vst v0  }
0x99: {  	[tilespmem:$0x998] =	vst v0  }
0x9a: {  	[tilespmem:$0x9A8] =	vst v0  }
0x9b: {  	[tilespmem:$0x9B8] =	vst v0  }
0x9c: {  	[tilespmem:$0x9C8] =	vst v0  }
0x9d: {  	[tilespmem:$0x9D8] =	vst v0  }
0x9e: {  	[tilespmem:$0x9E8] =	vst v0  }
0x9f: {  	[tilespmem:$0x9F8] =	vst v0  }
0xa0: {  	[tilespmem:$0xA08] =	vst v0  }
0xa1: {  	[tilespmem:$0xA18] =	vst v0  }
0xa2: {  	[tilespmem:$0xA28] =	vst v0  }
0xa3: {  	[tilespmem:$0xA38] =	vst v0  }
0xa4: {  	[tilespmem:$0xA48] =	vst v0  }
0xa5: {  	[tilespmem:$0xA58] =	vst v0  }
0xa6: {  	[tilespmem:$0xA68] =	vst v0  }
0xa7: {  	[tilespmem:$0xA78] =	vst v0  }
0xa8: {  	[tilespmem:$0xA88] =	vst v0  }
0xa9: {  	[tilespmem:$0xA98] =	vst v0  }
0xaa: {  	[tilespmem:$0xAA8] =	vst v0  }
0xab: {  	[tilespmem:$0xAB8] =	vst v0  }
0xac: {  	[tilespmem:$0xAC8] =	vst v0  }
0xad: {  	[tilespmem:$0xAD8] =	vst v0  }
0xae: {  	[tilespmem:$0xAE8] =	vst v0  }
0xaf: {  	[tilespmem:$0xAF8] =	vst v0  }
0xb0: {  	[tilespmem:$0xB08] =	vst v0  }
0xb1: {  	[tilespmem:$0xB18] =	vst v0  }
0xb2: {  	[tilespmem:$0xB28] =	vst v0  }
0xb3: {  	[tilespmem:$0xB38] =	vst v0  }
0xb4: {  	[tilespmem:$0xB48] =	vst v0  }
0xb5: {  	[tilespmem:$0xB58] =	vst v0  }
0xb6: {  	[tilespmem:$0xB68] =	vst v0  }
0xb7: {  	[tilespmem:$0xB78] =	vst v0  }
0xb8: {  	[tilespmem:$0xB88] =	vst v0  }
0xb9: {  	[tilespmem:$0xB98] =	vst v0  }
0xba: {  	[tilespmem:$0xBA8] =	vst v0  }
0xbb: {  	[tilespmem:$0xBB8] =	vst v0  }
0xbc: {  	[tilespmem:$0xBC8] =	vst v0  }
0xbd: {  	[tilespmem:$0xBD8] =	vst v0  }
0xbe: {  	[tilespmem:$0xBE8] =	vst v0  }
0xbf: {  	[tilespmem:$0xBF8] =	vst v0  }
0xc0: {  	[tilespmem:$0xC08] =	vst v0  }
0xc1: {  	[tilespmem:$0xC18] =	vst v0  }
0xc2: {  	[tilespmem:$0xC28] =	vst v0  }
0xc3: {  	[tilespmem:$0xC38] =	vst v0  }
0xc4: {  	[tilespmem:$0xC48] =	vst v0  }
0xc5: {  	[tilespmem:$0xC58] =	vst v0  }
0xc6: {  	[tilespmem:$0xC68] =	vst v0  }
0xc7: {  	[tilespmem:$0xC78] =	vst v0  }
0xc8: {  	[tilespmem:$0xC88] =	vst v0  }
0xc9: {  	[tilespmem:$0xC98] =	vst v0  }
0xca: {  	[tilespmem:$0xCA8] =	vst v0  }
0xcb: {  	[tilespmem:$0xCB8] =	vst v0  }
0xcc: {  	[tilespmem:$0xCC8] =	vst v0  }
0xcd: {  	[tilespmem:$0xCD8] =	vst v0  }
0xce: {  	[tilespmem:$0xCE8] =	vst v0  }
0xcf: {  	[tilespmem:$0xCF8] =	vst v0  }
0xd0: {  	[tilespmem:$0xD08] =	vst v0  }
0xd1: {  	[tilespmem:$0xD18] =	vst v0  }
0xd2: {  	[tilespmem:$0xD28] =	vst v0  }
0xd3: {  	[tilespmem:$0xD38] =	vst v0  }
0xd4: {  	[tilespmem:$0xD48] =	vst v0  }
0xd5: {  	[tilespmem:$0xD58] =	vst v0  }
0xd6: {  	[tilespmem:$0xD68] =	vst v0  }
0xd7: {  	[tilespmem:$0xD78] =	vst v0  }
0xd8: {  	[tilespmem:$0xD88] =	vst v0  }
0xd9: {  	[tilespmem:$0xD98] =	vst v0  }
0xda: {  	[tilespmem:$0xDA8] =	vst v0  }
0xdb: {  	[tilespmem:$0xDB8] =	vst v0  }
0xdc: {  	[tilespmem:$0xDC8] =	vst v0  }
0xdd: {  	[tilespmem:$0xDD8] =	vst v0  }
0xde: {  	[tilespmem:$0xDE8] =	vst v0  }
0xdf: {  	[tilespmem:$0xDF8] =	vst v0  }
0xe0: {  	[tilespmem:$0xE08] =	vst v0  }
0xe1: {  	[tilespmem:$0xE18] =	vst v0  }
0xe2: {  	[tilespmem:$0xE28] =	vst v0  }
0xe3: {  	[tilespmem:$0xE38] =	vst v0  }
0xe4: {  	[tilespmem:$0xE48] =	vst v0  }
0xe5: {  	[tilespmem:$0xE58] =	vst v0  }
0xe6: {  	[tilespmem:$0xE68] =	vst v0  }
0xe7: {  	[tilespmem:$0xE78] =	vst v0  }
0xe8: {  	[tilespmem:$0xE88] =	vst v0  }
0xe9: {  	[tilespmem:$0xE98] =	vst v0  }
0xea: {  	[tilespmem:$0xEA8] =	vst v0  }
0xeb: {  	[tilespmem:$0xEB8] =	vst v0  }
0xec: {  	[tilespmem:$0xEC8] =	vst v0  }
0xed: {  	[tilespmem:$0xED8] =	vst v0  }
0xee: {  	[tilespmem:$0xEE8] =	vst v0  }
0xef: {  	[tilespmem:$0xEF8] =	vst v0  }
0xf0: {  	[tilespmem:$0xF08] =	vst v0  }
0xf1: {  	[tilespmem:$0xF18] =	vst v0  }
0xf2: {  	[tilespmem:$0xF28] =	vst v0  }
0xf3: {  	[tilespmem:$0xF38] =	vst v0  }
0xf4: {  	[tilespmem:$0xF48] =	vst v0  }
0xf5: {  	[tilespmem:$0xF58] =	vst v0  }
0xf6: {  	[tilespmem:$0xF68] =	vst v0  }
0xf7: {  	[tilespmem:$0xF78] =	vst v0  }
0xf8: {  	[tilespmem:$0xF88] =	vst v0  }
0xf9: {  	[tilespmem:$0xF98] =	vst v0  }
0xfa: {  	[tilespmem:$0xFA8] =	vst v0  }
0xfb: {  	[tilespmem:$0xFB8] =	vst v0  }
0xfc: {  	[tilespmem:$0xFC8] =	vst v0  }
0xfd: {  	[tilespmem:$0xFD8] =	vst v0  }
0xfe: {  	[tilespmem:$0xFE8] =	vst v0  }
0xff: {  	[tilespmem:$0xFF8] =	vst v0  }
0x100: {  	[tilespmem:$0x1008] =	vst v0  }
0x101: {  	[tilespmem:$0x1018] =	vst v0  }
0x102: {  	[tilespmem:$0x1028] =	vst v0  }
0x103: {  	[tilespmem:$0x1168] =	vst v0  }
0x104: {  	[tilespmem:$0x1038] =	vst v0  }
0x105: {  	[tilespmem:$0x1048] =	vst v0  }
0x106: {  	[tilespmem:$0x1058] =	vst v0  }
0x107: {  	[tilespmem:$0x1068] =	vst v0  }
0x108: {  	[tilespmem:$0x1078] =	vst v0  }
0x109: {  	[tilespmem:$0x1088] =	vst v0  }
0x10a: {  	[tilespmem:$0x1098] =	vst v0  }
0x10b: {  	[tilespmem:$0x10A8] =	vst v0  }
0x10c: {  	[tilespmem:$0x10B8] =	vst v0  }
0x10d: {  	[tilespmem:$0x10C8] =	vst v0  }
0x10e: {  	[tilespmem:$0x10D8] =	vst v0  }
0x10f: {  	[tilespmem:$0x10E8] =	vst v0  }
0x110: {  	[tilespmem:$0x10F8] =	vst v0  }
0x111: {  	[tilespmem:$0x1108] =	vst v0  }
0x112: {  	[tilespmem:$0x1118] =	vst v0  }
0x113: {  	[tilespmem:$0x1128] =	vst v0  }
0x114: {  	[tilespmem:$0x1138] =	vst v0  }
0x115: {  	[tilespmem:$0x1148] =	vst v0  }
0x116: {  	[tilespmem:$0x1158] =	vst v0  }
0x117: {  	[tilespmem:$0x1178] =	vst v0  }
0x118: {  	[tilespmem:$0x1188] =	vst v0  }
0x119: {  	[tilespmem:$0x1198] =	vst v0  }
0x11a: {  	[tilespmem:$0x11A8] =	vst v0  }
0x11b: {  	[tilespmem:$0x11B8] =	vst v0  }
0x11c: {  	[tilespmem:$0x11C8] =	vst v0  }
0x11d: {  	[tilespmem:$0x11D8] =	vst v0  }
0x11e: {  	[tilespmem:$0x11E8] =	vst v0  }
0x11f: {  	[tilespmem:$0x11F8] =	vst v0  }
0x120: {  	[tilespmem:$0x1208] =	vst v0  }
0x121: {  	[tilespmem:$0x1218] =	vst v0  }
0x122: {  	[tilespmem:$0x1228] =	vst v0  }
0x123: {  	[tilespmem:$0x1238] =	vst v0  }
0x124: {  	[tilespmem:$0x1248] =	vst v0  }
0x125: {  	[tilespmem:$0x1258] =	vst v0  }
0x126: {  	[tilespmem:$0x1268] =	vst v0  }
0x127: {  	[tilespmem:$0x1278] =	vst v0  }
0x128: {  	[tilespmem:$0x1288] =	vst v0  }
0x129: {  	[tilespmem:$0x1298] =	vst v0  }
0x12a: {  	[tilespmem:$0x12A8] =	vst v0  }
0x12b: {  	[tilespmem:$0x12B8] =	vst v0  }
0x12c: {  	[tilespmem:$0x12C8] =	vst v0  }
0x12d: {  	[tilespmem:$0x12D8] =	vst v0  }
0x12e: {  	[tilespmem:$0x12E8] =	vst v0  }
0x12f: {  	[tilespmem:$0x12F8] =	vst v0  }
0x130: {  	[tilespmem:$0x1308] =	vst v0  }
0x131: {  	[tilespmem:$0x1318] =	vst v0  }
0x132: {  	[tilespmem:$0x1328] =	vst v0  }
0x133: {  	[tilespmem:$0x1338] =	vst v0  }
0x134: {  	[tilespmem:$0x1348] =	vst v0  }
0x135: {  	[tilespmem:$0x1358] =	vst v0  }
0x136: {  	[tilespmem:$0x1368] =	vst v0  }
0x137: {  	[tilespmem:$0x1378] =	vst v0  }
0x138: {  	[tilespmem:$0x1388] =	vst v0  }
0x139: {  	[tilespmem:$0x1398] =	vst v0  }
0x13a: {  	[tilespmem:$0x13A8] =	vst v0  }
0x13b: {  	[tilespmem:$0x13B8] =	vst v0  }
0x13c: {  	[tilespmem:$0x13C8] =	vst v0  }
0x13d: {  	[tilespmem:$0x13D8] =	vst v0  }
0x13e: {  	[tilespmem:$0x13E8] =	vst v0  }
0x13f: {  	[tilespmem:$0x13F8] =	vst v0  }
0x140: {  	[tilespmem:$0x1408] =	vst v0  }
0x141: {  	[tilespmem:$0x1418] =	vst v0  }
0x142: {  	[tilespmem:$0x1428] =	vst v0  }
0x143: {  	[tilespmem:$0x1438] =	vst v0  }
0x144: {  	[tilespmem:$0x1448] =	vst v0  }
0x145: {  	[tilespmem:$0x1458] =	vst v0  }
0x146: {  	[tilespmem:$0x1468] =	vst v0  }
0x147: {  	[tilespmem:$0x1478] =	vst v0  }
0x148: {  	[tilespmem:$0x1488] =	vst v0  }
0x149: {  	[tilespmem:$0x1498] =	vst v0  }
0x14a: {  	[tilespmem:$0x14A8] =	vst v0  }
0x14b: {  	[tilespmem:$0x14B8] =	vst v0  }
0x14c: {  	[tilespmem:$0x14C8] =	vst v0  }
0x14d: {  	[tilespmem:$0x14D8] =	vst v0  }
0x14e: {  	[tilespmem:$0x14E8] =	vst v0  }
0x14f: {  	[tilespmem:$0x14F8] =	vst v0  }
0x150: {  	[tilespmem:$0x1508] =	vst v0  }
0x151: {  	[tilespmem:$0x1518] =	vst v0  }
0x152: {  	[tilespmem:$0x1528] =	vst v0  }
0x153: {  	[tilespmem:$0x1538] =	vst v0  }
0x154: {  	[tilespmem:$0x1548] =	vst v0  }
0x155: {  	[tilespmem:$0x1558] =	vst v0  }
0x156: {  	[tilespmem:$0x1568] =	vst v0  }
0x157: {  	[tilespmem:$0x1578] =	vst v0  }
0x158: {  	[tilespmem:$0x1588] =	vst v0  }
0x159: {  	[tilespmem:$0x1598] =	vst v0  }
0x15a: {  	[tilespmem:$0x15A8] =	vst v0  }
0x15b: {  	[tilespmem:$0x15B8] =	vst v0  }
0x15c: {  	[tilespmem:$0x15C8] =	vst v0  }
0x15d: {  	[tilespmem:$0x15D8] =	vst v0  }
0x15e: {  	[tilespmem:$0x15E8] =	vst v0  }
0x15f: {  	[tilespmem:$0x15F8] =	vst v0  }
0x160: {  	[tilespmem:$0x1608] =	vst v0  }
0x161: {  	[tilespmem:$0x1618] =	vst v0  }
0x162: {  	[tilespmem:$0x1628] =	vst v0  }
0x163: {  	[tilespmem:$0x1638] =	vst v0  }
0x164: {  	[tilespmem:$0x1648] =	vst v0  }
0x165: {  	[tilespmem:$0x1658] =	vst v0  }
0x166: {  	[tilespmem:$0x1668] =	vst v0  }
0x167: {  	[tilespmem:$0x1678] =	vst v0  }
0x168: {  	[tilespmem:$0x1688] =	vst v0  }
0x169: {  	[tilespmem:$0x1698] =	vst v0  }
0x16a: {  	[tilespmem:$0x16A8] =	vst v0  }
0x16b: {  	[tilespmem:$0x16B8] =	vst v0  }
0x16c: {  	[tilespmem:$0x16C8] =	vst v0  }
0x16d: {  	[tilespmem:$0x16D8] =	vst v0  }
0x16e: {  	[tilespmem:$0x16E8] =	vst v0  }
0x16f: {  	[tilespmem:$0x16F8] =	vst v0  }
0x170: {  	[tilespmem:$0x1708] =	vst v0  }
0x171: {  	[tilespmem:$0x1718] =	vst v0  }
0x172: {  	[tilespmem:$0x1728] =	vst v0  }
0x173: {  	[tilespmem:$0x1738] =	vst v0  }
0x174: {  	[tilespmem:$0x1748] =	vst v0  }
0x175: {  	[tilespmem:$0x1758] =	vst v0  }
0x176: {  	[tilespmem:$0x1768] =	vst v0  }
0x177: {  	[tilespmem:$0x1778] =	vst v0  }
0x178: {  	[tilespmem:$0x1788] =	vst v0  }
0x179: {  	[tilespmem:$0x1798] =	vst v0  }
0x17a: {  	[tilespmem:$0x17A8] =	vst v0  }
0x17b: {  	[tilespmem:$0x17B8] =	vst v0  }
0x17c: {  	[tilespmem:$0x17C8] =	vst v0  }
0x17d: {  	[tilespmem:$0x17D8] =	vst v0  }
0x17e: {  	[tilespmem:$0x17E8] =	vst v0  }
0x17f: {  	[tilespmem:$0x17F8] =	vst v0  }
0x180: {  	[tilespmem:$0x1808] =	vst v0  }
0x181: {  	[tilespmem:$0x1818] =	vst v0  }
0x182: {  	[tilespmem:$0x1828] =	vst v0  }
0x183: {  	[tilespmem:$0x1838] =	vst v0  }
0x184: {  	[tilespmem:$0x1848] =	vst v0  }
0x185: {  	[tilespmem:$0x1858] =	vst v0  }
0x186: {  	[tilespmem:$0x1868] =	vst v0  }
0x187: {  	[tilespmem:$0x1878] =	vst v0  }
0x188: {  	[tilespmem:$0x1888] =	vst v0  }
0x189: {  	[tilespmem:$0x1898] =	vst v0  }
0x18a: {  	[tilespmem:$0x18A8] =	vst v0  }
0x18b: {  	[tilespmem:$0x18B8] =	vst v0  }
0x18c: {  	[tilespmem:$0x18C8] =	vst v0  }
0x18d: {  	[tilespmem:$0x18D8] =	vst v0  }
0x18e: {  	[tilespmem:$0x18E8] =	vst v0  }
0x18f: {  	[tilespmem:$0x18F8] =	vst v0  }
0x190: {  	[tilespmem:$0x1908] =	vst v0  }
0x191: {  	[tilespmem:$0x1918] =	vst v0  }
0x192: {  	[tilespmem:$0x1928] =	vst v0  }
0x193: {  	[tilespmem:$0x1938] =	vst v0  }
0x194: {  	[tilespmem:$0x1948] =	vst v0  }
0x195: {  	[tilespmem:$0x1958] =	vst v0  }
0x196: {  	[tilespmem:$0x1968] =	vst v0  }
0x197: {  	[tilespmem:$0x1978] =	vst v0  }
0x198: {  	[tilespmem:$0x1988] =	vst v0  }
0x199: {  	[tilespmem:$0x1998] =	vst v0  }
0x19a: {  	[tilespmem:$0x19A8] =	vst v0  }
0x19b: {  	[tilespmem:$0x19B8] =	vst v0  }
0x19c: {  	[tilespmem:$0x19C8] =	vst v0  }
0x19d: {  	[tilespmem:$0x19D8] =	vst v0  }
0x19e: {  	[tilespmem:$0x19E8] =	vst v0  }
0x19f: {  	[tilespmem:$0x19F8] =	vst v0  }
0x1a0: {  	[tilespmem:$0x1A08] =	vst v0  }
0x1a1: {  	[tilespmem:$0x1A18] =	vst v0  }
0x1a2: {  	[tilespmem:$0x1A28] =	vst v0  }
0x1a3: {  	[tilespmem:$0x1A38] =	vst v0  }
0x1a4: {  	[tilespmem:$0x1A48] =	vst v0  }
0x1a5: {  	[tilespmem:$0x1A58] =	vst v0  }
0x1a6: {  	[tilespmem:$0x1A68] =	vst v0  }
0x1a7: {  	[tilespmem:$0x1A78] =	vst v0  }
0x1a8: {  	[tilespmem:$0x1A88] =	vst v0  }
0x1a9: {  	[tilespmem:$0x1A98] =	vst v0  }
0x1aa: {  	[tilespmem:$0x1AA8] =	vst v0  }
0x1ab: {  	[tilespmem:$0x1AB8] =	vst v0  }
0x1ac: {  	[tilespmem:$0x1AC8] =	vst v0  }
0x1ad: {  	[tilespmem:$0x1AD8] =	vst v0  }
0x1ae: {  	[tilespmem:$0x1AE8] =	vst v0  }
0x1af: {  	[tilespmem:$0x1AF8] =	vst v0  }
0x1b0: {  	[tilespmem:$0x1B08] =	vst v0  }
0x1b1: {  	[tilespmem:$0x1B18] =	vst v0  }
0x1b2: {  	[tilespmem:$0x1B28] =	vst v0  }
0x1b3: {  	[tilespmem:$0x1B38] =	vst v0  }
0x1b4: {  	[tilespmem:$0x1B48] =	vst v0  }
0x1b5: {  	[tilespmem:$0x1B58] =	vst v0  }
0x1b6: {  	[tilespmem:$0x1B68] =	vst v0  }
0x1b7: {  	[tilespmem:$0x1B78] =	vst v0  }
0x1b8: {  	[tilespmem:$0x1B88] =	vst v0  }
0x1b9: {  	[tilespmem:$0x1B98] =	vst v0  }
0x1ba: {  	[tilespmem:$0x1BA8] =	vst v0  }
0x1bb: {  	[tilespmem:$0x1BB8] =	vst v0  }
0x1bc: {  	[tilespmem:$0x1BC8] =	vst v0  }
0x1bd: {  	[tilespmem:$0x1BD8] =	vst v0  }
0x1be: {  	[tilespmem:$0x1BE8] =	vst v0  }
0x1bf: {  	[tilespmem:$0x1BF8] =	vst v0  }
0x1c0: {  	[tilespmem:$0x1C08] =	vst v0  }
0x1c1: {  	[tilespmem:$0x1C18] =	vst v0  }
0x1c2: {  	[tilespmem:$0x1C28] =	vst v0  }
0x1c3: {  	[tilespmem:$0x1C38] =	vst v0  }
0x1c4: {  	[tilespmem:$0x1C48] =	vst v0  }
0x1c5: {  	[tilespmem:$0x1C58] =	vst v0  }
0x1c6: {  	[tilespmem:$0x1C68] =	vst v0  }
0x1c7: {  	[tilespmem:$0x1C78] =	vst v0  }
0x1c8: {  	[tilespmem:$0x1C88] =	vst v0  }
0x1c9: {  	[tilespmem:$0x1C98] =	vst v0  }
0x1ca: {  	[tilespmem:$0x1CA8] =	vst v0  }
0x1cb: {  	[tilespmem:$0x1CB8] =	vst v0  }
0x1cc: {  	[tilespmem:$0x1CC8] =	vst v0  }
0x1cd: {  	[tilespmem:$0x1CD8] =	vst v0  }
0x1ce: {  	[tilespmem:$0x1CE8] =	vst v0  }
0x1cf: {  	[tilespmem:$0x1CF8] =	vst v0  }
0x1d0: {  	[tilespmem:$0x1D08] =	vst v0  }
0x1d1: {  	[tilespmem:$0x1D18] =	vst v0  }
0x1d2: {  	[tilespmem:$0x1D28] =	vst v0  }
0x1d3: {  	[tilespmem:$0x1D38] =	vst v0  }
0x1d4: {  	[tilespmem:$0x1D48] =	vst v0  }
0x1d5: {  	[tilespmem:$0x1D58] =	vst v0  }
0x1d6: {  	[tilespmem:$0x1D68] =	vst v0  }
0x1d7: {  	[tilespmem:$0x1D78] =	vst v0  }
0x1d8: {  	[tilespmem:$0x1D88] =	vst v0  }
0x1d9: {  	[tilespmem:$0x1D98] =	vst v0  }
0x1da: {  	[tilespmem:$0x1DA8] =	vst v0  }
0x1db: {  	[tilespmem:$0x1DB8] =	vst v0  }
0x1dc: {  	[tilespmem:$0x1DC8] =	vst v0  }
0x1dd: {  	[tilespmem:$0x1DD8] =	vst v0  }
0x1de: {  	[tilespmem:$0x1DE8] =	vst v0  }
0x1df: {  	[tilespmem:$0x1DF8] =	vst v0  }
0x1e0: {  	[tilespmem:$0x1E08] =	vst v0  }
0x1e1: {  	[tilespmem:$0x1E18] =	vst v0  }
0x1e2: {  	[tilespmem:$0x1E28] =	vst v0  }
0x1e3: {  	[tilespmem:$0x1E38] =	vst v0  }
0x1e4: {  	[tilespmem:$0x1E48] =	vst v0  }
0x1e5: {  	[tilespmem:$0x1E58] =	vst v0  }
0x1e6: {  	[tilespmem:$0x1E68] =	vst v0  }
0x1e7: {  	[tilespmem:$0x1E78] =	vst v0  }
0x1e8: {  	[tilespmem:$0x1E88] =	vst v0  }
0x1e9: {  	[tilespmem:$0x1E98] =	vst v0  }
0x1ea: {  	[tilespmem:$0x1EA8] =	vst v0  }
0x1eb: {  	[tilespmem:$0x1EB8] =	vst v0  }
0x1ec: {  	[tilespmem:$0x1EC8] =	vst v0  }
0x1ed: {  	[tilespmem:$0x1ED8] =	vst v0  }
0x1ee: {  	[tilespmem:$0x1EE8] =	vst v0  }
0x1ef: {  	[tilespmem:$0x1EF8] =	vst v0  }
0x1f0: {  	[tilespmem:$0x1F08] =	vst v0  }
0x1f1: {  	[tilespmem:$0x1F18] =	vst v0  }
0x1f2: {  	[tilespmem:$0x1F28] =	vst v0  }
0x1f3: {  	[tilespmem:$0x1F38] =	vst v0  }
0x1f4: {  	[tilespmem:$0x1F48] =	vst v0  }
0x1f5: {  	[tilespmem:$0x1F58] =	vst v0  }
0x1f6: {  	[tilespmem:$0x1F68] =	vst v0  }
0x1f7: {  	[tilespmem:$0x1F78] =	vst v0  }
0x1f8: {  	[tilespmem:$0x1F88] =	vst v0  }
0x1f9: {  	[tilespmem:$0x1F98] =	vst v0  }
0x1fa: {  	[tilespmem:$0x1FA8] =	vst v0  }
0x1fb: {  	[tilespmem:$0x1FB8] =	vst v0  }
0x1fc: {  	[tilespmem:$0x1FC8] =	vst v0  }
0x1fd: {  	[tilespmem:$0x1FD8] =	vst v0  }
0x1fe: {  	[tilespmem:$0x1FE8] =	vst v0  }
0x1ff: {  	[tilespmem:$0x1FF8] =	vst v0  }
0x200: {  	[tilespmem:$0x2008] =	vst v0  }
0x201: {  	[tilespmem:$0x2018] =	vst v0  }
0x202: {  	[tilespmem:$0x2028] =	vst v0  }
0x203: {  	[tilespmem:$0x2038] =	vst v0  }
0x204: {  	[tilespmem:$0x2048] =	vst v0  }
0x205: {  	[tilespmem:$0x2058] =	vst v0  }
0x206: {  	[tilespmem:$0x2068] =	vst v0  }
0x207: {  	[tilespmem:$0x2078] =	vst v0  }
0x208: {  	[tilespmem:$0x2088] =	vst v0  }
0x209: {  	[tilespmem:$0x2098] =	vst v0  }
0x20a: {  	[tilespmem:$0x20A8] =	vst v0  }
0x20b: {  	[tilespmem:$0x20B8] =	vst v0  }
0x20c: {  	[tilespmem:$0x20C8] =	vst v0  }
0x20d: {  	[tilespmem:$0x20D8] =	vst v0  }
0x20e: {  	[tilespmem:$0x20E8] =	vst v0  }
0x20f: {  	[tilespmem:$0x20F8] =	vst v0  }
0x210: {  	[tilespmem:$0x2108] =	vst v0  }
0x211: {  	[tilespmem:$0x2118] =	vst v0  }
0x212: {  	[tilespmem:$0x2128] =	vst v0  }
0x213: {  	[tilespmem:$0x2138] =	vst v0  }
0x214: {  	[tilespmem:$0x2148] =	vst v0  }
0x215: {  	[tilespmem:$0x2158] =	vst v0  }
0x216: {  	[tilespmem:$0x2168] =	vst v0  }
0x217: {  	[tilespmem:$0x2218] =	vst v0  }
0x218: {  	[tilespmem:$0x3058] =	vst v0  }
0x219: {  	[tilespmem:$0x3048] =	vst v0  }
0x21a: {  	[tilespmem:$0x3038] =	vst v0  }
0x21b: {  	[tilespmem:$0x3028] =	vst v0  }
0x21c: {  	[tilespmem:$0x3018] =	vst v0  }
0x21d: {  	[tilespmem:$0x3008] =	vst v0  }
0x21e: {  	[tilespmem:$0x2FF8] =	vst v0  }
0x21f: {  	[tilespmem:$0x2FE8] =	vst v0  }
0x220: {  	[tilespmem:$0x2FD8] =	vst v0  }
0x221: {  	[tilespmem:$0x2FC8] =	vst v0  }
0x222: {  	[tilespmem:$0x2FB8] =	vst v0  }
0x223: {  	[tilespmem:$0x2FA8] =	vst v0  }
0x224: {  	[tilespmem:$0x2F98] =	vst v0  }
0x225: {  	[tilespmem:$0x2F88] =	vst v0  }
0x226: {  	[tilespmem:$0x2F78] =	vst v0  }
0x227: {  	[tilespmem:$0x2F68] =	vst v0  }
0x228: {  	[tilespmem:$0x2F58] =	vst v0  }
0x229: {  	[tilespmem:$0x2F48] =	vst v0  }
0x22a: {  	[tilespmem:$0x2F38] =	vst v0  }
0x22b: {  	[tilespmem:$0x2F28] =	vst v0  }
0x22c: {  	[tilespmem:$0x2F18] =	vst v0  }
0x22d: {  	[tilespmem:$0x2F08] =	vst v0  }
0x22e: {  	[tilespmem:$0x2EF8] =	vst v0  }
0x22f: {  	[tilespmem:$0x2EE8] =	vst v0  }
0x230: {  	[tilespmem:$0x2ED8] =	vst v0  }
0x231: {  	[tilespmem:$0x2EC8] =	vst v0  }
0x232: {  	[tilespmem:$0x2EB8] =	vst v0  }
0x233: {  	[tilespmem:$0x2EA8] =	vst v0  }
0x234: {  	[tilespmem:$0x2E98] =	vst v0  }
0x235: {  	[tilespmem:$0x2E88] =	vst v0  }
0x236: {  	[tilespmem:$0x2E78] =	vst v0  }
0x237: {  	[tilespmem:$0x2E68] =	vst v0  }
0x238: {  	[tilespmem:$0x2E58] =	vst v0  }
0x239: {  	[tilespmem:$0x2E48] =	vst v0  }
0x23a: {  	[tilespmem:$0x2E38] =	vst v0  }
0x23b: {  	[tilespmem:$0x2E28] =	vst v0  }
0x23c: {  	[tilespmem:$0x2E18] =	vst v0  }
0x23d: {  	[tilespmem:$0x2E08] =	vst v0  }
0x23e: {  	[tilespmem:$0x2DF8] =	vst v0  }
0x23f: {  	[tilespmem:$0x2DE8] =	vst v0  }
0x240: {  	[tilespmem:$0x2DD8] =	vst v0  }
0x241: {  	[tilespmem:$0x2DC8] =	vst v0  }
0x242: {  	[tilespmem:$0x2DB8] =	vst v0  }
0x243: {  	[tilespmem:$0x2DA8] =	vst v0  }
0x244: {  	[tilespmem:$0x2D98] =	vst v0  }
0x245: {  	[tilespmem:$0x2D88] =	vst v0  }
0x246: {  	[tilespmem:$0x2D78] =	vst v0  }
0x247: {  	[tilespmem:$0x2D68] =	vst v0  }
0x248: {  	[tilespmem:$0x2D58] =	vst v0  }
0x249: {  	[tilespmem:$0x2D48] =	vst v0  }
0x24a: {  	[tilespmem:$0x2D38] =	vst v0  }
0x24b: {  	[tilespmem:$0x2D28] =	vst v0  }
0x24c: {  	[tilespmem:$0x2D18] =	vst v0  }
0x24d: {  	[tilespmem:$0x2D08] =	vst v0  }
0x24e: {  	[tilespmem:$0x2CF8] =	vst v0  }
0x24f: {  	[tilespmem:$0x2CE8] =	vst v0  }
0x250: {  	[tilespmem:$0x2CD8] =	vst v0  }
0x251: {  	[tilespmem:$0x2CC8] =	vst v0  }
0x252: {  	[tilespmem:$0x2CB8] =	vst v0  }
0x253: {  	[tilespmem:$0x2CA8] =	vst v0  }
0x254: {  	[tilespmem:$0x2C98] =	vst v0  }
0x255: {  	[tilespmem:$0x2C88] =	vst v0  }
0x256: {  	[tilespmem:$0x2C78] =	vst v0  }
0x257: {  	[tilespmem:$0x2C68] =	vst v0  }
0x258: {  	[tilespmem:$0x2C58] =	vst v0  }
0x259: {  	[tilespmem:$0x2C48] =	vst v0  }
0x25a: {  	[tilespmem:$0x2C38] =	vst v0  }
0x25b: {  	[tilespmem:$0x2C28] =	vst v0  }
0x25c: {  	[tilespmem:$0x2C18] =	vst v0  }
0x25d: {  	[tilespmem:$0x2C08] =	vst v0  }
0x25e: {  	[tilespmem:$0x2BF8] =	vst v0  }
0x25f: {  	[tilespmem:$0x2BE8] =	vst v0  }
0x260: {  	[tilespmem:$0x2BD8] =	vst v0  }
0x261: {  	[tilespmem:$0x2BC8] =	vst v0  }
0x262: {  	[tilespmem:$0x2BB8] =	vst v0  }
0x263: {  	[tilespmem:$0x2BA8] =	vst v0  }
0x264: {  	[tilespmem:$0x2B98] =	vst v0  }
0x265: {  	[tilespmem:$0x2B88] =	vst v0  }
0x266: {  	[tilespmem:$0x2B78] =	vst v0  }
0x267: {  	[tilespmem:$0x2B68] =	vst v0  }
0x268: {  	[tilespmem:$0x2B58] =	vst v0  }
0x269: {  	[tilespmem:$0x2B48] =	vst v0  }
0x26a: {  	[tilespmem:$0x2B38] =	vst v0  }
0x26b: {  	[tilespmem:$0x2B28] =	vst v0  }
0x26c: {  	[tilespmem:$0x2B18] =	vst v0  }
0x26d: {  	[tilespmem:$0x2B08] =	vst v0  }
0x26e: {  	[tilespmem:$0x2AF8] =	vst v0  }
0x26f: {  	[tilespmem:$0x2AE8] =	vst v0  }
0x270: {  	[tilespmem:$0x2AD8] =	vst v0  }
0x271: {  	[tilespmem:$0x2AC8] =	vst v0  }
0x272: {  	[tilespmem:$0x2AB8] =	vst v0  }
0x273: {  	[tilespmem:$0x2AA8] =	vst v0  }
0x274: {  	[tilespmem:$0x2A98] =	vst v0  }
0x275: {  	[tilespmem:$0x2A88] =	vst v0  }
0x276: {  	[tilespmem:$0x2A78] =	vst v0  }
0x277: {  	[tilespmem:$0x2A68] =	vst v0  }
0x278: {  	[tilespmem:$0x2A58] =	vst v0  }
0x279: {  	[tilespmem:$0x2A48] =	vst v0  }
0x27a: {  	[tilespmem:$0x2A38] =	vst v0  }
0x27b: {  	[tilespmem:$0x2A28] =	vst v0  }
0x27c: {  	[tilespmem:$0x2A18] =	vst v0  }
0x27d: {  	[tilespmem:$0x2A08] =	vst v0  }
0x27e: {  	[tilespmem:$0x29F8] =	vst v0  }
0x27f: {  	[tilespmem:$0x29E8] =	vst v0  }
0x280: {  	[tilespmem:$0x29D8] =	vst v0  }
0x281: {  	[tilespmem:$0x29C8] =	vst v0  }
0x282: {  	[tilespmem:$0x29B8] =	vst v0  }
0x283: {  	[tilespmem:$0x29A8] =	vst v0  }
0x284: {  	[tilespmem:$0x2998] =	vst v0  }
0x285: {  	[tilespmem:$0x2988] =	vst v0  }
0x286: {  	[tilespmem:$0x2978] =	vst v0  }
0x287: {  	[tilespmem:$0x2968] =	vst v0  }
0x288: {  	[tilespmem:$0x2958] =	vst v0  }
0x289: {  	[tilespmem:$0x2948] =	vst v0  }
0x28a: {  	[tilespmem:$0x2938] =	vst v0  }
0x28b: {  	[tilespmem:$0x2928] =	vst v0  }
0x28c: {  	[tilespmem:$0x2918] =	vst v0  }
0x28d: {  	[tilespmem:$0x2908] =	vst v0  }
0x28e: {  	[tilespmem:$0x28F8] =	vst v0  }
0x28f: {  	[tilespmem:$0x28E8] =	vst v0  }
0x290: {  	[tilespmem:$0x28D8] =	vst v0  }
0x291: {  	[tilespmem:$0x28C8] =	vst v0  }
0x292: {  	[tilespmem:$0x28B8] =	vst v0  }
0x293: {  	[tilespmem:$0x28A8] =	vst v0  }
0x294: {  	[tilespmem:$0x2898] =	vst v0  }
0x295: {  	[tilespmem:$0x2888] =	vst v0  }
0x296: {  	[tilespmem:$0x2878] =	vst v0  }
0x297: {  	[tilespmem:$0x2868] =	vst v0  }
0x298: {  	[tilespmem:$0x2858] =	vst v0  }
0x299: {  	[tilespmem:$0x2848] =	vst v0  }
0x29a: {  	[tilespmem:$0x2838] =	vst v0  }
0x29b: {  	[tilespmem:$0x2828] =	vst v0  }
0x29c: {  	[tilespmem:$0x2818] =	vst v0  }
0x29d: {  	[tilespmem:$0x2808] =	vst v0  }
0x29e: {  	[tilespmem:$0x27F8] =	vst v0  }
0x29f: {  	[tilespmem:$0x27E8] =	vst v0  }
0x2a0: {  	[tilespmem:$0x27D8] =	vst v0  }
0x2a1: {  	[tilespmem:$0x27C8] =	vst v0  }
0x2a2: {  	[tilespmem:$0x27B8] =	vst v0  }
0x2a3: {  	[tilespmem:$0x27A8] =	vst v0  }
0x2a4: {  	[tilespmem:$0x2798] =	vst v0  }
0x2a5: {  	[tilespmem:$0x2788] =	vst v0  }
0x2a6: {  	[tilespmem:$0x2778] =	vst v0  }
0x2a7: {  	[tilespmem:$0x2768] =	vst v0  }
0x2a8: {  	[tilespmem:$0x2758] =	vst v0  }
0x2a9: {  	[tilespmem:$0x2748] =	vst v0  }
0x2aa: {  	[tilespmem:$0x2738] =	vst v0  }
0x2ab: {  	[tilespmem:$0x2728] =	vst v0  }
0x2ac: {  	[tilespmem:$0x2718] =	vst v0  }
0x2ad: {  	[tilespmem:$0x2708] =	vst v0  }
0x2ae: {  	[tilespmem:$0x26F8] =	vst v0  }
0x2af: {  	[tilespmem:$0x26E8] =	vst v0  }
0x2b0: {  	[tilespmem:$0x26D8] =	vst v0  }
0x2b1: {  	[tilespmem:$0x26C8] =	vst v0  }
0x2b2: {  	[tilespmem:$0x26B8] =	vst v0  }
0x2b3: {  	[tilespmem:$0x26A8] =	vst v0  }
0x2b4: {  	[tilespmem:$0x2698] =	vst v0  }
0x2b5: {  	[tilespmem:$0x2688] =	vst v0  }
0x2b6: {  	[tilespmem:$0x2678] =	vst v0  }
0x2b7: {  	[tilespmem:$0x2668] =	vst v0  }
0x2b8: {  	[tilespmem:$0x2658] =	vst v0  }
0x2b9: {  	[tilespmem:$0x2648] =	vst v0  }
0x2ba: {  	[tilespmem:$0x2638] =	vst v0  }
0x2bb: {  	[tilespmem:$0x2628] =	vst v0  }
0x2bc: {  	[tilespmem:$0x2618] =	vst v0  }
0x2bd: {  	[tilespmem:$0x2608] =	vst v0  }
0x2be: {  	[tilespmem:$0x25F8] =	vst v0  }
0x2bf: {  	[tilespmem:$0x25E8] =	vst v0  }
0x2c0: {  	[tilespmem:$0x25D8] =	vst v0  }
0x2c1: {  	[tilespmem:$0x25C8] =	vst v0  }
0x2c2: {  	[tilespmem:$0x25B8] =	vst v0  }
0x2c3: {  	[tilespmem:$0x25A8] =	vst v0  }
0x2c4: {  	[tilespmem:$0x2598] =	vst v0  }
0x2c5: {  	[tilespmem:$0x2588] =	vst v0  }
0x2c6: {  	[tilespmem:$0x2578] =	vst v0  }
0x2c7: {  	[tilespmem:$0x2568] =	vst v0  }
0x2c8: {  	[tilespmem:$0x2558] =	vst v0  }
0x2c9: {  	[tilespmem:$0x2548] =	vst v0  }
0x2ca: {  	[tilespmem:$0x2538] =	vst v0  }
0x2cb: {  	[tilespmem:$0x2528] =	vst v0  }
0x2cc: {  	[tilespmem:$0x2518] =	vst v0  }
0x2cd: {  	[tilespmem:$0x2508] =	vst v0  }
0x2ce: {  	[tilespmem:$0x24F8] =	vst v0  }
0x2cf: {  	[tilespmem:$0x24E8] =	vst v0  }
0x2d0: {  	[tilespmem:$0x24D8] =	vst v0  }
0x2d1: {  	[tilespmem:$0x24C8] =	vst v0  }
0x2d2: {  	[tilespmem:$0x24B8] =	vst v0  }
0x2d3: {  	[tilespmem:$0x24A8] =	vst v0  }
0x2d4: {  	[tilespmem:$0x2498] =	vst v0  }
0x2d5: {  	[tilespmem:$0x2488] =	vst v0  }
0x2d6: {  	[tilespmem:$0x2478] =	vst v0  }
0x2d7: {  	[tilespmem:$0x2468] =	vst v0  }
0x2d8: {  	[tilespmem:$0x2458] =	vst v0  }
0x2d9: {  	[tilespmem:$0x2448] =	vst v0  }
0x2da: {  	[tilespmem:$0x2438] =	vst v0  }
0x2db: {  	[tilespmem:$0x2428] =	vst v0  }
0x2dc: {  	[tilespmem:$0x2418] =	vst v0  }
0x2dd: {  	[tilespmem:$0x2408] =	vst v0  }
0x2de: {  	[tilespmem:$0x23F8] =	vst v0  }
0x2df: {  	[tilespmem:$0x23E8] =	vst v0  }
0x2e0: {  	[tilespmem:$0x23D8] =	vst v0  }
0x2e1: {  	[tilespmem:$0x23C8] =	vst v0  }
0x2e2: {  	[tilespmem:$0x23B8] =	vst v0  }
0x2e3: {  	[tilespmem:$0x23A8] =	vst v0  }
0x2e4: {  	[tilespmem:$0x2398] =	vst v0  }
0x2e5: {  	[tilespmem:$0x2388] =	vst v0  }
0x2e6: {  	[tilespmem:$0x2378] =	vst v0  }
0x2e7: {  	[tilespmem:$0x2368] =	vst v0  }
0x2e8: {  	[tilespmem:$0x2358] =	vst v0  }
0x2e9: {  	[tilespmem:$0x2348] =	vst v0  }
0x2ea: {  	[tilespmem:$0x2338] =	vst v0  }
0x2eb: {  	[tilespmem:$0x2328] =	vst v0  }
0x2ec: {  	[tilespmem:$0x2318] =	vst v0  }
0x2ed: {  	[tilespmem:$0x2308] =	vst v0  }
0x2ee: {  	[tilespmem:$0x22F8] =	vst v0  }
0x2ef: {  	[tilespmem:$0x22E8] =	vst v0  }
0x2f0: {  	[tilespmem:$0x22D8] =	vst v0  }
0x2f1: {  	[tilespmem:$0x22C8] =	vst v0  }
0x2f2: {  	[tilespmem:$0x22B8] =	vst v0  }
0x2f3: {  	[tilespmem:$0x22A8] =	vst v0  }
0x2f4: {  	[tilespmem:$0x2298] =	vst v0  }
0x2f5: {  	[tilespmem:$0x2288] =	vst v0  }
0x2f6: {  	[tilespmem:$0x2278] =	vst v0  }
0x2f7: {  	s10 =	stileid.u32;
	[tilespmem:$0x2268] =	vst v0  }
0x2f8: {  	s0 =	smul.u32 $0x3, s10;
	[tilespmem:$0x2258] =	vst v0  }
0x2f9: {  	s1 =	smin.u32 s10, $0x6;
	[tilespmem:$0x2248] =	vst v0  }
0x2fa: {  	[tilespmem:$0x2238] =	vst v0;
	s0 =	sadd.s32 s1, s0  }
0x2fb: {  	p0 =	slt.u32 s10, $0x6;
	[tilespmem:$0x2228] =	vst v0;
	s1 =	simm.s32 $0x600;
	s8 =	smul.u32 $0x180, s0  }
0x2fc: {  	s1 =	simm.s32 @!p0 $0x480;
	[tilespmem:$0x21F8] =	vst v0  }
0x2fd: {  	[tilespmem:$0x2208] =	vst v0;
	s0 =	sadd.s32 s1, s8  }
0x2fe: {  	s4 =	simm.s32 $0x2;
	[tilespmem:$0x21E8] =	vst v0;
	s9 =	smin.u32 s0, $0x5000  }
0x2ff: {  	s31 =	simm.s32 $0x9;
	s5 =	simm.s32 $0xA;
	[tilespmem:$0x2188] =	vst v0;
	s0 =	ssub.s32 s9, s8  }
0x300: {  	s12 =	simm.s32 $0xB;
	s18 =	simm.s32 $0x0;
	[tilespmem:$0x21D8] =	vst v0;
	p0 =	sgt.s32 s0, $0x0  }
0x301: {  	p1 =	por $0x0, $0x0;
	s19 =	simm.s32 $0xC;
	[tilespmem:$0x21C8] =	vst v0;
	s0 =	simm.s32 @!p0 $0x0  }
0x302: {  	s23 =	simm.s32 $0x0;
	s20 =	simm.s32 $0x0;
	[tilespmem:$0x21B8] =	vst v0;
	s30 =	smul.u32 $0xAAAB, s0  }
0x303: {  	s22 =	simm.s32 $0x0;
	s2 =	sand.u32 $0x1, s2;
	s16 =	sshll.u32 s10, $0x6;
	[tilespmem:$0x21A8] =	vst v0  }
0x304: {  	s1 =	sshrl.u32 s30, $0x18;
	[tilespmem:$0x2198] =	vst v0;
	[dreg:$0x4] =	wrdreg s2;
	s2 =	smul.u32 $0xA00, s2  }
0x305: {  	[tilespmem:$0x2178] =	vst v0;
	[sflag:s4] =	ssyncpa.u1 $0x0;
	v0 =	vimm.s32 $0xFFFFFFFF;
	s4 =	sadd.s32 $0x338C00, s7;
	s6 =	smul.u32 $0x180, s1  }
.Ltmp0:
0x306: {  	[tilespmem:$0x6088] =	vst v0;
	[sflag:s31] =	ssyncpa.u1 $0x0;
	s2 =	sadd.s32 s2, s7;
	(pc) =	sbr.rel .LBB2_1-.Ltmp0, $4  }
0x307: {  	[sflag:s5] =	ssyncpa.u1 $0x0;
	p0 =	sne.s32 s0, s6;
	s0 =	simm.s32 $0x1  }
0x308: {  	s7 =	sadd.s32 $0x406E00, s7;
	[sflag:s12] =	ssyncpa.u1 $0x0;
	s0 =	simm.s32 @!p0 $0x0  }
0x309: {  	s14 =	sadd.s32 $0x32D800, s2;
	s15 =	sadd.s32 $0x32C400, s2;
	s13 =	sadd.s32 s1, s0  }
0x30a: {  	v0 =	vlaneseq.u32;
	s21 =	smov.u32 s8;
	p0 =	por $0x1, $0x1;
	s17 =	sadd.s32 $0x1, s13  }
.LBB2_22:
0x30b: {  	s0 =	sshrl.u32 s0, $0x2  }
.LBB2_24:
0x30c: {  	_ =	swait.ge [sflag:s19], s0  }
0x30d: {  	s30 =	ssub.s32 $0x0, s0;
	v1 =	vmov s25;
	vm0 =	veq.s32 v0, $0x0;
	[sflag:s19] =	ssyncset.done $0x0  }
0x30e: {  	vm15 =	veq.s32 v0, $0x2;
	v1 =	vsel vm0, s31, v1;
	[sflag:s19] =	ssyncadd.s32 s30  }
0x30f: {  	v1 =	vsel vm15, s23, v1;
	[sflag:s19] =	ssyncpa.u1 $0x1  }
0x310: {  	[tilespmem:$0x6088] =	vst v1  }
.LBB2_25:
0x311: {  	s0 =	sadd.s32 $0x180, s21  }
0x312: {  	s1 =	smov.u32 s8;
	p2 =	slt.s32 s0, s9  }
0x313: {  	s1 =	smov.u32 @p2 s0;
	p2 =	sne.s32 s22, s17  }
.Ltmp1:
0x314: {  	_ = 	snop;
	(pc) =	sbr.rel @!p2 .LBB2_26-.Ltmp1, $4  }
0x315: {  	_ = 	snop  }
0x316: {  	s23 =	smov.u32 s20  }
0x317: {  	s31 =	sadd.s32 $0x1, s22;
	s20 =	smov.u32 s21;
	p0 =	por !p0, !p0  }
0x318: {  	p1 =	por !p1, !p1;
	s22 =	smov.u32 s31;
	s21 =	smov.u32 s1  }
.LBB2_1:
0x319: {  	p2 =	sge.u32 s22, s13  }
0x31a: {  	s0 =	smulhi.u32 @!p2 $0xAAAAAAAB, s22  }
0x31b: {  	s1 =	smov.u32 s21;
	p3 =	sgt.s32 @!p2 s21, $0x4E80  }
0x31c: {  	s2 =	sshra.s32 @!p2 s21, $0x1F;
	p3 =	por !p3, p2;
	s0 =	sshrl.u32 @!p2 s0, $0x1  }
0x31d: {  	s2 =	sand.u32 @!p2 s2, s21;
	s1 =	simm.s32 @p3 $0x4E80;
	s0 =	smul.u32 @!p2 $0x3, s0  }
0x31e: {  	s1 =	ssub.s32 @!p2 s1, s2  }
0x31f: {  	s1 =	sadd.s32 @!p2 $0xFFFFB180, s1;
	s0 =	ssub.s32 @!p2 s22, s0  }
0x320: {  	s2 =	sshll.u32 @!p2 s1, $0x2;
	p3 =	sgt.s32 @!p2 s1, $0x17F;
	s0 =	smul.u32 @!p2 $0x600, s0  }
0x321: {  	s5 =	sand.u32 @!p2 $0x7, s21;
	s1 =	ssub.s32 @!p2 $0x600, s2;
	p3 =	por !p3, p2  }
0x322: {  	s2 =	sshrl.u32 @!p2 s21, $0x3;
	s1 =	sshrl.u32 @!p2 s1, $0x2;
	s0 =	sshrl.u32 @!p2 s0, $0x2  }
0x323: {  	s2 =	sadd.s32 @!p2 s2, s14;
	s1 =	simm.s32 @!p3 $0x0;
	s0 =	sadd.s32 @!p2 $0x64C8, s0  }
0x324: {  	[tilespmem:s0], [sflag:$0xA] =	stream.linear.gather @!p2 [hbm4b:s2+s5], s1, $0x38;
	[tilespmem:$0x1EC48] =	vst v63  }
0x325: {  	s1 =	sadd.s32 $0xFFFFFFFF, s22  }
0x326: {  	p2 =	sge.u32 s1, s13  }
0x327: {  	p3 =	sgt.s32 @!p2 s20, $0x4E80  }
0x328: {  	s0 =	smov.u32 s20;
	s2 =	sshra.s32 @!p2 s20, $0x1F;
	p3 =	por !p3, p2  }
0x329: {  	s2 =	sand.u32 @!p2 s2, s20;
	s0 =	simm.s32 @p3 $0x4E80  }
0x32a: {  	s0 =	ssub.s32 @!p2 s0, s2  }
0x32b: {  	s0 =	sadd.s32 @!p2 $0xFFFFB180, s0  }
0x32c: {  	s2 =	sshll.u32 @!p2 s0, $0x2  }
0x32d: {  	p3 =	sgt.s32 @!p2 s0, $0x17F;
	s0 =	ssub.s32 @!p2 $0x600, s2  }
0x32e: {  	p3 =	por !p3, p2;
	s0 =	sshrl.u32 @!p2 s0, $0x2  }
0x32f: {  	s5 =	simm.s32 @!p2 $0xA;
	s2 =	sand.u32 @!p2 $0x1, s1;
	s0 =	simm.s32 @!p3 $0x0  }
0x330: {  	s2 =	smul.u32 @!p2 $0x600, s2;
	_ =	swait.ge @!p2 [sflag:s5], s0  }
0x331: {  	s6 =	ssub.s32 @!p2 $0x0, s0;
	[sflag:s5] =	ssyncset.done @!p2 $0x0  }
0x332: {  	s2 =	sshrl.u32 @!p2 s2, $0x2;
	[sflag:s5] =	ssyncadd.s32 @!p2 s6;
	s5 =	sshrl.u32 @!p2 s20, $0x3  }
0x333: {  	s2 =	sadd.s32 @!p2 $0x6948, s2;
	s6 =	sand.u32 @!p2 $0x7, s20;
	s5 =	sadd.s32 @!p2 s5, s15  }
0x334: {  	[tilespmem:s2], [sflag:$0xB] =	stream.linear.gather @!p2 [hbm4b:s5+s6], s0, $0x38;
	[tilespmem:$0x1EC48] =	vst v63  }
0x335: {  	s0 =	ssub.s32 @!p2 $0x5000, s20  }
0x336: {  	p3 =	slt.s32 @!p2 s0, $0x1  }
0x337: {  	p3 =	por p2, p3  }
.Ltmp2:
0x338: {  	_ = 	snop;
	(pc) =	sbr.rel @p3 .LBB2_7-.Ltmp2, $1  }
0x339: {  	_ =	sdelay $0x3  }
0x33a: {  	s2 =	smulhi.u32 $0xAAAAAAAB, s1;
	_ =	sdelay $0x1  }
0x33b: {  	s2 =	sshrl.u32 s2, $0x1  }
0x33c: {  	s2 =	smul.u32 $0x3, s2;
	_ =	sdelay $0x1  }
0x33d: {  	s29 =	ssub.s32 s1, s2  }
0x33e: {  	s5 =	simm.s32 $0x1;
	s1 =	smul.u32 $0x600, s29  }
.Ltmp3:
0x33f: {  	s5 =	simm.s32 @!p0 $0x0;
	(pc) =	sbr.rel .LBB2_4-.Ltmp3, $4  }
0x340: {  	s30 =	smul.u32 $0x30000, s5  }
0x341: {  	p3 =	slt.s32 @!p2 s0, $0x180;
	s1 =	sshrl.u32 s1, $0x2  }
0x342: {  	p2 =	por !p3, p2;
	s2 =	sshrl.u32 s30, $0x2;
	s31 =	sadd.s32 $0x64C8, s1  }
0x343: {  	s24 =	simm.s32 $0x0;
	s0 =	simm.s32 @p2 $0x180;
	s1 =	sadd.s32 $0x6C48, s2;
	v1 =	vmov s31  }
.LBB2_3:
0x344: {  	p2 =	sge.s32 s24, s0  }
.Ltmp4:
0x345: {  	_ = 	snop;
	(pc) =	sbr.rel @p2 .LBB2_7-.Ltmp4, $2  }
0x346: {  	_ =	sdelay $0x2  }
0x347: {  	s1 =	sadd.s32 $0x800, s1  }
.LBB2_4:
0x348: {  	p2 =	sle.s32 s0, s24  }
.Ltmp5:
0x349: {  	_ = 	snop;
	(pc) =	sbr.rel @p2 .LBB2_3-.Ltmp5, $2  }
0x34a: {  	_ =	sdelay $0x2  }
0x34b: {  	s2 =	smov.u32 s24;
	s24 =	sadd.s32 $0x10, s24  }
0x34c: {  	s5 =	ssub.s32 s0, s2  }
0x34d: {  	p2 =	slt.s32 s5, $0x10  }
0x34e: {  	s5 =	simm.s32 @!p2 $0x10  }
0x34f: {  	v2 =	vmov s5  }
0x350: {  	vm0 =	vgt.s32 v2, v0;
	_ =	sdelay $0x5  }
0x351: {  	v2 =	vld.idx.msk [tilespmem:v1+s2+$0x0 ss:$0x1], vm0;
	_ =	sdelay $0x2  }
0x352: {  	s6 =	smov.u32 s0;
	p2 =	slt.s32 s24, s0  }
0x353: {  	s25 =	simm.s32 $0x0;
	s6 =	smov.u32 @p2 s24;
	s5 =	smov.u32 s1  }
.LBB2_6:
0x354: {  	(v2sf) =	vpush v2, s25;
	_ =	sdelay $0xc  }
0x355: {  	s25 =	sadd.s32 $0x1, s25  }
0x356: {  	s31 =	sadd.s32 s25, s2  }
0x357: {  	p2 =	slt.s32 s31, s6;
	s10 =	spop (v2sf)  }
.Ltmp6:
0x358: {  	s10 =	sshll.u32 s10, $0x4;
	(pc) =	sbr.rel @p2 .LBB2_6-.Ltmp6, $4  }
0x359: {  	s10 =	sand.u32 $0x1FFFFFF0, s10  }
0x35a: {  	s10 =	sadd.s32 s7, s10  }
0x35b: {  	[tilespmem:s5], [sflag:$0x9] =	stream.linear.gather [hbm4b:s10+s18], $0x20, $0x38;
	[tilespmem:$0x1EC48] =	vst v63  }
0x35c: {  	s5 =	sadd.s32 $0x80, s5  }
.Ltmp7:
0x35d: {  	_ = 	snop;
	(pc) =	sbr.rel .LBB2_3-.Ltmp7, $1  }
0x35e: {  	_ =	sdelay $0x3  }
.LBB2_7:
0x35f: {  	p2 =	slt.u32 s22, $0x2  }
.Ltmp8:
0x360: {  	_ = 	snop;
	(pc) =	sbr.rel @p2 .LBB2_25-.Ltmp8, $1  }
0x361: {  	_ =	sdelay $0x3  }
0x362: {  	p2 =	sgt.s32 s23, $0x4E80  }
0x363: {  	s0 =	smov.u32 s23;
	s1 =	sshra.s32 s23, $0x1F;
	s2 =	ssub.s32 $0x5000, s23  }
0x364: {  	s0 =	simm.s32 @!p2 $0x4E80;
	s1 =	sand.u32 s1, s23;
	p2 =	slt.s32 s2, $0x180  }
0x365: {  	s0 =	ssub.s32 s0, s1;
	s2 =	simm.s32 @!p2 $0x180  }
0x366: {  	s0 =	sadd.s32 $0xFFFFB180, s0;
	s11 =	sshll.u32 s2, $0x5  }
0x367: {  	s26 =	simm.s32 $0x9;
	s24 =	sshll.u32 s0, $0x2;
	s1 =	sand.u32 $0x3FFFFFE0, s11  }
0x368: {  	p2 =	sgt.s32 s0, $0x17F;
	s25 =	ssub.s32 $0x600, s24;
	_ =	swait.ge [sflag:s26], s1  }
0x369: {  	s1 =	ssub.s32 $0x0, s1;
	[sflag:s26] =	ssyncset.done $0x0;
	s0 =	sshrl.u32 s25, $0x2  }
0x36a: {  	[sflag:s26] =	ssyncadd.s32 s1;
	s0 =	simm.s32 @p2 $0x0  }
0x36b: {  	_ =	swait.ge [sflag:s12], s0  }
0x36c: {  	s0 =	ssub.s32 $0x0, s0;
	[sflag:s12] =	ssyncset.done $0x0  }
0x36d: {  	[sflag:s12] =	ssyncadd.s32 s0  }
0x36e: {  	v1 =	vld [tilespmem:$0x6088];
	_ =	sdelay $0x4  }
0x36f: {  	(v2sf) =	vpush v1, $0x0  }
0x370: {  	(v2sf) =	vpush v1, $0x1  }
0x371: {  	(v2sf) =	vpush v1, $0x2;
	_ =	sdelay $0x3  }
0x372: {  	s0 =	sadd.s32 $0x180, s23  }
0x373: {  	s1 =	ssub.s32 $0xA000, s23;
	p2 =	slt.s32 s9, s0  }
0x374: {  	s0 =	smov.u32 @p2 s9;
	p2 =	sgt.s32 s1, $0x0  }
0x375: {  	s28 =	ssub.s32 s0, s23;
	s1 =	simm.s32 @!p2 $0x0  }
0x376: {  	p2 =	slt.s32 s1, s28  }
0x377: {  	s28 =	smov.u32 @p2 s1  }
0x378: {  	s26 =	simm.s32 $0x1;
	p2 =	slt.s32 s28, $0x1  }
.Ltmp9:
0x379: {  	s26 =	simm.s32 @!p1 $0x0;
	(pc) =	sbr.rel @p2 .LBB2_12-.Ltmp9, $4  }
0x37a: {  	s30 =	smul.u32 $0x600, s26  }
0x37b: {  	s0 =	spop (v2sf)  }
0x37c: {  	s31 =	sshrl.u32 s30, $0x2;
	s29 =	spop (v2sf)  }
0x37d: {  	s24 =	sadd.s32 $0x6948, s31;
	s23 =	spop (v2sf)  }
0x37e: {  	s1 =	smin.u32 s28, $0x10  }
0x37f: {  	v1 =	vmov s1  }
0x380: {  	p3 =	sgt.s32 s28, $0x10;
	vm1 =	vgt.u32 v1, v0  }
.Ltmp10:
0x381: {  	_ = 	snop;
	(pc) =	sbr.rel @!p3 .LBB2_11-.Ltmp10, $2  }
0x382: {  	_ =	sdelay $0x2  }
0x383: {  	s2 =	simm.s32 $0x10;
	s25 =	sadd.s32 $0xFFFFFFF0, s28;
	s1 =	smov.u32 s24;
	vm0 =	vmmov vm1  }
.LBB2_10:
0x384: {  	s5 =	smin.u32 s25, $0x10;
	s2 =	sadd.s32 $0x10, s2;
	v1 =	vld.msk [tilespmem:s1+$0x0 ss:$0x1], vm1  }
0x385: {  	v2 =	vmov s5;
	p3 =	slt.s32 s2, s28  }
0x386: {  	vm1 =	vgt.u32 v2, v0  }
.Ltmp11:
0x387: {  	(pc) =	sbr.rel @p3 .LBB2_10-.Ltmp11, $3  }
0x388: {  	_ =	sdelay $0x1  }
0x389: {  	v1 =	vshll.u32 v1, $0x4  }
0x38a: {  	s25 =	sadd.s32 $0xFFFFFFF0, s25;
	[tilespmem:s1+$0x0] =	vst.msk vm0, v1;
	s1 =	sadd.s32 $0x10, s1;
	vm0 =	vmmov vm1  }
.LBB2_11:
0x38b: {  	_ =	sdelay $0x4  }
0x38c: {  	v1 =	vld.msk [tilespmem:s1+$0x0 ss:$0x1], vm1;
	_ =	sdelay $0x4  }
0x38d: {  	v1 =	vshll.u32 v1, $0x4  }
0x38e: {  	[tilespmem:s1+$0x0] =	vst.msk vm0, v1  }
.LBB2_12:
0x38f: {  	s1 =	sand.u32 $0x1, s22  }
0x390: {  	s1 =	smul.u32 $0x180, s1  }
0x391: {  	p3 =	sne.s32 s29, $0xFFFFFFFF  }
0x392: {  	v1 =	vld.msk @!p3 [tilespmem:s1+$0x6948], $0x1;
	_ =	sdelay $0x4  }
0x393: {  	(v2sf) =	vpush @!p3 v1, $0x0;
	_ =	sdelay $0xc  }
.Ltmp12:
0x394: {  	_ = 	snop;
	(pc) =	sbr.rel @p2 .LBB2_23-.Ltmp12, $4  }
0x395: {  	_ = 	snop  }
0x396: {  	s30 =	spop @!p3 (v2sf)  }
0x397: {  	s23 =	simm.s32 @!p3 $0x0;
	s25 =	smov.u32 s30  }
0x398: {  	[sflag:s19] =	ssyncpa.u1 $0x0;
	s30 =	smov.u32 @p3 s0;
	s25 =	smov.u32 @p3 s29  }
0x399: {  	v1 =	vld.msk [tilespmem:s24+$0x0], $0x1;
	_ =	sdelay $0x4  }
0x39a: {  	(v2sf) =	vpush v1, $0x0;
	_ =	sdelay $0xe  }
0x39b: {  	s0 =	smul.u32 $0x30000, s26;
	s1 =	spop (v2sf)  }
0x39c: {  	s28 =	ssub.s32 $0x0, s28;
	p2 =	seq.s32 s30, s1  }
0x39d: {  	s31 =	sadd.s32 $0x1, s28;
	s0 =	sshrl.u32 s0, $0x2;
	p3 =	sgt.s32 @!p2 s30, $0x0  }
0x39e: {  	s26 =	sadd.s32 $0x6C58, s0;
	s0 =	smov.u32 s30;
	p3 =	por !p3, p2  }
0x39f: {  	s0 =	simm.s32 @p3 $0x0;
	p3 =	seq.s32 s31, $0x0  }
.Ltmp13:
0x3a0: {  	_ = 	snop;
	(pc) =	sbr.rel @p3 .LBB2_15-.Ltmp13, $4  }
0x3a1: {  	_ = 	snop  }
0x3a2: {  	s29 =	simm.s32 $0x0;
	s2 =	simm.s32 @!p2 $0x1;
	s0 =	smin.u32 @!p2 s0, $0x270FC  }
0x3a3: {  	s6 =	simm.s32 @!p2 $0x3068;
	s2 =	smov.u32 @p2 s29;
	s10 =	sand.u32 @!p2 $0x3FFF8, s0  }
0x3a4: {  	s5 =	sand.u32 @!p2 $0x7, s0;
	s0 =	sadd.s32 $0x1, s24;
	s10 =	sadd.s32 @!p2 s4, s10  }
.LBB2_14:
0x3a5: {  	s11 =	smov.u32 s2  }
0x3a6: {  	[tilespmem:s6], [sflag:$0x2] =	stream.linear.gather @!p2 [hbm4b:s10+s5], $0x20, $0x38;
	[tilespmem:$0x1EC48] =	vst v63  }
0x3a7: {  	s31 =	sadd.s32 $0x1, s31;
	s5 =	smov.u32 s1;
	v1 =	vld.msk [tilespmem:s0+$0x0], $0x1  }
0x3a8: {  	p3 =	seq.s32 s31, $0x0;
	_ =	sdelay $0x3  }
0x3a9: {  	(v2sf) =	vpush v1, $0x0;
	_ =	sdelay $0xe  }
0x3aa: {  	s1 =	spop (v2sf)  }
0x3ab: {  	p2 =	seq.s32 s5, s1  }
0x3ac: {  	p4 =	sgt.s32 @!p2 s5, $0x0;
	s6 =	sshll.u32 @!p2 s2, $0x7;
	s2 =	sadd.s32 @!p2 $0x1, s2  }
.Ltmp14:
0x3ad: {  	p4 =	por !p4, p2;
	s6 =	sshra.s32 @!p2 s6, $0x2;
	(pc) =	sbr.rel @!p3 .LBB2_14-.Ltmp14, $4  }
0x3ae: {  	s2 =	smov.u32 @p2 s11;
	s5 =	simm.s32 @p4 $0x0;
	s6 =	sadd.s32 @!p2 $0x3068, s6  }
0x3af: {  	s5 =	smin.u32 @!p2 s5, $0x270FC  }
0x3b0: {  	s10 =	sand.u32 @!p2 $0x3FFF8, s5;
	s5 =	sand.u32 @!p2 $0x7, s5  }
0x3b1: {  	s0 =	sadd.s32 $0x1, s0;
	s10 =	sadd.s32 @!p2 s4, s10  }
.LBB2_15:
0x3b2: {  	[tilespmem:s6], [sflag:$0x2] =	stream.linear.gather @!p2 [hbm4b:s10+s5], $0x20, $0x38;
	[tilespmem:$0x1EC48] =	vst v63  }
.Ltmp15:
0x3b3: {  	s0 =	sshll.u32 s2, $0x5;
	(pc) =	sbr.rel .LBB2_16-.Ltmp15, $4  }
0x3b4: {  	s1 =	simm.s32 $0x2;
	s0 =	sand.u32 $0x3FFFFFE0, s0  }
0x3b5: {  	_ =	swait.ge [sflag:s1], s0  }
0x3b6: {  	s0 =	ssub.s32 $0x0, s0;
	[sflag:s1] =	ssyncset.done $0x0  }
0x3b7: {  	[sflag:s1] =	ssyncadd.s32 s0;
	s0 =	simm.s32 $0x0  }
.LBB2_17:
0x3b8: {  	v1 =	vld [tilespmem:s26+$0xFFFFFFF0];
	_ =	sdelay $0x4  }
0x3b9: {  	[tilespmem:s1+$0x48] =	vst.add.f32.msk $0xffff, v1  }
0x3ba: {  	v1 =	vld [tilespmem:s26+$0x0];
	_ =	sdelay $0x4  }
0x3bb: {  	[tilespmem:s1+$0x58] =	vst.add.f32.msk $0xffff, v1  }
.LBB2_21:
0x3bc: {  	s28 =	sadd.s32 $0x1, s28  }
0x3bd: {  	p2 =	seq.s32 s28, $0x0  }
.Ltmp16:
0x3be: {  	_ = 	snop;
	(pc) =	sbr.rel @p2 .LBB2_22-.Ltmp16, $2  }
0x3bf: {  	_ =	sdelay $0x2  }
0x3c0: {  	s26 =	sadd.s32 $0x80, s26;
	s24 =	sadd.s32 $0x1, s24;
	s30 =	smov.u32 s31  }
.LBB2_16:
0x3c1: {  	v1 =	vld.msk [tilespmem:s24+$0x0], $0x1;
	_ =	sdelay $0x4  }
0x3c2: {  	(v2sf) =	vpush v1, $0x0;
	_ =	sdelay $0xe  }
0x3c3: {  	s31 =	spop (v2sf)  }
0x3c4: {  	p2 =	sne.s32 s30, s31  }
.Ltmp17:
0x3c5: {  	_ = 	snop;
	(pc) =	sbr.rel @!p2 .LBB2_17-.Ltmp17, $3  }
0x3c6: {  	_ =	sdelay $0x1  }
0x3c7: {  	s1 =	sshll.u32 s23, $0x7  }
0x3c8: {  	s1 =	sshra.s32 s1, $0x2  }
0x3c9: {  	p2 =	seq.s32 s30, s25  }
.Ltmp18:
0x3ca: {  	_ = 	snop;
	(pc) =	sbr.rel @!p2 .LBB2_19-.Ltmp18, $1  }
0x3cb: {  	_ =	sdelay $0x3  }
.Ltmp19:
0x3cc: {  	s1 =	sadd.s32 $0x48, s1;
	(pc) =	sbr.rel .LBB2_20-.Ltmp19, $4  }
0x3cd: {  	[spmem:s16] =	stream.linear.scatter [tilespmem:s1], [sflag:$0x1], $0x20, $0x38;
	[tilespmem:$0x1EC48] =	vst v63  }
0x3ce: {  	_ =	swait.ge [sflag:s3], $0x20  }
0x3cf: {  	[sflag:s3] =	ssyncset.done $0x0  }
0x3d0: {  	[sflag:s3] =	ssyncadd.s32 $0xFFFFFFE0  }
.LBB2_19:
0x3d1: {  	s2 =	sshll.u32 s29, $0x7  }
0x3d2: {  	s2 =	sshra.s32 s2, $0x2  }
0x3d3: {  	v1 =	vld [tilespmem:s2+$0x3068];
	_ =	sdelay $0x4  }
0x3d4: {  	[tilespmem:s1+$0x48] =	vst.add.f32.msk $0xffff, v1  }
0x3d5: {  	v1 =	vld [tilespmem:s2+$0x3078];
	_ =	sdelay $0x2  }
0x3d6: {  	p2 =	sgt.u32 s30, $0x270FC  }
0x3d7: {  	s2 =	sand.u32 @!p2 $0x3FFF8, s30  }
0x3d8: {  	s5 =	sadd.s32 $0x48, s1;
	[tilespmem:s1+$0x58] =	vst.add.f32.msk $0xffff, v1;
	s1 =	sadd.s32 @!p2 s4, s2;
	s2 =	sand.u32 @!p2 $0x7, s30  }
0x3d9: {  	[hbm4b:s1+s2] =	stream.linear.scatter @!p2 [tilespmem:s5], [sflag:$0xC], $0x20, $0x38;
	[tilespmem:$0x1EC48] =	vst v63  }
0x3da: {  	s1 =	simm.s32 $0x0  }
0x3db: {  	s1 =	simm.s32 @!p2 $0x80  }
0x3dc: {  	s0 =	sadd.s32 s1, s0  }
.LBB2_20:
0x3dd: {  	s1 =	sadd.s32 $0x1, s23  }
0x3de: {  	s2 =	smulhi.u32 $0xAAAAAAAB, s1;
	_ =	sdelay $0x1  }
0x3df: {  	v1 =	vld [tilespmem:s26+$0xFFFFFFF0];
	s2 =	sshrl.u32 s2, $0x8  }
0x3e0: {  	s2 =	smul.u32 $0x180, s2;
	_ =	sdelay $0x1  }
0x3e1: {  	s23 =	ssub.s32 s1, s2  }
0x3e2: {  	s1 =	sshll.u32 s23, $0x5  }
0x3e3: {  	[tilespmem:s1+$0x48] =	vst v1  }
0x3e4: {  	v1 =	vld [tilespmem:s26+$0x0]  }
.Ltmp20:
0x3e5: {  	_ = 	snop;
	(pc) =	sbr.rel .LBB2_21-.Ltmp20, $2  }
0x3e6: {  	_ =	sdelay $0x2  }
0x3e7: {  	s29 =	sadd.s32 $0x1, s29;
	[tilespmem:s1+$0x58] =	vst v1  }
.LBB2_23:
.Ltmp21:
0x3e8: {  	(pc) =	sbr.rel .LBB2_24-.Ltmp21, $4  }
0x3e9: {  	_ = 	snop  }
0x3ea: {  	s0 =	simm.s32 $0x2  }
0x3eb: {  	_ =	swait.ge [sflag:s0], $0x0  }
0x3ec: {  	s31 =	smov.u32 s30;
	[sflag:s0] =	ssyncset.done $0x0;
	s0 =	simm.s32 $0x0  }
.LBB2_26:
0x3ed: {  	_ =	sfence.sel $0x180000  }
0x3ee: {  	s0 =	simm.s32 $0x9;
	[bflag:$0x0] =	sbarrier.arrive $0xFFFF  }
0x3ef: {  	s24 =	simm.s32 $0xA;
	[sflag:s0] =	ssyncpa.u1 $0x1  }
0x3f0: {  	s25 =	simm.s32 $0xB;
	[sflag:s24] =	ssyncpa.u1 $0x1  }
0x3f1: {  	s26 =	simm.s32 $0x2;
	[sflag:s25] =	ssyncpa.u1 $0x1  }
0x3f2: {  	[sflag:s26] =	ssyncpa.u1 $0x1  }
0x3f3: {  	v0 =	vld [tilespmem:$0x6088];
	_ =	sdelay $0x4  }
0x3f4: {  	(v2sf) =	vpush v0, $0x0  }
0x3f5: {  	(v2sf) =	vpush v0, $0x1;
	_ =	sdelay $0x1  }
0x3f6: {  	(v2sf) =	vpush v0, $0x2;
	_ =	sdelay $0xb  }
0x3f7: {  	s0 =	spop (v2sf)  }
0x3f8: {  	s1 =	spop (v2sf)  }
0x3f9: {  	s2 =	smov.u32 s0;
	p0 =	sne.s32 s0, s1  }
0x3fa: {  	s3 =	spop (v2sf);
	s2 =	simm.s32 @!p0 $0xFFFFFFFF  }
0x3fb: {  	v2 =	vimm.s32 $0x1;
	v3 =	vlaneseq.u32;
	p0 =	seq.s32 s3, $0xFFFFFFFF;
	v1 =	vmov s2  }
0x3fc: {  	s14 =	stileid.u32;
	v0 =	vperm.xlane v0, v2;
	p1 =	sne.s32 @!p0 s0, s1;
	v1 =	vperm.xlane v1, v3  }
0x3fd: {  	vm0 =	vcmask $0x3F04;
	s6 =	simm.s32 $0x6088;
	s0 =	simm.s32 @!p0 $0x1;
	p1 =	por !p1, p0  }
0x3fe: {  	s2 =	sshll.u32 s14, $0x1;
	s1 =	sshll.u32 @!p0 s3, $0x7;
	s0 =	simm.s32 @p1 $0x0;
	v0 =	vsel vm0, v1, v0  }
0x3ff: {  	s5 =	sor.u32 $0x400, s2;
	s1 =	sshra.s32 @!p0 s1, $0x2;
	s0 =	sor.u32 @!p0 s0, s2;
	[tilespmem:$0x6088] =	vst v0  }
0x400: {  	[spmem:s5] =	stream.linear.scatter [tilespmem:s6], [sflag:$0x1], $0x2, $0x38;
	[tilespmem:$0x1EC48] =	vst v63  }
0x401: {  	s1 =	sadd.s32 @!p0 $0x48, s1;
	s0 =	sshll.u32 @!p0 s0, $0x5  }
0x402: {  	[spmem:s0] =	stream.linear.scatter @!p0 [tilespmem:s1], [sflag:$0x1], $0x20, $0x38;
	[tilespmem:$0x1EC48] =	vst v63  }
0x403: {  	s0 =	simm.s32 @!p0 $0x22  }
0x404: {  	s28 =	simm.s32 $0x1;
	s0 =	simm.s32 @p0 $0x2  }
0x405: {  	_ =	swait.ge [sflag:s28], s0  }
0x406: {  	s0 =	ssub.s32 $0x0, s0;
	[sflag:s28] =	ssyncset.done $0x0  }
0x407: {  	p0 =	sne.s32 s14, $0x0;
	[sflag:s28] =	ssyncadd.s32 s0  }
.Ltmp22:
0x408: {  	_ =	sfence.stream.spmem;
	(pc) =	sbr.rel @p0 .LBB2_43-.Ltmp22, $4  }
0x409: {  	s29 =	simm.s32 $0x3;
	[bflag:$0x0] =	sbarrier.arrive $0xFFFF  }
0x40a: {  	s30 =	simm.s32 $0x4;
	[sflag:s29] =	ssyncpa.u1 $0x1  }
0x40b: {  	s31 =	simm.s32 $0x3C;
	[sflag:s30] =	ssyncpa.u1 $0x1  }
0x40c: {  	s15 =	rddreg [dreg:$0x4];
	[sflag:s31] =	ssyncpa.u1 $0x1  }
0x40d: {  	_ =	sfence.stream.spmem;
	s0 =	simm.s32 $0x5  }
0x40e: {  	s1 =	simm.s32 $0x400;
	s2 =	simm.s32 $0x6098;
	[sflag:s0] =	ssyncpa.u1 $0x0  }
0x40f: {  	[tilespmem:s2], [sflag:$0x5] =	stream.linear.gather [spmem:s1], $0x20, $0x38;
	[tilespmem:$0x1EC48] =	vst v63  }
0x410: {  	s26 =	simm.s32 $0x0;
	s28 =	simm.s32 $0x60B8  }
0x411: {  	[tilespmem:s28], [sflag:$0x5] =	stream.linear.gather [spmem:s26], $0x400, $0x38;
	[tilespmem:$0x1EC48] =	vst v63  }
0x412: {  	_ =	swait.ge [sflag:s0], $0x420  }
0x413: {  	[sflag:s0] =	ssyncset.done $0x0  }
0x414: {  	s29 =	simm.s32 $0x0;
	[sflag:s0] =	ssyncadd.s32 $0xFFFFFBE0  }
0x415: {  	v0 =	vld.msk [tilespmem:s29+$0x6098], $0x1;
	_ =	sdelay $0x1  }
0x416: {  	s30 =	simm.s32 $0x1  }
0x417: {  	v1 =	vld.msk [tilespmem:s30+$0x6098], $0x1;
	_ =	sdelay $0x1  }
0x418: {  	(v2sf) =	vpush v0, $0x0;
	_ =	sdelay $0x2  }
0x419: {  	(v2sf) =	vpush v1, $0x0;
	_ =	sdelay $0x2  }
0x41a: {  	s31 =	simm.s32 $0x2  }
0x41b: {  	v0 =	vld.msk [tilespmem:s31+$0x6098], $0x1;
	_ =	sdelay $0x2  }
0x41c: {  	s1 =	simm.s32 $0xFFFFFFFF;
	s2 =	simm.s32 $0xFFFFFFFF;
	s0 =	simm.s32 $0xC  }
.LBB2_28:
0x41d: {  	s3 =	smov.u32 s2;
	s5 =	smov.u32 s1  }
0x41e: {  	s1 =	sshra.s32 s0, $0x2;
	p1 =	sne.s32 s0, $0x7C;
	s0 =	sadd.s32 $0x4, s0;
	(v2sf) =	vpush v0, $0x0  }
0x41f: {  	v0 =	vld.msk [tilespmem:s1+$0x6098], $0x1  }
.Ltmp23:
0x420: {  	(pc) =	sbr.rel @p1 .LBB2_28-.Ltmp23, $4  }
0x421: {  	s2 =	spop (v2sf)  }
0x422: {  	p2 =	sne.s32 s5, $0xFFFFFFFF;
	s1 =	smov.u32 s2  }
0x423: {  	p3 =	seq.s32 s2, $0xFFFFFFFF;
	s1 =	smov.u32 @p2 s5  }
0x424: {  	s2 =	smov.u32 @p3 s3;
	s1 =	smov.u32 @p3 s5  }
0x425: {  	(v2sf) =	vpush v0, $0x0;
	_ =	sdelay $0x8  }
0x426: {  	s0 =	spop (v2sf)  }
0x427: {  	p1 =	sne.s32 s1, $0xFFFFFFFF;
	s3 =	smov.u32 s0  }
0x428: {  	s9 =	simm.s32 $0x6;
	p2 =	seq.s32 s0, $0xFFFFFFFF;
	s3 =	smov.u32 @p1 s1  }
0x429: {  	s10 =	simm.s32 $0x6068;
	s3 =	smov.u32 @p2 s1;
	s1 =	spop (v2sf)  }
0x42a: {  	s0 =	smov.u32 @p2 s2;
	p1 =	sne.s32 s3, $0xFFFFFFFF;
	s5 =	smov.u32 s1  }
.Ltmp24:
0x42b: {  	p2 =	seq.s32 s1, $0xFFFFFFFF;
	s5 =	smov.u32 @p1 s3;
	(pc) =	sbr.rel .LBB2_30-.Ltmp24, $4  }
0x42c: {  	s11 =	simm.s32 $0x0;
	s5 =	smov.u32 @p2 s3;
	s7 =	spop (v2sf)  }
0x42d: {  	[sflag:s9] =	ssyncpa.u1 $0x0;
	p1 =	sne.s32 s5, $0xFFFFFFFF;
	s8 =	smov.u32 s7  }
0x42e: {  	s1 =	smov.u32 @p2 s0;
	p2 =	seq.s32 s7, $0xFFFFFFFF;
	s8 =	smov.u32 @p1 s5  }
0x42f: {  	s3 =	simm.s32 $0x0;
	s7 =	smov.u32 @p2 s1;
	s8 =	smov.u32 @p2 s5  }
.LBB2_36:
0x430: {  	p1 =	sgt.u32 s12, $0x270FC  }
0x431: {  	p2 =	seq.s32 @!p1 s12, s8  }
0x432: {  	p1 =	por p1, p2  }
0x433: {  	p2 =	sne.s32 @!p1 s12, s7  }
0x434: {  	p1 =	por p1, !p2  }
0x435: {  	s0 =	sshll.u32 @p1 s11, $0x7  }
0x436: {  	s0 =	sand.u32 @!p1 $0x3FFF8, s12  }
0x437: {  	s1 =	sand.u32 @!p1 $0x7, s12;
	s0 =	sadd.s32 @!p1 s4, s0  }
0x438: {  	[tilespmem:s10], [sflag:$0x6] =	stream.linear.gather @!p1 [hbm4b:s0+s1], $0x20, $0x38;
	[tilespmem:$0x1EC48] =	vst v63  }
0x439: {  	_ =	swait.ge @!p1 [sflag:s9], $0x20  }
0x43a: {  	[sflag:s9] =	ssyncset.done @!p1 $0x0  }
0x43b: {  	[sflag:s9] =	ssyncadd.s32 @!p1 $0xFFFFFFE0  }
0x43c: {  	v1 =	vld @!p1 [tilespmem:$0x6068];
	_ =	sdelay $0x2  }
0x43d: {  	s0 =	sshll.u32 @!p1 s11, $0x7  }
0x43e: {  	s1 =	sshrl.u32 @!p1 s0, $0x2  }
0x43f: {  	[tilespmem:s1+$0x60B8] =	vst.add.f32.msk @!p1 $0xffff, v1  }
0x440: {  	v1 =	vld @!p1 [tilespmem:$0x6078];
	_ =	sdelay $0x4  }
0x441: {  	[tilespmem:s1+$0x60C8] =	vst.add.f32.msk @!p1 $0xffff, v1  }
0x442: {  	s0 =	sshrl.u32 s0, $0x2;
	[tilespmem:s3+$0x6098] =	vst.msk $0x1, v0  }
0x443: {  	v0 =	vld [tilespmem:s0+$0x60B8];
	_ =	sdelay $0x2  }
0x444: {  	s31 =	sshll.u32 s3, $0x7  }
0x445: {  	s1 =	sshra.s32 s31, $0x2  }
0x446: {  	[tilespmem:s1+$0x60B8] =	vst v0  }
0x447: {  	v0 =	vld [tilespmem:s0+$0x60C8];
	_ =	sdelay $0x4  }
0x448: {  	s3 =	sadd.s32 $0x1, s3;
	[tilespmem:s1+$0x60C8] =	vst v0  }
.LBB2_37:
0x449: {  	s11 =	sadd.s32 $0x1, s11  }
0x44a: {  	p1 =	sne.s32 s11, $0x20  }
.Ltmp25:
0x44b: {  	_ = 	snop;
	(pc) =	sbr.rel @!p1 .LBB2_38-.Ltmp25, $1  }
0x44c: {  	_ =	sdelay $0x3  }
.LBB2_30:
0x44d: {  	v0 =	vld.msk [tilespmem:s11+$0x6098], $0x1;
	_ =	sdelay $0x4  }
0x44e: {  	(v2sf) =	vpush v0, $0x0;
	_ =	sdelay $0xe  }
0x44f: {  	s12 =	spop (v2sf)  }
0x450: {  	p1 =	seq.s32 s12, $0xFFFFFFFF  }
.Ltmp26:
0x451: {  	_ = 	snop;
	(pc) =	sbr.rel @p1 .LBB2_37-.Ltmp26, $1  }
0x452: {  	_ =	sdelay $0x3  }
0x453: {  	p1 =	slt.s32 s3, $0x1  }
.Ltmp27:
0x454: {  	_ = 	snop;
	(pc) =	sbr.rel @p1 .LBB2_36-.Ltmp27, $1  }
0x455: {  	_ =	sdelay $0x3  }
0x456: {  	s0 =	simm.s32 $0x6098;
	p1 =	por $0x0, $0x0  }
0x457: {  	v1 =	vld.msk @!p1 [tilespmem:s0+$0x0], $0x1;
	_ =	sdelay $0x4  }
0x458: {  	(v2sf) =	vpush @!p1 v1, $0x0;
	_ =	sdelay $0xd  }
0x459: {  	p3 =	sne.s32 s3, $0x1  }
.Ltmp28:
0x45a: {  	s1 =	spop @!p1 (v2sf);
	(pc) =	sbr.rel @!p3 .LBB2_34-.Ltmp28, $4  }
0x45b: {  	p2 =	seq.s32 @!p1 s12, s1  }
0x45c: {  	s13 =	simm.s32 $0x0;
	p2 =	por !p2, p1  }
0x45d: {  	s2 =	simm.s32 $0xFFFFFFFF;
	s13 =	simm.s32 @p2 $0xFFFFFFFF  }
0x45e: {  	s1 =	simm.s32 $0x1;
	s13 =	smov.u32 @p1 s2  }
.LBB2_33:
0x45f: {  	s2 =	smov.u32 s13;
	p1 =	sne.s32 s13, $0xFFFFFFFF  }
0x460: {  	s0 =	sadd.s32 $0x1, s0;
	s13 =	smov.u32 s1;
	s1 =	sadd.s32 $0x1, s1  }
0x461: {  	p2 =	sne.s32 s3, s1;
	v1 =	vld.msk @!p1 [tilespmem:s0+$0x0], $0x1;
	_ =	sdelay $0x4  }
0x462: {  	(v2sf) =	vpush @!p1 v1, $0x0;
	_ =	sdelay $0xe  }
.Ltmp29:
0x463: {  	s5 =	spop @!p1 (v2sf);
	(pc) =	sbr.rel @p2 .LBB2_33-.Ltmp29, $4  }
0x464: {  	p3 =	seq.s32 @!p1 s12, s5  }
0x465: {  	p3 =	por !p3, p1  }
0x466: {  	s13 =	simm.s32 @p3 $0xFFFFFFFF  }
0x467: {  	s13 =	smov.u32 @p1 s2  }
.LBB2_34:
0x468: {  	p1 =	seq.s32 s13, $0xFFFFFFFF  }
.Ltmp30:
0x469: {  	_ = 	snop;
	(pc) =	sbr.rel @p1 .LBB2_36-.Ltmp30, $1  }
0x46a: {  	_ =	sdelay $0x3  }
0x46b: {  	s0 =	sshll.u32 s11, $0x5  }
0x46c: {  	s0 =	sand.u32 $0x3FFFFFE0, s0  }
0x46d: {  	v0 =	vld [tilespmem:s0+$0x60B8];
	_ =	sdelay $0x2  }
0x46e: {  	s1 =	sshll.u32 s13, $0x7  }
0x46f: {  	s1 =	sshra.s32 s1, $0x2  }
0x470: {  	[tilespmem:s1+$0x60B8] =	vst.add.f32.msk $0xffff, v0  }
0x471: {  	v0 =	vld [tilespmem:s0+$0x60C8]  }
.Ltmp31:
0x472: {  	_ = 	snop;
	(pc) =	sbr.rel .LBB2_37-.Ltmp31, $2  }
0x473: {  	_ =	sdelay $0x2  }
0x474: {  	[tilespmem:s1+$0x60C8] =	vst.add.f32.msk $0xffff, v0  }
.LBB2_38:
0x475: {  	s0 =	simm.s32 $0x6;
	p1 =	seq.s32 s3, $0x0  }
0x476: {  	[sflag:s0] =	ssyncpa.u1 $0x1;
	v0 =	vimm.s32 @p1 $0xFFFFFFFF  }
0x477: {  	s9 =	sadd.s32 $0xFFFFFFFF, s3;
	[tilespmem:$0x64B8] =	vst @p1 v0  }
0x478: {  	v0 =	vld.msk @!p1 [tilespmem:s9+$0x6098], $0x1;
	_ =	sdelay $0x1  }
0x479: {  	v1 =	vld.msk @!p1 [tilespmem:$0x6098], $0x1;
	_ =	sdelay $0x2  }
0x47a: {  	p2 =	seq.s32 @!p1 s9, $0x0;
	v0 =	vbroadcast @!p1 v0, $0x0  }
0x47b: {  	vm0 =	vmmov @!p1 $0x1;
	p2 =	por !p2, p1  }
0x47c: {  	v1 =	vnsel @!p1 vm0, $0xFFFFFFFF, v1;
	vm0 =	vcmask @!p1 $0x308;
	v0 =	vpsel !p2, $0xFFFFFFFF, v0  }
0x47d: {  	p2 =	sne.s32 @!p1 s8, s7;
	v0 =	vsel @!p1 vm0, v1, v0  }
0x47e: {  	s0 =	simm.s32 @!p1 $0x60B8;
	s1 =	simm.s32 @!p1 $0x0;
	p3 =	por !p2, p1;
	[tilespmem:$0x64B8] =	vst @!p1 v0  }
0x47f: {  	[spmem:s1] =	stream.linear.scatter @!p1 [tilespmem:s0], [sflag:$0x1], $0x20, $0x38;
	[tilespmem:$0x1EC48] =	vst v63  }
0x480: {  	s0 =	sshll.u32 @!p3 s9, $0x7  }
0x481: {  	s0 =	sshra.s32 @!p3 s0, $0x2  }
0x482: {  	s1 =	simm.s32 @!p3 $0x20;
	s0 =	sadd.s32 @!p3 $0x60B8, s0  }
0x483: {  	[spmem:s1] =	stream.linear.scatter @!p3 [tilespmem:s0], [sflag:$0x1], $0x20, $0x38;
	[tilespmem:$0x1EC48] =	vst v63  }
0x484: {  	s0 =	simm.s32 @!p3 $0x1  }
0x485: {  	_ =	swait.ge @!p3 [sflag:s0], $0x40  }
0x486: {  	p1 =	por p2, p1;
	[sflag:s0] =	ssyncset.done @!p3 $0x0  }
0x487: {  	[sflag:s0] =	ssyncadd.s32 @!p3 $0xFFFFFFC0;
	s0 =	simm.s32 @!p1 $0x1  }
0x488: {  	_ =	swait.ge @!p1 [sflag:s0], $0x20  }
0x489: {  	s29 =	simm.s32 $0x64B8;
	[sflag:s0] =	ssyncset.done @!p1 $0x0  }
0x48a: {  	s30 =	simm.s32 $0x400;
	s31 =	simm.s32 $0x1;
	[sflag:s0] =	ssyncadd.s32 @!p1 $0xFFFFFFE0  }
0x48b: {  	[spmem:s30] =	stream.linear.scatter [tilespmem:s29], [sflag:$0x1], $0x10, $0x38;
	[tilespmem:$0x1EC48] =	vst v63  }
0x48c: {  	_ =	swait.ge [sflag:s31], $0x10  }
0x48d: {  	[sflag:s31] =	ssyncset.done $0x0  }
0x48e: {  	p1 =	seq.s32 s15, $0x0;
	s8 =	rddreg [dreg:$0x1];
	[sflag:s31] =	ssyncadd.s32 $0xFFFFFFF0  }
0x48f: {  	s1 =	sshll.u32 @p1 s8, $0xE;
	s7 =	rddreg [dreg:$0x2]  }
0x490: {  	s0 =	sadd.s32 @p1 $0x15C3C, s1;
	s1 =	sshll.u32 @p1 s7, $0x11  }
0x491: {  	_ =	sfence.stream.spmem;
	s0 =	sor.u32 @p1 s1, s0  }
0x492: {  	[sflag:s0] =	ssyncadd.remote.s32 @p1 $0x1;
	s0 =	simm.s32 @p1 $0x4  }
0x493: {  	s2 =	simm.s32 @!p1 $0x3C;
	s1 =	sand.u32 $0xFFFFFFFE, s8;
	_ =	swait.ge @p1 [sflag:s0], $0xA  }
0x494: {  	s5 =	simm.s32 @!p1 $0x0;
	s1 =	sadd.s32 @!p1 $0x4, s1;
	[sflag:s0] =	ssyncset.done @p1 $0x0  }
0x495: {  	s6 =	simm.s32 @!p1 $0x40;
	[sflag:s0] =	ssyncadd.s32 @p1 $0xFFFFFFF6;
	s0 =	sshll.u32 @!p1 s1, $0x1A  }
0x496: {  	s1 =	sshll.u32 @!p1 s1, $0xD;
	s0 =	sor.u32 @!p1 s0, s7;
	_ =	swait.eq @!p1 [sflag:s2], $0x1  }
0x497: {  	s1 =	sor.u32 @!p1 $0x1C04, s1;
	s2 =	simm.s32 @!p1 $0x1C03;
	s0 =	sor.u32 @!p1 $0x80004000, s0  }
0x498: {  	[spmem:s6], [sflag:s1] =	dma.general @!p1 [spmem:s5], [sflag:s2], length:$0x8, [dreg:$0x0], stride_count:$0x0, ici_dest:s0, dma_misc:DstOpCode:WRITE  }
0x499: {  	p2 =	slt.s32 s9, $0x2;
	s5 =	simm.s32 @!p1 $0x80;
	s6 =	simm.s32 @!p1 $0x82  }
0x49a: {  	[spmem:s6], [sflag:s1] =	dma.general @!p1 [spmem:s5], [sflag:s2], length:$0x2, [dreg:$0x0], stride_count:$0x0, ici_dest:s0, dma_misc:DstOpCode:WRITE  }
.Ltmp32:
0x49b: {  	s0 =	simm.s32 @!p1 $0x3;
	(pc) =	sbr.rel @p2 .LBB2_42-.Ltmp32, $4  }
0x49c: {  	s1 =	sshll.u32 @!p1 s8, $0xE;
	_ =	swait.ge @!p1 [sflag:s0], $0xA  }
0x49d: {  	s2 =	sshll.u32 @!p1 s7, $0x11;
	s1 =	sadd.s32 @!p1 $0x11C3C, s1;
	[sflag:s0] =	ssyncset.done @!p1 $0x0  }
0x49e: {  	[sflag:s0] =	ssyncadd.s32 @!p1 $0xFFFFFFF6;
	s0 =	sor.u32 @!p1 s2, s1  }
0x49f: {  	[sflag:s0] =	ssyncadd.remote.s32 @!p1 $0xFFFFFFFF;
	s0 =	simm.s32 $0x0  }
0x4a0: {  	s0 =	simm.s32 $0x6099  }
0x4a1: {  	v0 =	vld.msk [tilespmem:s0+$0x0], $0x1;
	_ =	sdelay $0x4  }
0x4a2: {  	(v2sf) =	vpush v0, $0x0;
	_ =	sdelay $0xc  }
0x4a3: {  	s1 =	sadd.s32 $0xFFFFFFFE, s3  }
0x4a4: {  	s1 =	sadd.s32 $0xFFFFFFFF, s1  }
0x4a5: {  	p2 =	sne.s32 s1, $0x0;
	s2 =	spop (v2sf)  }
.Ltmp33:
0x4a6: {  	p1 =	sgt.u32 s2, $0x270FC;
	(pc) =	sbr.rel @!p2 .LBB2_41-.Ltmp33, $4  }
0x4a7: {  	s6 =	simm.s32 $0x0;
	s3 =	sand.u32 @!p1 $0x3FFF8, s2  }
0x4a8: {  	s0 =	simm.s32 $0x60D8;
	s2 =	sand.u32 @!p1 $0x7, s2;
	s3 =	sadd.s32 @!p1 s4, s3  }
0x4a9: {  	[hbm4b:s3+s2] =	stream.linear.scatter @!p1 [tilespmem:s0], [sflag:$0x5], $0x20, $0x38;
	[tilespmem:$0x1EC48] =	vst v63  }
0x4aa: {  	s6 =	simm.s32 @!p1 $0x80;
	s2 =	simm.s32 $0x0;
	s3 =	simm.s32 $0x609A  }
.LBB2_40:
0x4ab: {  	v0 =	vld.msk [tilespmem:s3+$0x0], $0x1;
	s1 =	sadd.s32 $0xFFFFFFFF, s1;
	s2 =	sadd.s32 s2, s6  }
0x4ac: {  	p1 =	sne.s32 s1, $0x0;
	_ =	sdelay $0x3  }
0x4ad: {  	(v2sf) =	vpush v0, $0x0;
	_ =	sdelay $0xe  }
.Ltmp34:
0x4ae: {  	s5 =	spop (v2sf);
	(pc) =	sbr.rel @p1 .LBB2_40-.Ltmp34, $4  }
0x4af: {  	s6 =	simm.s32 $0x0;
	p2 =	sgt.u32 s5, $0x270FC  }
0x4b0: {  	s0 =	sadd.s32 $0x20, s0;
	s6 =	simm.s32 @!p2 $0x80;
	s7 =	sand.u32 @!p2 $0x3FFF8, s5  }
0x4b1: {  	s3 =	sadd.s32 $0x1, s3;
	s5 =	sand.u32 @!p2 $0x7, s5;
	s7 =	sadd.s32 @!p2 s4, s7  }
0x4b2: {  	[hbm4b:s7+s5] =	stream.linear.scatter @!p2 [tilespmem:s0], [sflag:$0x5], $0x20, $0x38;
	[tilespmem:$0x1EC48] =	vst v63  }
.LBB2_41:
0x4b3: {  	s0 =	sadd.s32 s2, s6  }
0x4b4: {  	s0 =	sshrl.u32 s0, $0x2  }
.LBB2_42:
0x4b5: {  	s1 =	simm.s32 $0x5  }
0x4b6: {  	_ =	swait.ge [sflag:s1], s0  }
0x4b7: {  	s31 =	ssub.s32 $0x0, s0;
	[sflag:s1] =	ssyncset.done $0x0  }
0x4b8: {  	[sflag:s1] =	ssyncadd.s32 s31  }
0x4b9: {  	[sflag:s1] =	ssyncpa.u1 $0x1  }
.LBB2_43:
0x4ba: {  	s0 =	sor.u32 s15, s14  }
0x4bb: {  	p1 =	sne.s32 s0, $0x0  }
.Ltmp35:
0x4bc: {  	_ = 	snop;
	(pc) =	sbr.rel @p1 .LBB2_58-.Ltmp35, $3  }
0x4bd: {  	_ =	sdelay $0x1  }
0x4be: {  	[bflag:$0x0] =	sbarrier.arrive $0xFFFF  }
0x4bf: {  	_ =	sfence  }
0x4c0: {  	s0 =	simm.s32 $0x7  }
0x4c1: {  	s1 =	simm.s32 $0x400;
	s2 =	simm.s32 $0x6098;
	[sflag:s0] =	ssyncpa.u1 $0x0  }
0x4c2: {  	[tilespmem:s2], [sflag:$0x7] =	stream.linear.gather [spmem:s1], $0x20, $0x38;
	[tilespmem:$0x1EC48] =	vst v63  }
0x4c3: {  	s30 =	simm.s32 $0x60B8;
	s1 =	simm.s32 $0x0  }
0x4c4: {  	[tilespmem:s30], [sflag:$0x7] =	stream.linear.gather [spmem:s1], $0x400, $0x38;
	[tilespmem:$0x1EC48] =	vst v63  }
.Ltmp36:
0x4c5: {  	_ = 	snop;
	(pc) =	sbr.rel .LBB2_45-.Ltmp36, $4  }
0x4c6: {  	_ =	swait.ge [sflag:s0], $0x420  }
0x4c7: {  	[sflag:s0] =	ssyncset.done $0x0  }
0x4c8: {  	s31 =	simm.s32 $0x8;
	[sflag:s0] =	ssyncadd.s32 $0xFFFFFBE0  }
0x4c9: {  	s2 =	simm.s32 $0x0;
	[sflag:s31] =	ssyncpa.u1 $0x0  }
.LBB2_51:
0x4ca: {  	p1 =	slt.u32 s3, $0x270FD  }
0x4cb: {  	s0 =	sand.u32 @p1 $0x3FFF8, s3  }
0x4cc: {  	s3 =	sand.u32 @p1 $0x7, s3;
	s5 =	simm.s32 @p1 $0x6068;
	s0 =	sadd.s32 @p1 s4, s0  }
0x4cd: {  	[tilespmem:s5], [sflag:$0x8] =	stream.linear.gather @p1 [hbm4b:s0+s3], $0x20, $0x38;
	[tilespmem:$0x1EC48] =	vst v63  }
0x4ce: {  	s0 =	simm.s32 @p1 $0x8  }
0x4cf: {  	_ =	swait.ge @p1 [sflag:s0], $0x20  }
0x4d0: {  	[sflag:s0] =	ssyncset.done @p1 $0x0  }
0x4d1: {  	[sflag:s0] =	ssyncadd.s32 @p1 $0xFFFFFFE0  }
0x4d2: {  	v1 =	vld @p1 [tilespmem:$0x6068];
	_ =	sdelay $0x2  }
0x4d3: {  	s0 =	sshll.u32 @p1 s2, $0x7  }
0x4d4: {  	s3 =	sshrl.u32 @p1 s0, $0x2  }
0x4d5: {  	[tilespmem:s3+$0x60B8] =	vst.add.f32.msk @p1 $0xffff, v1  }
0x4d6: {  	v1 =	vld @p1 [tilespmem:$0x6078];
	_ =	sdelay $0x3  }
0x4d7: {  	s5 =	sshll.u32 @!p1 s2, $0x7  }
0x4d8: {  	s5 =	smov.u32 @p1 s0;
	[tilespmem:s3+$0x60C8] =	vst.add.f32.msk @p1 $0xffff, v1  }
0x4d9: {  	s0 =	sshrl.u32 s5, $0x2;
	[tilespmem:s1+$0x6098] =	vst.msk $0x1, v0  }
0x4da: {  	v0 =	vld [tilespmem:s0+$0x60B8];
	_ =	sdelay $0x2  }
0x4db: {  	s31 =	sshll.u32 s1, $0x7  }
0x4dc: {  	s3 =	sshra.s32 s31, $0x2  }
0x4dd: {  	[tilespmem:s3+$0x60B8] =	vst v0  }
0x4de: {  	v0 =	vld [tilespmem:s0+$0x60C8];
	_ =	sdelay $0x4  }
0x4df: {  	s1 =	sadd.s32 $0x1, s1;
	[tilespmem:s3+$0x60C8] =	vst v0  }
.LBB2_52:
0x4e0: {  	s2 =	sadd.s32 $0x1, s2  }
0x4e1: {  	p1 =	sne.s32 s2, $0x20  }
.Ltmp37:
0x4e2: {  	_ = 	snop;
	(pc) =	sbr.rel @!p1 .LBB2_53-.Ltmp37, $1  }
0x4e3: {  	_ =	sdelay $0x3  }
.LBB2_45:
0x4e4: {  	v0 =	vld.msk [tilespmem:s2+$0x6098], $0x1;
	_ =	sdelay $0x4  }
0x4e5: {  	(v2sf) =	vpush v0, $0x0;
	_ =	sdelay $0xe  }
0x4e6: {  	s3 =	spop (v2sf)  }
0x4e7: {  	p1 =	seq.s32 s3, $0xFFFFFFFF  }
.Ltmp38:
0x4e8: {  	_ = 	snop;
	(pc) =	sbr.rel @p1 .LBB2_52-.Ltmp38, $1  }
0x4e9: {  	_ =	sdelay $0x3  }
0x4ea: {  	p1 =	slt.s32 s1, $0x1  }
.Ltmp39:
0x4eb: {  	_ = 	snop;
	(pc) =	sbr.rel @p1 .LBB2_51-.Ltmp39, $1  }
0x4ec: {  	_ =	sdelay $0x3  }
0x4ed: {  	s0 =	simm.s32 $0x6098;
	p1 =	por $0x0, $0x0  }
0x4ee: {  	v1 =	vld.msk @!p1 [tilespmem:s0+$0x0], $0x1;
	_ =	sdelay $0x4  }
0x4ef: {  	(v2sf) =	vpush @!p1 v1, $0x0;
	_ =	sdelay $0xd  }
0x4f0: {  	p3 =	sne.s32 s1, $0x1  }
.Ltmp40:
0x4f1: {  	s5 =	spop @!p1 (v2sf);
	(pc) =	sbr.rel @!p3 .LBB2_49-.Ltmp40, $4  }
0x4f2: {  	p2 =	seq.s32 @!p1 s3, s5  }
0x4f3: {  	s5 =	simm.s32 $0x0;
	p2 =	por !p2, p1  }
0x4f4: {  	s7 =	simm.s32 $0xFFFFFFFF;
	s5 =	simm.s32 @p2 $0xFFFFFFFF  }
0x4f5: {  	s6 =	simm.s32 $0x1;
	s5 =	smov.u32 @p1 s7  }
.LBB2_48:
0x4f6: {  	s7 =	smov.u32 s5;
	p1 =	sne.s32 s5, $0xFFFFFFFF  }
0x4f7: {  	s0 =	sadd.s32 $0x1, s0;
	s5 =	smov.u32 s6;
	s6 =	sadd.s32 $0x1, s6  }
0x4f8: {  	p2 =	sne.s32 s1, s6;
	v1 =	vld.msk @!p1 [tilespmem:s0+$0x0], $0x1;
	_ =	sdelay $0x4  }
0x4f9: {  	(v2sf) =	vpush @!p1 v1, $0x0;
	_ =	sdelay $0xe  }
.Ltmp41:
0x4fa: {  	s8 =	spop @!p1 (v2sf);
	(pc) =	sbr.rel @p2 .LBB2_48-.Ltmp41, $4  }
0x4fb: {  	p3 =	seq.s32 @!p1 s3, s8  }
0x4fc: {  	p3 =	por !p3, p1  }
0x4fd: {  	s5 =	simm.s32 @p3 $0xFFFFFFFF  }
0x4fe: {  	s5 =	smov.u32 @p1 s7  }
.LBB2_49:
0x4ff: {  	p1 =	seq.s32 s5, $0xFFFFFFFF  }
.Ltmp42:
0x500: {  	_ = 	snop;
	(pc) =	sbr.rel @p1 .LBB2_51-.Ltmp42, $1  }
0x501: {  	_ =	sdelay $0x3  }
0x502: {  	s0 =	sshll.u32 s2, $0x5  }
0x503: {  	s0 =	sand.u32 $0x3FFFFFE0, s0  }
0x504: {  	v0 =	vld [tilespmem:s0+$0x60B8];
	_ =	sdelay $0x2  }
0x505: {  	s3 =	sshll.u32 s5, $0x7  }
0x506: {  	s3 =	sshra.s32 s3, $0x2  }
0x507: {  	[tilespmem:s3+$0x60B8] =	vst.add.f32.msk $0xffff, v0  }
0x508: {  	v0 =	vld [tilespmem:s0+$0x60C8]  }
.Ltmp43:
0x509: {  	_ = 	snop;
	(pc) =	sbr.rel .LBB2_52-.Ltmp43, $2  }
0x50a: {  	_ =	sdelay $0x2  }
0x50b: {  	[tilespmem:s3+$0x60C8] =	vst.add.f32.msk $0xffff, v0  }
.LBB2_53:
0x50c: {  	p1 =	slt.s32 s1, $0x1  }
.Ltmp44:
0x50d: {  	_ = 	snop;
	(pc) =	sbr.rel @p1 .LBB2_57-.Ltmp44, $3  }
0x50e: {  	_ =	sdelay $0x1  }
0x50f: {  	s0 =	simm.s32 $0x8  }
0x510: {  	s2 =	simm.s32 $0x0;
	[sflag:s0] =	ssyncpa.u1 $0x1  }
0x511: {  	s0 =	simm.s32 $0x6098  }
0x512: {  	v0 =	vld.msk [tilespmem:s0+$0x0], $0x1;
	_ =	sdelay $0x4  }
0x513: {  	(v2sf) =	vpush v0, $0x0;
	_ =	sdelay $0xe  }
0x514: {  	s1 =	sadd.s32 $0xFFFFFFFF, s1;
	s3 =	spop (v2sf)  }
0x515: {  	p2 =	sne.s32 s1, $0x0;
	p1 =	sgt.u32 s3, $0x270FC  }
.Ltmp45:
0x516: {  	s5 =	sand.u32 @!p1 $0x3FFF8, s3;
	(pc) =	sbr.rel @!p2 .LBB2_56-.Ltmp45, $4  }
0x517: {  	s0 =	simm.s32 $0x60B8;
	s3 =	sand.u32 @!p1 $0x7, s3;
	s5 =	sadd.s32 @!p1 s4, s5  }
0x518: {  	[hbm4b:s5+s3] =	stream.linear.scatter @!p1 [tilespmem:s0], [sflag:$0x7], $0x20, $0x38;
	[tilespmem:$0x1EC48] =	vst v63  }
0x519: {  	s5 =	simm.s32 $0x0  }
0x51a: {  	s3 =	simm.s32 $0x6099;
	s5 =	simm.s32 @!p1 $0x80  }
.LBB2_55:
0x51b: {  	v0 =	vld.msk [tilespmem:s3+$0x0], $0x1;
	s1 =	sadd.s32 $0xFFFFFFFF, s1;
	s2 =	sadd.s32 s2, s5  }
0x51c: {  	p1 =	sne.s32 s1, $0x0;
	_ =	sdelay $0x3  }
0x51d: {  	(v2sf) =	vpush v0, $0x0;
	_ =	sdelay $0xe  }
.Ltmp46:
0x51e: {  	s6 =	spop (v2sf);
	(pc) =	sbr.rel @p1 .LBB2_55-.Ltmp46, $4  }
0x51f: {  	s5 =	simm.s32 $0x0;
	p2 =	sgt.u32 s6, $0x270FC  }
0x520: {  	s0 =	sadd.s32 $0x20, s0;
	s5 =	simm.s32 @!p2 $0x80;
	s7 =	sand.u32 @!p2 $0x3FFF8, s6  }
0x521: {  	s3 =	sadd.s32 $0x1, s3;
	s6 =	sand.u32 @!p2 $0x7, s6;
	s7 =	sadd.s32 @!p2 s4, s7  }
0x522: {  	[hbm4b:s7+s6] =	stream.linear.scatter @!p2 [tilespmem:s0], [sflag:$0x7], $0x20, $0x38;
	[tilespmem:$0x1EC48] =	vst v63  }
.LBB2_56:
0x523: {  	s0 =	sadd.s32 s2, s5  }
0x524: {  	s2 =	sshrl.u32 s0, $0x2  }
.LBB2_57:
0x525: {  	s0 =	simm.s32 $0x7  }
0x526: {  	_ =	swait.ge [sflag:s0], s2  }
0x527: {  	s1 =	ssub.s32 $0x0, s2;
	[sflag:s0] =	ssyncset.done $0x0  }
0x528: {  	[sflag:s0] =	ssyncadd.s32 s1  }
0x529: {  	[sflag:s0] =	ssyncpa.u1 $0x1  }
.LBB2_58:
0x52a: {  	_ =	sfence;
	s0 =	simm.s32 $0x1  }
0x52b: {  	[sflag:s0] =	ssyncpa.u1 $0x1  }
0x52c: {  	_ =	strace $0x9000004A  }
0x52d: {  	[bflag:$0x2] =	sbarrier.arrive $0xFFFF  }
0x52e: {  	s0 =	rddreg [dreg:$0x3]  }
0x52f: {  	s0 =	sadd.s32 @!p0 $0x100000, s0  }
0x530: {  	[sflag:s0] =	ssyncadd.tile.s32 @!p0 $0x1;
	_ =	shalt  }
.Lfunc_end2:
_tile_overlayer_lowered:
.L_overlay_start_2:
0x531: {  	(tag) =	ssettag $0x2  }
0x532: {  	s0 =	rddreg [dreg:$0x0];
	s2 =	stileid.u32  }
0x533: {  	s1 =	rddreg [dreg:$0x1];
	p0 =	sne.s32 s2, $0x0  }
0x534: {  	s3 =	rddreg [dreg:$0x2];
	[bflag:$0x3] =	sbarrier.arrive $0xFFFF;
	s2 =	simm.s32 @!p0 $0x1C01  }
0x535: {  	[timem:s3], [sflag:s2] =	dma.local @!p0 [hbm:s0], s1  }
0x536: {  	s0 =	simm.s32 @!p0 $0x1  }
0x537: {  	_ =	swait.ge @!p0 [sflag:s0], s1  }
0x538: {  	s1 =	ssub.s32 @!p0 $0x0, s1;
	[sflag:s0] =	ssyncset.done @!p0 $0x0  }
0x539: {  	[sflag:s0] =	ssyncadd.s32 @!p0 s1  }
0x53a: {  	[bflag:$0x3] =	sbarrier.arrive $0xFFFF  }
0x53b: {  	_ =	shalt  }

</sc_bundles>
